<compile_context>
chip_gen: v7x
topology: tpu7x:2x2x1
jax: 0.10.2.dev20260603
libtpu: 0.0.44.dev20260713+nightly
codegen_flags: <defaults>
</compile_context>

<pallas_src>
import functools

import jax
import jax.numpy as jnp
from jax import lax
from jax.experimental import pallas as pl
from jax.experimental.pallas import tpu as pltpu
from jax.experimental.pallas import tpu_sc as plsc

N = 10000
NP = 10240
E = 320000
D_IN = 128
D_HID = 256
D_OUT = 128

NC = 2
NS = 16
CH = 128
EP = 327680
RT1 = EP // NS // CH
RT2 = EP // (NC * NS) // CH
IB = 8
SLICE = NP // NS
BLK = 1024
GRID = NP // BLK
DW = 128

_f32 = jnp.float32


def _mesh():
    return plsc.VectorSubcoreMesh(core_axis_name="c", subcore_axis_name="s")


def _make_deg():

    @functools.partial(
        pl.kernel,
        out_type=jax.ShapeDtypeStruct((NC * NP, DW), _f32),
        mesh=_mesh(),
        scratch_types=[
            pltpu.VMEM((IB, CH), jnp.int32),
            pltpu.VMEM((CH, DW), _f32),
            pltpu.VMEM_SHARED((NP, DW), _f32),
        ],
    )
    def deg_kernel(dst_hbm, ones_hbm, zeros_hbm, out_hbm, dst_v, ones_v, accum):
        c = lax.axis_index("c")
        s = lax.axis_index("s")
        w = c * NS + s
        pltpu.sync_copy(ones_hbm, ones_v)
        pltpu.sync_copy(zeros_hbm, accum.at[pl.ds(s * SLICE, SLICE)])
        plsc.subcore_barrier()

        def body(b, carry):
            pltpu.sync_copy(dst_hbm.at[w, pl.ds(b * IB, IB)], dst_v)
            for r in range(IB):
                pltpu.sync_copy(ones_v, accum.at[dst_v.at[r]], add=True)
            return carry

        lax.fori_loop(0, RT2 // IB, body, 0)
        plsc.subcore_barrier()
        pltpu.sync_copy(
            accum.at[pl.ds(s * SLICE, SLICE)],
            out_hbm.at[pl.ds(c * NP + s * SLICE, SLICE)],
        )

    return deg_kernel


def _make_agg(chunks, src_cstride, dst_cstride):

    nb = chunks // IB

    @functools.partial(
        pl.kernel,
        out_type=jax.ShapeDtypeStruct((NC * NP, D_OUT), _f32),
        mesh=_mesh(),
        scratch_types=[
            pltpu.VMEM((IB, CH), jnp.int32),
            pltpu.VMEM((IB, CH), jnp.int32),
            pltpu.VMEM((IB, CH), jnp.int32),
            pltpu.VMEM((IB, CH), jnp.int32),
            pltpu.VMEM((CH, D_OUT), _f32),
            pltpu.VMEM((CH, D_OUT), _f32),
            pltpu.VMEM_SHARED((NP, D_OUT), _f32),
            pltpu.SemaphoreType.DMA,
            pltpu.SemaphoreType.DMA,
            pltpu.SemaphoreType.DMA,
            pltpu.SemaphoreType.DMA,
            pltpu.SemaphoreType.DMA,
            pltpu.SemaphoreType.DMA,
        ],
    )
    def agg_kernel(table_hbm, src_hbm, dst_hbm, zeros_hbm, out_hbm,
                   src0, src1, dst0, dst1, rows0, rows1, accum,
                   sem0, sem1, semi0, semi1, sems0, sems1):
        c = lax.axis_index("c")
        s = lax.axis_index("s")
        gs = c * src_cstride + s
        gd = c * dst_cstride + s
        srcs = (src0, src1)
        dsts = (dst0, dst1)
        rows = (rows0, rows1)
        sems = (sem0, sem1)
        semis = (semi0, semi1)
        semss = (sems0, sems1)

        pltpu.sync_copy(zeros_hbm, accum.at[pl.ds(s * SLICE, SLICE)])
        plsc.subcore_barrier()

        def stage(b, sl):
            pltpu.async_copy(src_hbm.at[gs, pl.ds(b * IB, IB)], srcs[sl], semis[sl])
            pltpu.async_copy(dst_hbm.at[gd, pl.ds(b * IB, IB)], dsts[sl], semis[sl])

        def stage_wait(b, sl):
            pltpu.make_async_copy(src_hbm.at[gs, pl.ds(b * IB, IB)], srcs[sl],
                                  semis[sl]).wait()
            pltpu.make_async_copy(dst_hbm.at[gd, pl.ds(b * IB, IB)], dsts[sl],
                                  semis[sl]).wait()

        def gissue(sl, r, p):
            pltpu.async_copy(table_hbm.at[srcs[sl].at[r]], rows[p], sems[p])

        def gwait(sl, r, p):
            pltpu.make_async_copy(table_hbm.at[srcs[sl].at[r]], rows[p],
                                  sems[p]).wait()

        def sissue(sl, r, p):
            pltpu.async_copy(rows[p], accum.at[dsts[sl].at[r]], semss[p],
                             add=True)

        def swait(sl, r, p):
            pltpu.make_async_copy(rows[p], accum.at[dsts[sl].at[r]],
                                  semss[p]).wait()

        stage(0, 0)
        stage_wait(0, 0)
        gissue(0, 0, 0)

        def pair(b2, carry):
            for half in range(2):
                b = b2 * 2 + half
                sl = half
                nsl = 1 - half
                if half == 0:
                    @pl.when(b2 > 0)
                    def _():
                        swait(nsl, IB - 1, 1)
                    stage(b + 1, nsl)
                else:
                    swait(nsl, IB - 1, 1)

                    @pl.when(b2 < nb // 2 - 1)
                    def _():
                        stage(b + 1, nsl)
                for r in range(IB):
                    p = r % 2
                    gwait(sl, r, p)
                    if r > 0:
                        swait(sl, r - 1, 1 - p)
                    if r < IB - 1:
                        gissue(sl, r + 1, 1 - p)
                    elif half == 0:
                        stage_wait(b + 1, nsl)
                        gissue(nsl, 0, 1 - p)
                    else:
                        @pl.when(b2 < nb // 2 - 1)
                        def _():
                            stage_wait(b + 1, nsl)
                            gissue(nsl, 0, 1 - p)
                    sissue(sl, r, p)
            return carry

        lax.fori_loop(0, nb // 2, pair, 0)
        swait(1, IB - 1, 1)
        plsc.subcore_barrier()
        pltpu.sync_copy(
            accum.at[pl.ds(s * SLICE, SLICE)],
            out_hbm.at[pl.ds(c * NP + s * SLICE, SLICE)],
        )

    return agg_kernel


def _tc1_body(deg_ref, x_ref, w1_ref, h_ref, dinv_ref):
    deg = deg_ref[0, :, 0:1] + deg_ref[1, :, 0:1]
    d = lax.rsqrt(deg + 1.0)
    h = jnp.dot(x_ref[...], w1_ref[...], preferred_element_type=_f32)
    hs = h * d
    h_ref[0] = hs[:, :D_OUT]
    h_ref[1] = hs[:, D_OUT:]
    dinv_ref[...] = d


def _tc2_body(a_ref, agg_ref, h1_ref, dinv_ref, b1_ref, w2_ref, h2_ref):
    av = a_ref[0, 0]
    d = dinv_ref[...]
    t0 = d * (agg_ref[0] + h1_ref[0]) + b1_ref[:, :D_OUT]
    t1 = d * (agg_ref[1] + h1_ref[1]) + b1_ref[:, D_OUT:]
    p0 = jnp.where(t0 >= 0, t0, av * t0)
    p1 = jnp.where(t1 >= 0, t1, av * t1)
    h2 = jnp.dot(p0, w2_ref[:D_OUT, :], preferred_element_type=_f32)
    h2 = h2 + jnp.dot(p1, w2_ref[D_OUT:, :], preferred_element_type=_f32)
    h2_ref[...] = h2 * d


def _tc3_body(a_ref, aggp_ref, h2_ref, dinv_ref, b2_ref,
              f1w_ref, f1b_ref, f2w_ref, f2b_ref, out_ref, proj_ref):
    av = a_ref[0, 0]
    d = dinv_ref[...]
    g = d * (aggp_ref[0] + aggp_ref[1] + h2_ref[...]) + b2_ref[...]
    out = jnp.where(g >= 0, g, av * g)
    out_ref[...] = out
    pr = jnp.dot(out, f1w_ref[...], preferred_element_type=_f32) + f1b_ref[...]
    pr = jnp.maximum(pr, 0.0)
    proj_ref[...] = jnp.dot(pr, f2w_ref[...], preferred_element_type=_f32) + f2b_ref[...]


def _full2(shape):
    return pl.BlockSpec(shape, lambda i: (0, 0))


_SMEM_SPEC = pl.BlockSpec(memory_space=pltpu.SMEM)


def _tc1(degr3, x_pad, W1):
    return pl.pallas_call(
        _tc1_body,
        grid=(GRID,),
        in_specs=[
            pl.BlockSpec((2, BLK, DW), lambda i: (0, i, 0)),
            pl.BlockSpec((BLK, D_IN), lambda i: (i, 0)),
            _full2((D_IN, D_HID)),
        ],
        out_specs=[
            pl.BlockSpec((2, BLK, D_OUT), lambda i: (0, i, 0)),
            pl.BlockSpec((BLK, 1), lambda i: (i, 0)),
        ],
        out_shape=[
            jax.ShapeDtypeStruct((NC, NP, D_OUT), _f32),
            jax.ShapeDtypeStruct((NP, 1), _f32),
        ],
    )(degr3, x_pad, W1)


def _tc2(a2d, agg3, h1_3, dinv, b1_2d, W2):
    return pl.pallas_call(
        _tc2_body,
        grid=(GRID,),
        in_specs=[
            _SMEM_SPEC,
            pl.BlockSpec((2, BLK, D_OUT), lambda i: (0, i, 0)),
            pl.BlockSpec((2, BLK, D_OUT), lambda i: (0, i, 0)),
            pl.BlockSpec((BLK, 1), lambda i: (i, 0)),
            _full2((1, D_HID)),
            _full2((D_HID, D_OUT)),
        ],
        out_specs=pl.BlockSpec((BLK, D_OUT), lambda i: (i, 0)),
        out_shape=jax.ShapeDtypeStruct((NP, D_OUT), _f32),
    )(a2d, agg3, h1_3, dinv, b1_2d, W2)


def _tc3(a2d, agg3, h2, dinv, b2_2d, fc1_W, f1b2, fc2_W, f2b2):
    return pl.pallas_call(
        _tc3_body,
        grid=(GRID,),
        in_specs=[
            _SMEM_SPEC,
            pl.BlockSpec((2, BLK, D_OUT), lambda i: (0, i, 0)),
            pl.BlockSpec((BLK, D_OUT), lambda i: (i, 0)),
            pl.BlockSpec((BLK, 1), lambda i: (i, 0)),
            _full2((1, D_OUT)),
            _full2((D_OUT, D_OUT)),
            _full2((1, D_OUT)),
            _full2((D_OUT, D_OUT)),
            _full2((1, D_OUT)),
        ],
        out_specs=[
            pl.BlockSpec((BLK, D_OUT), lambda i: (i, 0)),
            pl.BlockSpec((BLK, D_OUT), lambda i: (i, 0)),
        ],
        out_shape=[
            jax.ShapeDtypeStruct((NP, D_OUT), _f32),
            jax.ShapeDtypeStruct((NP, D_OUT), _f32),
        ],
    )(a2d, agg3, h2, dinv, b2_2d, fc1_W, f1b2, fc2_W, f2b2)


_deg_call = _make_deg()
_agg1_call = _make_agg(chunks=RT1, src_cstride=NS, dst_cstride=0)
_agg2_call = _make_agg(chunks=RT2, src_cstride=NS, dst_cstride=NS)


def kernel(x, edge_index, W1, b1, W2, b2, a, fc1_W, fc1_b, fc2_W, fc2_b):
    pad = (N + jnp.arange(EP - E, dtype=jnp.int32) % (NP - N)).astype(jnp.int32)
    src = jnp.concatenate([edge_index[0].astype(jnp.int32), pad])
    dst = jnp.concatenate([edge_index[1].astype(jnp.int32), pad])
    src_l1 = jnp.concatenate([src, src + NP]).reshape(NC * NS, RT1, CH)
    dst_l1 = dst.reshape(NS, RT1, CH)
    src_l2 = src.reshape(NC * NS, RT2, CH)
    dst_l2 = dst.reshape(NC * NS, RT2, CH)

    x_pad = jnp.pad(x, ((0, NP - N), (0, 0)))
    zeros = jnp.zeros((SLICE, D_OUT), _f32)
    a2d = a.reshape(1, 1)
    b1_2d = b1.reshape(1, D_HID)
    b2_2d = b2.reshape(1, D_OUT)
    f1b2 = fc1_b.reshape(1, D_OUT)
    f2b2 = fc2_b.reshape(1, D_OUT)

    ones_r = jnp.ones((CH, DW), _f32)
    zeros_d = jnp.zeros((SLICE, DW), _f32)
    degr = _deg_call(dst_l2, ones_r, zeros_d)
    h1_3, dinv = _tc1(degr.reshape(NC, NP, DW), x_pad, W1)
    agg1 = _agg1_call(h1_3.reshape(NC * NP, D_OUT), src_l1, dst_l1, zeros)
    h2 = _tc2(a2d, agg1.reshape(NC, NP, D_OUT), h1_3, dinv, b1_2d, W2)
    agg2 = _agg2_call(h2, src_l2, dst_l2, zeros)
    out, proj = _tc3(a2d, agg2.reshape(NC, NP, D_OUT), h2, dinv, b2_2d,
                     fc1_W, f1b2, fc2_W, f2b2)
    return out[:N], proj[:N]

# --- scband reference (transcript-rebuilt; emitter-appended) ---
"""Pipeline reference for scband-my-model-17884243821103 (READ-ONLY COPY).

The authoritative reference and input builder live on the scoring server;
editing this copy changes nothing except your own understanding.
"""

import jax, jax.numpy as jnp
import numpy as np

N = 10000
E = 320000
D_IN = 128
D_OUT = 128
D_HID = 2 * D_OUT
D_PROJ = 128


def prelu(x, a):
    return jnp.where(x >= 0, x, a * x)


def gcn_conv(x, W, b, edge_index, num_nodes):
    # PyG GCNConv (normalize=True, add_self_loops=True):
    # h = x @ W; add self loops with weight 1; sym-normalize; scatter-add; + bias
    h = x @ W
    src = edge_index[0]
    dst = edge_index[1]
    loop = jnp.arange(num_nodes, dtype=src.dtype)
    src = jnp.concatenate([src, loop])
    dst = jnp.concatenate([dst, loop])
    w = jnp.ones(src.shape[0], dtype=x.dtype)
    deg = jnp.zeros(num_nodes, dtype=x.dtype).at[dst].add(w)
    deg_inv_sqrt = jnp.where(deg > 0, 1.0 / jnp.sqrt(deg), 0.0)
    norm = deg_inv_sqrt[src] * w * deg_inv_sqrt[dst]
    out = jnp.zeros_like(h).at[dst].add(norm[:, None] * h[src])
    return out + b


def setup_inputs(seed: int = 0) -> dict:
    key = jax.random.key(seed)
    ks = jax.random.split(key, 12)
    x = jax.random.normal(ks[0], (N, D_IN), dtype=jnp.float32)
    edge_index = jax.random.randint(ks[1], (2, E), 0, N)
    # learned params (weights stored [in, out] so forward uses x @ W)
    W1 = jax.random.normal(ks[2], (D_IN, D_HID), dtype=jnp.float32) / np.sqrt(D_IN)
    b1 = jnp.zeros((D_HID,), dtype=jnp.float32)
    W2 = jax.random.normal(ks[3], (D_HID, D_OUT), dtype=jnp.float32) / np.sqrt(D_HID)
    b2 = jnp.zeros((D_OUT,), dtype=jnp.float32)
    a = jnp.asarray(0.25, dtype=jnp.float32)  # shared PReLU parameter (num_parameters=1)
    fc1_W = jax.random.normal(ks[4], (D_OUT, D_PROJ), dtype=jnp.float32) / np.sqrt(D_OUT)
    fc1_b = jax.random.normal(ks[5], (D_PROJ,), dtype=jnp.float32) * 0.01
    fc2_W = jax.random.normal(ks[6], (D_PROJ, D_OUT), dtype=jnp.float32) / np.sqrt(D_PROJ)
    fc2_b = jax.random.normal(ks[7], (D_OUT,), dtype=jnp.float32) * 0.01
    return {"x": x, "edge_index": edge_index, "W1": W1, "b1": b1, "W2": W2, "b2": b2,
            "a": a, "fc1_W": fc1_W, "fc1_b": fc1_b, "fc2_W": fc2_W, "fc2_b": fc2_b}


def reference(x, edge_index, W1, b1, W2, b2, a, fc1_W, fc1_b, fc2_W, fc2_b):
    h = prelu(gcn_conv(x, W1, b1, edge_index, N), a)
    out = prelu(gcn_conv(h, W2, b2, edge_index, N), a)
    proj = jax.nn.relu(out @ fc1_W + fc1_b)
    proj = proj @ fc2_W + fc2_b
    return (out, proj)

if __name__ == "__main__":
    import jax
    _d = setup_inputs()
    print(jax.jit(kernel)(*tuple(_d.values())))

</pallas_src>

<mosaic_0001>
#map = affine_map<(d0, d1) -> (0, 0)>
#map1 = affine_map<(d0, d1) -> (0, 0, 0)>
module attributes {stable_mosaic.version = 14 : i64} {
  func.func @agg_kernel(%arg0: i32, %arg1: i32, %arg2: memref<10240x128xf32, #tpu.memory_space<hbm>>, %arg3: memref<32x80x128xi32, #tpu.memory_space<hbm>>, %arg4: memref<32x80x128xi32, #tpu.memory_space<hbm>>, %arg5: memref<640x128xf32, #tpu.memory_space<hbm>>, %arg6: memref<20480x128xf32, #tpu.memory_space<hbm>>, %arg7: memref<8x128xi32, #tpu.memory_space<vmem>>, %arg8: memref<8x128xi32, #tpu.memory_space<vmem>>, %arg9: memref<8x128xi32, #tpu.memory_space<vmem>>, %arg10: memref<8x128xi32, #tpu.memory_space<vmem>>, %arg11: memref<128x128xf32, #tpu.memory_space<vmem>>, %arg12: memref<128x128xf32, #tpu.memory_space<vmem>>, %arg13: memref<10240x128xf32, #tpu.memory_space<vmem_shared>>, %arg14: memref<!tpu.dma_semaphore, #tpu.memory_space<semaphore_mem>>, %arg15: memref<!tpu.dma_semaphore, #tpu.memory_space<semaphore_mem>>, %arg16: memref<!tpu.dma_semaphore, #tpu.memory_space<semaphore_mem>>, %arg17: memref<!tpu.dma_semaphore, #tpu.memory_space<semaphore_mem>>, %arg18: memref<!tpu.dma_semaphore, #tpu.memory_space<semaphore_mem>>, %arg19: memref<!tpu.dma_semaphore, #tpu.memory_space<semaphore_mem>>) attributes {dimension_semantics = [#tpu.dimension_semantics<core_parallel>, #tpu.dimension_semantics<subcore_parallel>], iteration_bounds = array<i64: 2, 16>, scalar_prefetch = 0 : i64, scratch_operands = 13 : i64, tpu.core_type = #tpu.core_type<sc_vector_subcore>, window_params = [{transform_indices = #map}, {transform_indices = #map1}, {transform_indices = #map1}, {transform_indices = #map}, {transform_indices = #map}]} {
    %mul3A = arith.constant 16 : i32
    %mul3A_0 = arith.muli %arg0, %mul3A : i32
    %add3A = arith.addi %mul3A_0, %arg1 : i32
    %mul3A_1 = arith.constant 16 : i32
    %mul3A_2 = arith.muli %arg0, %mul3A_1 : i32
    %add3A_3 = arith.addi %mul3A_2, %arg1 : i32
    %mul3A_4 = arith.constant 640 : i32
    %mul3A_5 = arith.muli %arg1, %mul3A_4 : i32
    "tpu.region"() ({
      %run_scoped3A = tpu.sem_alloc : memref<!tpu.dma_semaphore, #tpu.memory_space<semaphore_mem>>
      %dma_start3A_63 = arith.constant 0 : i32
      %dma_start3A_64 = tpu.memref_slice %arg13[%mul3A_5, %dma_start3A_63] : memref<10240x128xf32, #tpu.memory_space<vmem_shared>> -> memref<640x128xf32, #tpu.memory_space<vmem_shared>>
      tpu.enqueue_dma source(%arg5 : memref<640x128xf32, #tpu.memory_space<hbm>>) target(%dma_start3A_64 : memref<640x128xf32, #tpu.memory_space<vmem_shared>>) target_semaphore(%run_scoped3A : memref<!tpu.dma_semaphore, #tpu.memory_space<semaphore_mem>>)
      %dma_wait3A_65 = arith.constant 0 : i32
      %dma_wait3A_66 = tpu.memref_slice %arg13[%mul3A_5, %dma_wait3A_65] : memref<10240x128xf32, #tpu.memory_space<vmem_shared>> -> memref<640x128xf32, #tpu.memory_space<vmem_shared>>
      tpu.wait_dma2 semaphore(%run_scoped3A : memref<!tpu.dma_semaphore, #tpu.memory_space<semaphore_mem>>) src(%arg5 : memref<640x128xf32, #tpu.memory_space<hbm>>) dst(%dma_wait3A_66 : memref<640x128xf32, #tpu.memory_space<vmem_shared>>)
      tpu.yield
    }) : () -> ()
    %barrier3A = arith.constant 0 : index
    tpu.barrier barrier_id(%barrier3A)
    %dma_start3A = arith.constant 0 : i32
    %dma_start3A_6 = arith.constant 0 : i32
    %dma_start3A_7 = tpu.memref_slice %arg3[%add3A, %dma_start3A, %dma_start3A_6] : memref<32x80x128xi32, #tpu.memory_space<hbm>> -> memref<1x8x128xi32, #tpu.memory_space<hbm>>
    %dma_start3A_8 = tpu.memref_squeeze %dma_start3A_7 : memref<1x8x128xi32, #tpu.memory_space<hbm>> -> memref<8x128xi32, #tpu.memory_space<hbm>>
    %dma_start3A_9 = arith.constant 0 : i32
    %dma_start3A_10 = arith.constant 0 : i32
    %dma_start3A_11 = tpu.memref_slice %arg3[%add3A, %dma_start3A_9, %dma_start3A_10] : memref<32x80x128xi32, #tpu.memory_space<hbm>> -> memref<1x8x128xi32, #tpu.memory_space<hbm>>
    %dma_start3A_12 = tpu.memref_squeeze %dma_start3A_11 : memref<1x8x128xi32, #tpu.memory_space<hbm>> -> memref<8x128xi32, #tpu.memory_space<hbm>>
    tpu.enqueue_dma source(%dma_start3A_12 : memref<8x128xi32, #tpu.memory_space<hbm>>) target(%arg7 : memref<8x128xi32, #tpu.memory_space<vmem>>) target_semaphore(%arg16 : memref<!tpu.dma_semaphore, #tpu.memory_space<semaphore_mem>>)
    %dma_start3A_13 = arith.constant 0 : i32
    %dma_start3A_14 = arith.constant 0 : i32
    %dma_start3A_15 = tpu.memref_slice %arg4[%add3A_3, %dma_start3A_13, %dma_start3A_14] : memref<32x80x128xi32, #tpu.memory_space<hbm>> -> memref<1x8x128xi32, #tpu.memory_space<hbm>>
    %dma_start3A_16 = tpu.memref_squeeze %dma_start3A_15 : memref<1x8x128xi32, #tpu.memory_space<hbm>> -> memref<8x128xi32, #tpu.memory_space<hbm>>
    %dma_start3A_17 = arith.constant 0 : i32
    %dma_start3A_18 = arith.constant 0 : i32
    %dma_start3A_19 = tpu.memref_slice %arg4[%add3A_3, %dma_start3A_17, %dma_start3A_18] : memref<32x80x128xi32, #tpu.memory_space<hbm>> -> memref<1x8x128xi32, #tpu.memory_space<hbm>>
    %dma_start3A_20 = tpu.memref_squeeze %dma_start3A_19 : memref<1x8x128xi32, #tpu.memory_space<hbm>> -> memref<8x128xi32, #tpu.memory_space<hbm>>
    tpu.enqueue_dma source(%dma_start3A_20 : memref<8x128xi32, #tpu.memory_space<hbm>>) target(%arg9 : memref<8x128xi32, #tpu.memory_space<vmem>>) target_semaphore(%arg16 : memref<!tpu.dma_semaphore, #tpu.memory_space<semaphore_mem>>)
    %dma_wait3A = arith.constant 0 : i32
    %dma_wait3A_21 = arith.constant 0 : i32
    %dma_wait3A_22 = tpu.memref_slice %arg3[%add3A, %dma_wait3A, %dma_wait3A_21] : memref<32x80x128xi32, #tpu.memory_space<hbm>> -> memref<1x8x128xi32, #tpu.memory_space<hbm>>
    %dma_wait3A_23 = tpu.memref_squeeze %dma_wait3A_22 : memref<1x8x128xi32, #tpu.memory_space<hbm>> -> memref<8x128xi32, #tpu.memory_space<hbm>>
    %dma_wait3A_24 = arith.constant 0 : i32
    %dma_wait3A_25 = arith.constant 0 : i32
    %dma_wait3A_26 = tpu.memref_slice %arg3[%add3A, %dma_wait3A_24, %dma_wait3A_25] : memref<32x80x128xi32, #tpu.memory_space<hbm>> -> memref<1x8x128xi32, #tpu.memory_space<hbm>>
    %dma_wait3A_27 = tpu.memref_squeeze %dma_wait3A_26 : memref<1x8x128xi32, #tpu.memory_space<hbm>> -> memref<8x128xi32, #tpu.memory_space<hbm>>
    tpu.wait_dma2 semaphore(%arg16 : memref<!tpu.dma_semaphore, #tpu.memory_space<semaphore_mem>>) src(%dma_wait3A_27 : memref<8x128xi32, #tpu.memory_space<hbm>>) dst(%arg7 : memref<8x128xi32, #tpu.memory_space<vmem>>)
    %dma_wait3A_28 = arith.constant 0 : i32
    %dma_wait3A_29 = arith.constant 0 : i32
    %dma_wait3A_30 = tpu.memref_slice %arg4[%add3A_3, %dma_wait3A_28, %dma_wait3A_29] : memref<32x80x128xi32, #tpu.memory_space<hbm>> -> memref<1x8x128xi32, #tpu.memory_space<hbm>>
    %dma_wait3A_31 = tpu.memref_squeeze %dma_wait3A_30 : memref<1x8x128xi32, #tpu.memory_space<hbm>> -> memref<8x128xi32, #tpu.memory_space<hbm>>
    %dma_wait3A_32 = arith.constant 0 : i32
    %dma_wait3A_33 = arith.constant 0 : i32
    %dma_wait3A_34 = tpu.memref_slice %arg4[%add3A_3, %dma_wait3A_32, %dma_wait3A_33] : memref<32x80x128xi32, #tpu.memory_space<hbm>> -> memref<1x8x128xi32, #tpu.memory_space<hbm>>
    %dma_wait3A_35 = tpu.memref_squeeze %dma_wait3A_34 : memref<1x8x128xi32, #tpu.memory_space<hbm>> -> memref<8x128xi32, #tpu.memory_space<hbm>>
    tpu.wait_dma2 semaphore(%arg16 : memref<!tpu.dma_semaphore, #tpu.memory_space<semaphore_mem>>) src(%dma_wait3A_35 : memref<8x128xi32, #tpu.memory_space<hbm>>) dst(%arg9 : memref<8x128xi32, #tpu.memory_space<vmem>>)
    %dma_start3A_36 = arith.constant 0 : i32
    %dma_start3A_37 = arith.constant 0 : i32
    %dma_start3A_38 = tpu.memref_slice %arg7[%dma_start3A_36, %dma_start3A_37] : memref<8x128xi32, #tpu.memory_space<vmem>> -> memref<1x128xi32, #tpu.memory_space<vmem>>
    %dma_start3A_39 = tpu.memref_squeeze %dma_start3A_38 : memref<1x128xi32, #tpu.memory_space<vmem>> -> memref<128xi32, #tpu.memory_space<vmem>>
    %dma_start3A_40 = arith.constant 0 : i32
    %dma_start3A_41 = arith.constant 0 : i32
    %dma_start3A_42 = tpu.memref_slice %arg2[%dma_start3A_40, %dma_start3A_41] : memref<10240x128xf32, #tpu.memory_space<hbm>> -> memref<10240x128xf32, #tpu.memory_space<hbm>>
    tpu.enqueue_indirect_dma source(%dma_start3A_42 : memref<10240x128xf32, #tpu.memory_space<hbm>>) target(%arg11 : memref<128x128xf32, #tpu.memory_space<vmem>>) offsets(%dma_start3A_39 : memref<128xi32, #tpu.memory_space<vmem>>) semaphore(%arg14 : memref<!tpu.dma_semaphore, #tpu.memory_space<semaphore_mem>>)
    %scan3A = arith.constant 0 : i32
    %scan3A_43 = arith.constant 0 : i32
    %scan3A_44 = arith.constant 5 : i32
    %scan3A_45 = arith.addi %scan3A_43, %scan3A_44 : i32
    %scan3A_46 = arith.constant 1 : i32
    scf.for %scan3A_63 = %scan3A_43 to %scan3A_45 step %scan3A_46  : i32 {
      %mul3A_64 = arith.constant 2 : i32
      %mul3A_65 = arith.muli %scan3A_63, %mul3A_64 : i32
      %add3A_66 = arith.constant 0 : i32
      %add3A_67 = arith.addi %mul3A_65, %add3A_66 : i32
      %gt3A = arith.constant 0 : i32
      %gt3A_68 = arith.cmpi sgt, %scan3A_63, %gt3A : i32
      %convert_element_type3A = arith.extui %gt3A_68 : i1 to i32
      %cond3A = arith.constant 0 : i32
      %cond3A_69 = arith.cmpi ne, %convert_element_type3A, %cond3A : i32
      scf.if %cond3A_69 {
        %dma_wait3A_553 = arith.constant 7 : i32
        %dma_wait3A_554 = arith.constant 0 : i32
        %dma_wait3A_555 = tpu.memref_slice %arg10[%dma_wait3A_553, %dma_wait3A_554] : memref<8x128xi32, #tpu.memory_space<vmem>> -> memref<1x128xi32, #tpu.memory_space<vmem>>
        %dma_wait3A_556 = tpu.memref_squeeze %dma_wait3A_555 : memref<1x128xi32, #tpu.memory_space<vmem>> -> memref<128xi32, #tpu.memory_space<vmem>>
        %dma_wait3A_557 = arith.constant 0 : i32
        %dma_wait3A_558 = arith.constant 0 : i32
        %dma_wait3A_559 = tpu.memref_slice %arg13[%dma_wait3A_557, %dma_wait3A_558] : memref<10240x128xf32, #tpu.memory_space<vmem_shared>> -> memref<10240x128xf32, #tpu.memory_space<vmem_shared>>
        tpu.wait_indirect_dma semaphore(%arg19 : memref<!tpu.dma_semaphore, #tpu.memory_space<semaphore_mem>>) src(%arg12 : memref<128x128xf32, #tpu.memory_space<vmem>>) dst(%dma_wait3A_559 : memref<10240x128xf32, #tpu.memory_space<vmem_shared>>)
      } else {
      }
      %add3A_70 = arith.constant 1 : i32
      %add3A_71 = arith.addi %add3A_67, %add3A_70 : i32
      %mul3A_72 = arith.constant 8 : i32
      %mul3A_73 = arith.muli %add3A_71, %mul3A_72 : i32
      %dma_start3A_74 = arith.constant 0 : i32
      %dma_start3A_75 = tpu.memref_slice %arg3[%add3A, %mul3A_73, %dma_start3A_74] : memref<32x80x128xi32, #tpu.memory_space<hbm>> -> memref<1x8x128xi32, #tpu.memory_space<hbm>>
      %dma_start3A_76 = tpu.memref_squeeze %dma_start3A_75 : memref<1x8x128xi32, #tpu.memory_space<hbm>> -> memref<8x128xi32, #tpu.memory_space<hbm>>
      %dma_start3A_77 = arith.constant 0 : i32
      %dma_start3A_78 = tpu.memref_slice %arg3[%add3A, %mul3A_73, %dma_start3A_77] : memref<32x80x128xi32, #tpu.memory_space<hbm>> -> memref<1x8x128xi32, #tpu.memory_space<hbm>>
      %dma_start3A_79 = tpu.memref_squeeze %dma_start3A_78 : memref<1x8x128xi32, #tpu.memory_space<hbm>> -> memref<8x128xi32, #tpu.memory_space<hbm>>
      tpu.enqueue_dma source(%dma_start3A_79 : memref<8x128xi32, #tpu.memory_space<hbm>>) target(%arg8 : memref<8x128xi32, #tpu.memory_space<vmem>>) target_semaphore(%arg17 : memref<!tpu.dma_semaphore, #tpu.memory_space<semaphore_mem>>)
      %mul3A_80 = arith.constant 8 : i32
      %mul3A_81 = arith.muli %add3A_71, %mul3A_80 : i32
      %dma_start3A_82 = arith.constant 0 : i32
      %dma_start3A_83 = tpu.memref_slice %arg4[%add3A_3, %mul3A_81, %dma_start3A_82] : memref<32x80x128xi32, #tpu.memory_space<hbm>> -> memref<1x8x128xi32, #tpu.memory_space<hbm>>
      %dma_start3A_84 = tpu.memref_squeeze %dma_start3A_83 : memref<1x8x128xi32, #tpu.memory_space<hbm>> -> memref<8x128xi32, #tpu.memory_space<hbm>>
      %dma_start3A_85 = arith.constant 0 : i32
      %dma_start3A_86 = tpu.memref_slice %arg4[%add3A_3, %mul3A_81, %dma_start3A_85] : memref<32x80x128xi32, #tpu.memory_space<hbm>> -> memref<1x8x128xi32, #tpu.memory_space<hbm>>
      %dma_start3A_87 = tpu.memref_squeeze %dma_start3A_86 : memref<1x8x128xi32, #tpu.memory_space<hbm>> -> memref<8x128xi32, #tpu.memory_space<hbm>>
      tpu.enqueue_dma source(%dma_start3A_87 : memref<8x128xi32, #tpu.memory_space<hbm>>) target(%arg10 : memref<8x128xi32, #tpu.memory_space<vmem>>) target_semaphore(%arg17 : memref<!tpu.dma_semaphore, #tpu.memory_space<semaphore_mem>>)
      %dma_wait3A_88 = arith.constant 0 : i32
      %dma_wait3A_89 = arith.constant 0 : i32
      %dma_wait3A_90 = tpu.memref_slice %arg7[%dma_wait3A_88, %dma_wait3A_89] : memref<8x128xi32, #tpu.memory_space<vmem>> -> memref<1x128xi32, #tpu.memory_space<vmem>>
      %dma_wait3A_91 = tpu.memref_squeeze %dma_wait3A_90 : memref<1x128xi32, #tpu.memory_space<vmem>> -> memref<128xi32, #tpu.memory_space<vmem>>
      %dma_wait3A_92 = arith.constant 0 : i32
      %dma_wait3A_93 = arith.constant 0 : i32
      %dma_wait3A_94 = tpu.memref_slice %arg2[%dma_wait3A_92, %dma_wait3A_93] : memref<10240x128xf32, #tpu.memory_space<hbm>> -> memref<10240x128xf32, #tpu.memory_space<hbm>>
      tpu.wait_indirect_dma semaphore(%arg14 : memref<!tpu.dma_semaphore, #tpu.memory_space<semaphore_mem>>) src(%dma_wait3A_94 : memref<10240x128xf32, #tpu.memory_space<hbm>>) dst(%arg11 : memref<128x128xf32, #tpu.memory_space<vmem>>)
      %dma_start3A_95 = arith.constant 1 : i32
      %dma_start3A_96 = arith.constant 0 : i32
      %dma_start3A_97 = tpu.memref_slice %arg7[%dma_start3A_95, %dma_start3A_96] : memref<8x128xi32, #tpu.memory_space<vmem>> -> memref<1x128xi32, #tpu.memory_space<vmem>>
      %dma_start3A_98 = tpu.memref_squeeze %dma_start3A_97 : memref<1x128xi32, #tpu.memory_space<vmem>> -> memref<128xi32, #tpu.memory_space<vmem>>
      %dma_start3A_99 = arith.constant 0 : i32
      %dma_start3A_100 = arith.constant 0 : i32
      %dma_start3A_101 = tpu.memref_slice %arg2[%dma_start3A_99, %dma_start3A_100] : memref<10240x128xf32, #tpu.memory_space<hbm>> -> memref<10240x128xf32, #tpu.memory_space<hbm>>
      tpu.enqueue_indirect_dma source(%dma_start3A_101 : memref<10240x128xf32, #tpu.memory_space<hbm>>) target(%arg12 : memref<128x128xf32, #tpu.memory_space<vmem>>) offsets(%dma_start3A_98 : memref<128xi32, #tpu.memory_space<vmem>>) semaphore(%arg15 : memref<!tpu.dma_semaphore, #tpu.memory_space<semaphore_mem>>)
      %dma_start3A_102 = arith.constant 0 : i32
      %dma_start3A_103 = arith.constant 0 : i32
      %dma_start3A_104 = tpu.memref_slice %arg9[%dma_start3A_102, %dma_start3A_103] : memref<8x128xi32, #tpu.memory_space<vmem>> -> memref<1x128xi32, #tpu.memory_space<vmem>>
      %dma_start3A_105 = tpu.memref_squeeze %dma_start3A_104 : memref<1x128xi32, #tpu.memory_space<vmem>> -> memref<128xi32, #tpu.memory_space<vmem>>
      %dma_start3A_106 = arith.constant 0 : i32
      %dma_start3A_107 = arith.constant 0 : i32
      %dma_start3A_108 = tpu.memref_slice %arg13[%dma_start3A_106, %dma_start3A_107] : memref<10240x128xf32, #tpu.memory_space<vmem_shared>> -> memref<10240x128xf32, #tpu.memory_space<vmem_shared>>
      tpu.enqueue_indirect_dma source(%arg11 : memref<128x128xf32, #tpu.memory_space<vmem>>) target(%dma_start3A_108 : memref<10240x128xf32, #tpu.memory_space<vmem_shared>>) offsets(%dma_start3A_105 : memref<128xi32, #tpu.memory_space<vmem>>) semaphore(%arg18 : memref<!tpu.dma_semaphore, #tpu.memory_space<semaphore_mem>>) {add = true}
      %dma_wait3A_109 = arith.constant 1 : i32
      %dma_wait3A_110 = arith.constant 0 : i32
      %dma_wait3A_111 = tpu.memref_slice %arg7[%dma_wait3A_109, %dma_wait3A_110] : memref<8x128xi32, #tpu.memory_space<vmem>> -> memref<1x128xi32, #tpu.memory_space<vmem>>
      %dma_wait3A_112 = tpu.memref_squeeze %dma_wait3A_111 : memref<1x128xi32, #tpu.memory_space<vmem>> -> memref<128xi32, #tpu.memory_space<vmem>>
      %dma_wait3A_113 = arith.constant 0 : i32
      %dma_wait3A_114 = arith.constant 0 : i32
      %dma_wait3A_115 = tpu.memref_slice %arg2[%dma_wait3A_113, %dma_wait3A_114] : memref<10240x128xf32, #tpu.memory_space<hbm>> -> memref<10240x128xf32, #tpu.memory_space<hbm>>
      tpu.wait_indirect_dma semaphore(%arg15 : memref<!tpu.dma_semaphore, #tpu.memory_space<semaphore_mem>>) src(%dma_wait3A_115 : memref<10240x128xf32, #tpu.memory_space<hbm>>) dst(%arg12 : memref<128x128xf32, #tpu.memory_space<vmem>>)
      %dma_wait3A_116 = arith.constant 0 : i32
      %dma_wait3A_117 = arith.constant 0 : i32
      %dma_wait3A_118 = tpu.memref_slice %arg9[%dma_wait3A_116, %dma_wait3A_117] : memref<8x128xi32, #tpu.memory_space<vmem>> -> memref<1x128xi32, #tpu.memory_space<vmem>>
      %dma_wait3A_119 = tpu.memref_squeeze %dma_wait3A_118 : memref<1x128xi32, #tpu.memory_space<vmem>> -> memref<128xi32, #tpu.memory_space<vmem>>
      %dma_wait3A_120 = arith.constant 0 : i32
      %dma_wait3A_121 = arith.constant 0 : i32
      %dma_wait3A_122 = tpu.memref_slice %arg13[%dma_wait3A_120, %dma_wait3A_121] : memref<10240x128xf32, #tpu.memory_space<vmem_shared>> -> memref<10240x128xf32, #tpu.memory_space<vmem_shared>>
      tpu.wait_indirect_dma semaphore(%arg18 : memref<!tpu.dma_semaphore, #tpu.memory_space<semaphore_mem>>) src(%arg11 : memref<128x128xf32, #tpu.memory_space<vmem>>) dst(%dma_wait3A_122 : memref<10240x128xf32, #tpu.memory_space<vmem_shared>>)
      %dma_start3A_123 = arith.constant 2 : i32
      %dma_start3A_124 = arith.constant 0 : i32
      %dma_start3A_125 = tpu.memref_slice %arg7[%dma_start3A_123, %dma_start3A_124] : memref<8x128xi32, #tpu.memory_space<vmem>> -> memref<1x128xi32, #tpu.memory_space<vmem>>
      %dma_start3A_126 = tpu.memref_squeeze %dma_start3A_125 : memref<1x128xi32, #tpu.memory_space<vmem>> -> memref<128xi32, #tpu.memory_space<vmem>>
      %dma_start3A_127 = arith.constant 0 : i32
      %dma_start3A_128 = arith.constant 0 : i32
      %dma_start3A_129 = tpu.memref_slice %arg2[%dma_start3A_127, %dma_start3A_128] : memref<10240x128xf32, #tpu.memory_space<hbm>> -> memref<10240x128xf32, #tpu.memory_space<hbm>>
      tpu.enqueue_indirect_dma source(%dma_start3A_129 : memref<10240x128xf32, #tpu.memory_space<hbm>>) target(%arg11 : memref<128x128xf32, #tpu.memory_space<vmem>>) offsets(%dma_start3A_126 : memref<128xi32, #tpu.memory_space<vmem>>) semaphore(%arg14 : memref<!tpu.dma_semaphore, #tpu.memory_space<semaphore_mem>>)
      %dma_start3A_130 = arith.constant 1 : i32
      %dma_start3A_131 = arith.constant 0 : i32
      %dma_start3A_132 = tpu.memref_slice %arg9[%dma_start3A_130, %dma_start3A_131] : memref<8x128xi32, #tpu.memory_space<vmem>> -> memref<1x128xi32, #tpu.memory_space<vmem>>
      %dma_start3A_133 = tpu.memref_squeeze %dma_start3A_132 : memref<1x128xi32, #tpu.memory_space<vmem>> -> memref<128xi32, #tpu.memory_space<vmem>>
      %dma_start3A_134 = arith.constant 0 : i32
      %dma_start3A_135 = arith.constant 0 : i32
      %dma_start3A_136 = tpu.memref_slice %arg13[%dma_start3A_134, %dma_start3A_135] : memref<10240x128xf32, #tpu.memory_space<vmem_shared>> -> memref<10240x128xf32, #tpu.memory_space<vmem_shared>>
      tpu.enqueue_indirect_dma source(%arg12 : memref<128x128xf32, #tpu.memory_space<vmem>>) target(%dma_start3A_136 : memref<10240x128xf32, #tpu.memory_space<vmem_shared>>) offsets(%dma_start3A_133 : memref<128xi32, #tpu.memory_space<vmem>>) semaphore(%arg19 : memref<!tpu.dma_semaphore, #tpu.memory_space<semaphore_mem>>) {add = true}
      %dma_wait3A_137 = arith.constant 2 : i32
      %dma_wait3A_138 = arith.constant 0 : i32
      %dma_wait3A_139 = tpu.memref_slice %arg7[%dma_wait3A_137, %dma_wait3A_138] : memref<8x128xi32, #tpu.memory_space<vmem>> -> memref<1x128xi32, #tpu.memory_space<vmem>>
      %dma_wait3A_140 = tpu.memref_squeeze %dma_wait3A_139 : memref<1x128xi32, #tpu.memory_space<vmem>> -> memref<128xi32, #tpu.memory_space<vmem>>
      %dma_wait3A_141 = arith.constant 0 : i32
      %dma_wait3A_142 = arith.constant 0 : i32
      %dma_wait3A_143 = tpu.memref_slice %arg2[%dma_wait3A_141, %dma_wait3A_142] : memref<10240x128xf32, #tpu.memory_space<hbm>> -> memref<10240x128xf32, #tpu.memory_space<hbm>>
      tpu.wait_indirect_dma semaphore(%arg14 : memref<!tpu.dma_semaphore, #tpu.memory_space<semaphore_mem>>) src(%dma_wait3A_143 : memref<10240x128xf32, #tpu.memory_space<hbm>>) dst(%arg11 : memref<128x128xf32, #tpu.memory_space<vmem>>)
      %dma_wait3A_144 = arith.constant 1 : i32
      %dma_wait3A_145 = arith.constant 0 : i32
      %dma_wait3A_146 = tpu.memref_slice %arg9[%dma_wait3A_144, %dma_wait3A_145] : memref<8x128xi32, #tpu.memory_space<vmem>> -> memref<1x128xi32, #tpu.memory_space<vmem>>
      %dma_wait3A_147 = tpu.memref_squeeze %dma_wait3A_146 : memref<1x128xi32, #tpu.memory_space<vmem>> -> memref<128xi32, #tpu.memory_space<vmem>>
      %dma_wait3A_148 = arith.constant 0 : i32
      %dma_wait3A_149 = arith.constant 0 : i32
      %dma_wait3A_150 = tpu.memref_slice %arg13[%dma_wait3A_148, %dma_wait3A_149] : memref<10240x128xf32, #tpu.memory_space<vmem_shared>> -> memref<10240x128xf32, #tpu.memory_space<vmem_shared>>
      tpu.wait_indirect_dma semaphore(%arg19 : memref<!tpu.dma_semaphore, #tpu.memory_space<semaphore_mem>>) src(%arg12 : memref<128x128xf32, #tpu.memory_space<vmem>>) dst(%dma_wait3A_150 : memref<10240x128xf32, #tpu.memory_space<vmem_shared>>)
      %dma_start3A_151 = arith.constant 3 : i32
      %dma_start3A_152 = arith.constant 0 : i32
      %dma_start3A_153 = tpu.memref_slice %arg7[%dma_start3A_151, %dma_start3A_152] : memref<8x128xi32, #tpu.memory_space<vmem>> -> memref<1x128xi32, #tpu.memory_space<vmem>>
      %dma_start3A_154 = tpu.memref_squeeze %dma_start3A_153 : memref<1x128xi32, #tpu.memory_space<vmem>> -> memref<128xi32, #tpu.memory_space<vmem>>
      %dma_start3A_155 = arith.constant 0 : i32
      %dma_start3A_156 = arith.constant 0 : i32
      %dma_start3A_157 = tpu.memref_slice %arg2[%dma_start3A_155, %dma_start3A_156] : memref<10240x128xf32, #tpu.memory_space<hbm>> -> memref<10240x128xf32, #tpu.memory_space<hbm>>
      tpu.enqueue_indirect_dma source(%dma_start3A_157 : memref<10240x128xf32, #tpu.memory_space<hbm>>) target(%arg12 : memref<128x128xf32, #tpu.memory_space<vmem>>) offsets(%dma_start3A_154 : memref<128xi32, #tpu.memory_space<vmem>>) semaphore(%arg15 : memref<!tpu.dma_semaphore, #tpu.memory_space<semaphore_mem>>)
      %dma_start3A_158 = arith.constant 2 : i32
      %dma_start3A_159 = arith.constant 0 : i32
      %dma_start3A_160 = tpu.memref_slice %arg9[%dma_start3A_158, %dma_start3A_159] : memref<8x128xi32, #tpu.memory_space<vmem>> -> memref<1x128xi32, #tpu.memory_space<vmem>>
      %dma_start3A_161 = tpu.memref_squeeze %dma_start3A_160 : memref<1x128xi32, #tpu.memory_space<vmem>> -> memref<128xi32, #tpu.memory_space<vmem>>
      %dma_start3A_162 = arith.constant 0 : i32
      %dma_start3A_163 = arith.constant 0 : i32
      %dma_start3A_164 = tpu.memref_slice %arg13[%dma_start3A_162, %dma_start3A_163] : memref<10240x128xf32, #tpu.memory_space<vmem_shared>> -> memref<10240x128xf32, #tpu.memory_space<vmem_shared>>
      tpu.enqueue_indirect_dma source(%arg11 : memref<128x128xf32, #tpu.memory_space<vmem>>) target(%dma_start3A_164 : memref<10240x128xf32, #tpu.memory_space<vmem_shared>>) offsets(%dma_start3A_161 : memref<128xi32, #tpu.memory_space<vmem>>) semaphore(%arg18 : memref<!tpu.dma_semaphore, #tpu.memory_space<semaphore_mem>>) {add = true}
      %dma_wait3A_165 = arith.constant 3 : i32
      %dma_wait3A_166 = arith.constant 0 : i32
      %dma_wait3A_167 = tpu.memref_slice %arg7[%dma_wait3A_165, %dma_wait3A_166] : memref<8x128xi32, #tpu.memory_space<vmem>> -> memref<1x128xi32, #tpu.memory_space<vmem>>
      %dma_wait3A_168 = tpu.memref_squeeze %dma_wait3A_167 : memref<1x128xi32, #tpu.memory_space<vmem>> -> memref<128xi32, #tpu.memory_space<vmem>>
      %dma_wait3A_169 = arith.constant 0 : i32
      %dma_wait3A_170 = arith.constant 0 : i32
      %dma_wait3A_171 = tpu.memref_slice %arg2[%dma_wait3A_169, %dma_wait3A_170] : memref<10240x128xf32, #tpu.memory_space<hbm>> -> memref<10240x128xf32, #tpu.memory_space<hbm>>
      tpu.wait_indirect_dma semaphore(%arg15 : memref<!tpu.dma_semaphore, #tpu.memory_space<semaphore_mem>>) src(%dma_wait3A_171 : memref<10240x128xf32, #tpu.memory_space<hbm>>) dst(%arg12 : memref<128x128xf32, #tpu.memory_space<vmem>>)
      %dma_wait3A_172 = arith.constant 2 : i32
      %dma_wait3A_173 = arith.constant 0 : i32
      %dma_wait3A_174 = tpu.memref_slice %arg9[%dma_wait3A_172, %dma_wait3A_173] : memref<8x128xi32, #tpu.memory_space<vmem>> -> memref<1x128xi32, #tpu.memory_space<vmem>>
      %dma_wait3A_175 = tpu.memref_squeeze %dma_wait3A_174 : memref<1x128xi32, #tpu.memory_space<vmem>> -> memref<128xi32, #tpu.memory_space<vmem>>
      %dma_wait3A_176 = arith.constant 0 : i32
      %dma_wait3A_177 = arith.constant 0 : i32
      %dma_wait3A_178 = tpu.memref_slice %arg13[%dma_wait3A_176, %dma_wait3A_177] : memref<10240x128xf32, #tpu.memory_space<vmem_shared>> -> memref<10240x128xf32, #tpu.memory_space<vmem_shared>>
      tpu.wait_indirect_dma semaphore(%arg18 : memref<!tpu.dma_semaphore, #tpu.memory_space<semaphore_mem>>) src(%arg11 : memref<128x128xf32, #tpu.memory_space<vmem>>) dst(%dma_wait3A_178 : memref<10240x128xf32, #tpu.memory_space<vmem_shared>>)
      %dma_start3A_179 = arith.constant 4 : i32
      %dma_start3A_180 = arith.constant 0 : i32
      %dma_start3A_181 = tpu.memref_slice %arg7[%dma_start3A_179, %dma_start3A_180] : memref<8x128xi32, #tpu.memory_space<vmem>> -> memref<1x128xi32, #tpu.memory_space<vmem>>
      %dma_start3A_182 = tpu.memref_squeeze %dma_start3A_181 : memref<1x128xi32, #tpu.memory_space<vmem>> -> memref<128xi32, #tpu.memory_space<vmem>>
      %dma_start3A_183 = arith.constant 0 : i32
      %dma_start3A_184 = arith.constant 0 : i32
      %dma_start3A_185 = tpu.memref_slice %arg2[%dma_start3A_183, %dma_start3A_184] : memref<10240x128xf32, #tpu.memory_space<hbm>> -> memref<10240x128xf32, #tpu.memory_space<hbm>>
      tpu.enqueue_indirect_dma source(%dma_start3A_185 : memref<10240x128xf32, #tpu.memory_space<hbm>>) target(%arg11 : memref<128x128xf32, #tpu.memory_space<vmem>>) offsets(%dma_start3A_182 : memref<128xi32, #tpu.memory_space<vmem>>) semaphore(%arg14 : memref<!tpu.dma_semaphore, #tpu.memory_space<semaphore_mem>>)
      %dma_start3A_186 = arith.constant 3 : i32
      %dma_start3A_187 = arith.constant 0 : i32
      %dma_start3A_188 = tpu.memref_slice %arg9[%dma_start3A_186, %dma_start3A_187] : memref<8x128xi32, #tpu.memory_space<vmem>> -> memref<1x128xi32, #tpu.memory_space<vmem>>
      %dma_start3A_189 = tpu.memref_squeeze %dma_start3A_188 : memref<1x128xi32, #tpu.memory_space<vmem>> -> memref<128xi32, #tpu.memory_space<vmem>>
      %dma_start3A_190 = arith.constant 0 : i32
      %dma_start3A_191 = arith.constant 0 : i32
      %dma_start3A_192 = tpu.memref_slice %arg13[%dma_start3A_190, %dma_start3A_191] : memref<10240x128xf32, #tpu.memory_space<vmem_shared>> -> memref<10240x128xf32, #tpu.memory_space<vmem_shared>>
      tpu.enqueue_indirect_dma source(%arg12 : memref<128x128xf32, #tpu.memory_space<vmem>>) target(%dma_start3A_192 : memref<10240x128xf32, #tpu.memory_space<vmem_shared>>) offsets(%dma_start3A_189 : memref<128xi32, #tpu.memory_space<vmem>>) semaphore(%arg19 : memref<!tpu.dma_semaphore, #tpu.memory_space<semaphore_mem>>) {add = true}
      %dma_wait3A_193 = arith.constant 4 : i32
      %dma_wait3A_194 = arith.constant 0 : i32
      %dma_wait3A_195 = tpu.memref_slice %arg7[%dma_wait3A_193, %dma_wait3A_194] : memref<8x128xi32, #tpu.memory_space<vmem>> -> memref<1x128xi32, #tpu.memory_space<vmem>>
      %dma_wait3A_196 = tpu.memref_squeeze %dma_wait3A_195 : memref<1x128xi32, #tpu.memory_space<vmem>> -> memref<128xi32, #tpu.memory_space<vmem>>
      %dma_wait3A_197 = arith.constant 0 : i32
      %dma_wait3A_198 = arith.constant 0 : i32
      %dma_wait3A_199 = tpu.memref_slice %arg2[%dma_wait3A_197, %dma_wait3A_198] : memref<10240x128xf32, #tpu.memory_space<hbm>> -> memref<10240x128xf32, #tpu.memory_space<hbm>>
      tpu.wait_indirect_dma semaphore(%arg14 : memref<!tpu.dma_semaphore, #tpu.memory_space<semaphore_mem>>) src(%dma_wait3A_199 : memref<10240x128xf32, #tpu.memory_space<hbm>>) dst(%arg11 : memref<128x128xf32, #tpu.memory_space<vmem>>)
      %dma_wait3A_200 = arith.constant 3 : i32
      %dma_wait3A_201 = arith.constant 0 : i32
      %dma_wait3A_202 = tpu.memref_slice %arg9[%dma_wait3A_200, %dma_wait3A_201] : memref<8x128xi32, #tpu.memory_space<vmem>> -> memref<1x128xi32, #tpu.memory_space<vmem>>
      %dma_wait3A_203 = tpu.memref_squeeze %dma_wait3A_202 : memref<1x128xi32, #tpu.memory_space<vmem>> -> memref<128xi32, #tpu.memory_space<vmem>>
      %dma_wait3A_204 = arith.constant 0 : i32
      %dma_wait3A_205 = arith.constant 0 : i32
      %dma_wait3A_206 = tpu.memref_slice %arg13[%dma_wait3A_204, %dma_wait3A_205] : memref<10240x128xf32, #tpu.memory_space<vmem_shared>> -> memref<10240x128xf32, #tpu.memory_space<vmem_shared>>
      tpu.wait_indirect_dma semaphore(%arg19 : memref<!tpu.dma_semaphore, #tpu.memory_space<semaphore_mem>>) src(%arg12 : memref<128x128xf32, #tpu.memory_space<vmem>>) dst(%dma_wait3A_206 : memref<10240x128xf32, #tpu.memory_space<vmem_shared>>)
      %dma_start3A_207 = arith.constant 5 : i32
      %dma_start3A_208 = arith.constant 0 : i32
      %dma_start3A_209 = tpu.memref_slice %arg7[%dma_start3A_207, %dma_start3A_208] : memref<8x128xi32, #tpu.memory_space<vmem>> -> memref<1x128xi32, #tpu.memory_space<vmem>>
      %dma_start3A_210 = tpu.memref_squeeze %dma_start3A_209 : memref<1x128xi32, #tpu.memory_space<vmem>> -> memref<128xi32, #tpu.memory_space<vmem>>
      %dma_start3A_211 = arith.constant 0 : i32
      %dma_start3A_212 = arith.constant 0 : i32
      %dma_start3A_213 = tpu.memref_slice %arg2[%dma_start3A_211, %dma_start3A_212] : memref<10240x128xf32, #tpu.memory_space<hbm>> -> memref<10240x128xf32, #tpu.memory_space<hbm>>
      tpu.enqueue_indirect_dma source(%dma_start3A_213 : memref<10240x128xf32, #tpu.memory_space<hbm>>) target(%arg12 : memref<128x128xf32, #tpu.memory_space<vmem>>) offsets(%dma_start3A_210 : memref<128xi32, #tpu.memory_space<vmem>>) semaphore(%arg15 : memref<!tpu.dma_semaphore, #tpu.memory_space<semaphore_mem>>)
      %dma_start3A_214 = arith.constant 4 : i32
      %dma_start3A_215 = arith.constant 0 : i32
      %dma_start3A_216 = tpu.memref_slice %arg9[%dma_start3A_214, %dma_start3A_215] : memref<8x128xi32, #tpu.memory_space<vmem>> -> memref<1x128xi32, #tpu.memory_space<vmem>>
      %dma_start3A_217 = tpu.memref_squeeze %dma_start3A_216 : memref<1x128xi32, #tpu.memory_space<vmem>> -> memref<128xi32, #tpu.memory_space<vmem>>
      %dma_start3A_218 = arith.constant 0 : i32
      %dma_start3A_219 = arith.constant 0 : i32
      %dma_start3A_220 = tpu.memref_slice %arg13[%dma_start3A_218, %dma_start3A_219] : memref<10240x128xf32, #tpu.memory_space<vmem_shared>> -> memref<10240x128xf32, #tpu.memory_space<vmem_shared>>
      tpu.enqueue_indirect_dma source(%arg11 : memref<128x128xf32, #tpu.memory_space<vmem>>) target(%dma_start3A_220 : memref<10240x128xf32, #tpu.memory_space<vmem_shared>>) offsets(%dma_start3A_217 : memref<128xi32, #tpu.memory_space<vmem>>) semaphore(%arg18 : memref<!tpu.dma_semaphore, #tpu.memory_space<semaphore_mem>>) {add = true}
      %dma_wait3A_221 = arith.constant 5 : i32
      %dma_wait3A_222 = arith.constant 0 : i32
      %dma_wait3A_223 = tpu.memref_slice %arg7[%dma_wait3A_221, %dma_wait3A_222] : memref<8x128xi32, #tpu.memory_space<vmem>> -> memref<1x128xi32, #tpu.memory_space<vmem>>
      %dma_wait3A_224 = tpu.memref_squeeze %dma_wait3A_223 : memref<1x128xi32, #tpu.memory_space<vmem>> -> memref<128xi32, #tpu.memory_space<vmem>>
      %dma_wait3A_225 = arith.constant 0 : i32
      %dma_wait3A_226 = arith.constant 0 : i32
      %dma_wait3A_227 = tpu.memref_slice %arg2[%dma_wait3A_225, %dma_wait3A_226] : memref<10240x128xf32, #tpu.memory_space<hbm>> -> memref<10240x128xf32, #tpu.memory_space<hbm>>
      tpu.wait_indirect_dma semaphore(%arg15 : memref<!tpu.dma_semaphore, #tpu.memory_space<semaphore_mem>>) src(%dma_wait3A_227 : memref<10240x128xf32, #tpu.memory_space<hbm>>) dst(%arg12 : memref<128x128xf32, #tpu.memory_space<vmem>>)
      %dma_wait3A_228 = arith.constant 4 : i32
      %dma_wait3A_229 = arith.constant 0 : i32
      %dma_wait3A_230 = tpu.memref_slice %arg9[%dma_wait3A_228, %dma_wait3A_229] : memref<8x128xi32, #tpu.memory_space<vmem>> -> memref<1x128xi32, #tpu.memory_space<vmem>>
      %dma_wait3A_231 = tpu.memref_squeeze %dma_wait3A_230 : memref<1x128xi32, #tpu.memory_space<vmem>> -> memref<128xi32, #tpu.memory_space<vmem>>
      %dma_wait3A_232 = arith.constant 0 : i32
      %dma_wait3A_233 = arith.constant 0 : i32
      %dma_wait3A_234 = tpu.memref_slice %arg13[%dma_wait3A_232, %dma_wait3A_233] : memref<10240x128xf32, #tpu.memory_space<vmem_shared>> -> memref<10240x128xf32, #tpu.memory_space<vmem_shared>>
      tpu.wait_indirect_dma semaphore(%arg18 : memref<!tpu.dma_semaphore, #tpu.memory_space<semaphore_mem>>) src(%arg11 : memref<128x128xf32, #tpu.memory_space<vmem>>) dst(%dma_wait3A_234 : memref<10240x128xf32, #tpu.memory_space<vmem_shared>>)
      %dma_start3A_235 = arith.constant 6 : i32
      %dma_start3A_236 = arith.constant 0 : i32
      %dma_start3A_237 = tpu.memref_slice %arg7[%dma_start3A_235, %dma_start3A_236] : memref<8x128xi32, #tpu.memory_space<vmem>> -> memref<1x128xi32, #tpu.memory_space<vmem>>
      %dma_start3A_238 = tpu.memref_squeeze %dma_start3A_237 : memref<1x128xi32, #tpu.memory_space<vmem>> -> memref<128xi32, #tpu.memory_space<vmem>>
      %dma_start3A_239 = arith.constant 0 : i32
      %dma_start3A_240 = arith.constant 0 : i32
      %dma_start3A_241 = tpu.memref_slice %arg2[%dma_start3A_239, %dma_start3A_240] : memref<10240x128xf32, #tpu.memory_space<hbm>> -> memref<10240x128xf32, #tpu.memory_space<hbm>>
      tpu.enqueue_indirect_dma source(%dma_start3A_241 : memref<10240x128xf32, #tpu.memory_space<hbm>>) target(%arg11 : memref<128x128xf32, #tpu.memory_space<vmem>>) offsets(%dma_start3A_238 : memref<128xi32, #tpu.memory_space<vmem>>) semaphore(%arg14 : memref<!tpu.dma_semaphore, #tpu.memory_space<semaphore_mem>>)
      %dma_start3A_242 = arith.constant 5 : i32
      %dma_start3A_243 = arith.constant 0 : i32
      %dma_start3A_244 = tpu.memref_slice %arg9[%dma_start3A_242, %dma_start3A_243] : memref<8x128xi32, #tpu.memory_space<vmem>> -> memref<1x128xi32, #tpu.memory_space<vmem>>
      %dma_start3A_245 = tpu.memref_squeeze %dma_start3A_244 : memref<1x128xi32, #tpu.memory_space<vmem>> -> memref<128xi32, #tpu.memory_space<vmem>>
      %dma_start3A_246 = arith.constant 0 : i32
      %dma_start3A_247 = arith.constant 0 : i32
      %dma_start3A_248 = tpu.memref_slice %arg13[%dma_start3A_246, %dma_start3A_247] : memref<10240x128xf32, #tpu.memory_space<vmem_shared>> -> memref<10240x128xf32, #tpu.memory_space<vmem_shared>>
      tpu.enqueue_indirect_dma source(%arg12 : memref<128x128xf32, #tpu.memory_space<vmem>>) target(%dma_start3A_248 : memref<10240x128xf32, #tpu.memory_space<vmem_shared>>) offsets(%dma_start3A_245 : memref<128xi32, #tpu.memory_space<vmem>>) semaphore(%arg19 : memref<!tpu.dma_semaphore, #tpu.memory_space<semaphore_mem>>) {add = true}
      %dma_wait3A_249 = arith.constant 6 : i32
      %dma_wait3A_250 = arith.constant 0 : i32
      %dma_wait3A_251 = tpu.memref_slice %arg7[%dma_wait3A_249, %dma_wait3A_250] : memref<8x128xi32, #tpu.memory_space<vmem>> -> memref<1x128xi32, #tpu.memory_space<vmem>>
      %dma_wait3A_252 = tpu.memref_squeeze %dma_wait3A_251 : memref<1x128xi32, #tpu.memory_space<vmem>> -> memref<128xi32, #tpu.memory_space<vmem>>
      %dma_wait3A_253 = arith.constant 0 : i32
      %dma_wait3A_254 = arith.constant 0 : i32
      %dma_wait3A_255 = tpu.memref_slice %arg2[%dma_wait3A_253, %dma_wait3A_254] : memref<10240x128xf32, #tpu.memory_space<hbm>> -> memref<10240x128xf32, #tpu.memory_space<hbm>>
      tpu.wait_indirect_dma semaphore(%arg14 : memref<!tpu.dma_semaphore, #tpu.memory_space<semaphore_mem>>) src(%dma_wait3A_255 : memref<10240x128xf32, #tpu.memory_space<hbm>>) dst(%arg11 : memref<128x128xf32, #tpu.memory_space<vmem>>)
      %dma_wait3A_256 = arith.constant 5 : i32
      %dma_wait3A_257 = arith.constant 0 : i32
      %dma_wait3A_258 = tpu.memref_slice %arg9[%dma_wait3A_256, %dma_wait3A_257] : memref<8x128xi32, #tpu.memory_space<vmem>> -> memref<1x128xi32, #tpu.memory_space<vmem>>
      %dma_wait3A_259 = tpu.memref_squeeze %dma_wait3A_258 : memref<1x128xi32, #tpu.memory_space<vmem>> -> memref<128xi32, #tpu.memory_space<vmem>>
      %dma_wait3A_260 = arith.constant 0 : i32
      %dma_wait3A_261 = arith.constant 0 : i32
      %dma_wait3A_262 = tpu.memref_slice %arg13[%dma_wait3A_260, %dma_wait3A_261] : memref<10240x128xf32, #tpu.memory_space<vmem_shared>> -> memref<10240x128xf32, #tpu.memory_space<vmem_shared>>
      tpu.wait_indirect_dma semaphore(%arg19 : memref<!tpu.dma_semaphore, #tpu.memory_space<semaphore_mem>>) src(%arg12 : memref<128x128xf32, #tpu.memory_space<vmem>>) dst(%dma_wait3A_262 : memref<10240x128xf32, #tpu.memory_space<vmem_shared>>)
      %dma_start3A_263 = arith.constant 7 : i32
      %dma_start3A_264 = arith.constant 0 : i32
      %dma_start3A_265 = tpu.memref_slice %arg7[%dma_start3A_263, %dma_start3A_264] : memref<8x128xi32, #tpu.memory_space<vmem>> -> memref<1x128xi32, #tpu.memory_space<vmem>>
      %dma_start3A_266 = tpu.memref_squeeze %dma_start3A_265 : memref<1x128xi32, #tpu.memory_space<vmem>> -> memref<128xi32, #tpu.memory_space<vmem>>
      %dma_start3A_267 = arith.constant 0 : i32
      %dma_start3A_268 = arith.constant 0 : i32
      %dma_start3A_269 = tpu.memref_slice %arg2[%dma_start3A_267, %dma_start3A_268] : memref<10240x128xf32, #tpu.memory_space<hbm>> -> memref<10240x128xf32, #tpu.memory_space<hbm>>
      tpu.enqueue_indirect_dma source(%dma_start3A_269 : memref<10240x128xf32, #tpu.memory_space<hbm>>) target(%arg12 : memref<128x128xf32, #tpu.memory_space<vmem>>) offsets(%dma_start3A_266 : memref<128xi32, #tpu.memory_space<vmem>>) semaphore(%arg15 : memref<!tpu.dma_semaphore, #tpu.memory_space<semaphore_mem>>)
      %dma_start3A_270 = arith.constant 6 : i32
      %dma_start3A_271 = arith.constant 0 : i32
      %dma_start3A_272 = tpu.memref_slice %arg9[%dma_start3A_270, %dma_start3A_271] : memref<8x128xi32, #tpu.memory_space<vmem>> -> memref<1x128xi32, #tpu.memory_space<vmem>>
      %dma_start3A_273 = tpu.memref_squeeze %dma_start3A_272 : memref<1x128xi32, #tpu.memory_space<vmem>> -> memref<128xi32, #tpu.memory_space<vmem>>
      %dma_start3A_274 = arith.constant 0 : i32
      %dma_start3A_275 = arith.constant 0 : i32
      %dma_start3A_276 = tpu.memref_slice %arg13[%dma_start3A_274, %dma_start3A_275] : memref<10240x128xf32, #tpu.memory_space<vmem_shared>> -> memref<10240x128xf32, #tpu.memory_space<vmem_shared>>
      tpu.enqueue_indirect_dma source(%arg11 : memref<128x128xf32, #tpu.memory_space<vmem>>) target(%dma_start3A_276 : memref<10240x128xf32, #tpu.memory_space<vmem_shared>>) offsets(%dma_start3A_273 : memref<128xi32, #tpu.memory_space<vmem>>) semaphore(%arg18 : memref<!tpu.dma_semaphore, #tpu.memory_space<semaphore_mem>>) {add = true}
      %dma_wait3A_277 = arith.constant 7 : i32
      %dma_wait3A_278 = arith.constant 0 : i32
      %dma_wait3A_279 = tpu.memref_slice %arg7[%dma_wait3A_277, %dma_wait3A_278] : memref<8x128xi32, #tpu.memory_space<vmem>> -> memref<1x128xi32, #tpu.memory_space<vmem>>
      %dma_wait3A_280 = tpu.memref_squeeze %dma_wait3A_279 : memref<1x128xi32, #tpu.memory_space<vmem>> -> memref<128xi32, #tpu.memory_space<vmem>>
      %dma_wait3A_281 = arith.constant 0 : i32
      %dma_wait3A_282 = arith.constant 0 : i32
      %dma_wait3A_283 = tpu.memref_slice %arg2[%dma_wait3A_281, %dma_wait3A_282] : memref<10240x128xf32, #tpu.memory_space<hbm>> -> memref<10240x128xf32, #tpu.memory_space<hbm>>
      tpu.wait_indirect_dma semaphore(%arg15 : memref<!tpu.dma_semaphore, #tpu.memory_space<semaphore_mem>>) src(%dma_wait3A_283 : memref<10240x128xf32, #tpu.memory_space<hbm>>) dst(%arg12 : memref<128x128xf32, #tpu.memory_space<vmem>>)
      %dma_wait3A_284 = arith.constant 6 : i32
      %dma_wait3A_285 = arith.constant 0 : i32
      %dma_wait3A_286 = tpu.memref_slice %arg9[%dma_wait3A_284, %dma_wait3A_285] : memref<8x128xi32, #tpu.memory_space<vmem>> -> memref<1x128xi32, #tpu.memory_space<vmem>>
      %dma_wait3A_287 = tpu.memref_squeeze %dma_wait3A_286 : memref<1x128xi32, #tpu.memory_space<vmem>> -> memref<128xi32, #tpu.memory_space<vmem>>
      %dma_wait3A_288 = arith.constant 0 : i32
      %dma_wait3A_289 = arith.constant 0 : i32
      %dma_wait3A_290 = tpu.memref_slice %arg13[%dma_wait3A_288, %dma_wait3A_289] : memref<10240x128xf32, #tpu.memory_space<vmem_shared>> -> memref<10240x128xf32, #tpu.memory_space<vmem_shared>>
      tpu.wait_indirect_dma semaphore(%arg18 : memref<!tpu.dma_semaphore, #tpu.memory_space<semaphore_mem>>) src(%arg11 : memref<128x128xf32, #tpu.memory_space<vmem>>) dst(%dma_wait3A_290 : memref<10240x128xf32, #tpu.memory_space<vmem_shared>>)
      %add3A_291 = arith.constant 1 : i32
      %add3A_292 = arith.addi %add3A_67, %add3A_291 : i32
      %mul3A_293 = arith.constant 8 : i32
      %mul3A_294 = arith.muli %add3A_292, %mul3A_293 : i32
      %dma_wait3A_295 = arith.constant 0 : i32
      %dma_wait3A_296 = tpu.memref_slice %arg3[%add3A, %mul3A_294, %dma_wait3A_295] : memref<32x80x128xi32, #tpu.memory_space<hbm>> -> memref<1x8x128xi32, #tpu.memory_space<hbm>>
      %dma_wait3A_297 = tpu.memref_squeeze %dma_wait3A_296 : memref<1x8x128xi32, #tpu.memory_space<hbm>> -> memref<8x128xi32, #tpu.memory_space<hbm>>
      %dma_wait3A_298 = arith.constant 0 : i32
      %dma_wait3A_299 = tpu.memref_slice %arg3[%add3A, %mul3A_294, %dma_wait3A_298] : memref<32x80x128xi32, #tpu.memory_space<hbm>> -> memref<1x8x128xi32, #tpu.memory_space<hbm>>
      %dma_wait3A_300 = tpu.memref_squeeze %dma_wait3A_299 : memref<1x8x128xi32, #tpu.memory_space<hbm>> -> memref<8x128xi32, #tpu.memory_space<hbm>>
      tpu.wait_dma2 semaphore(%arg17 : memref<!tpu.dma_semaphore, #tpu.memory_space<semaphore_mem>>) src(%dma_wait3A_300 : memref<8x128xi32, #tpu.memory_space<hbm>>) dst(%arg8 : memref<8x128xi32, #tpu.memory_space<vmem>>)
      %mul3A_301 = arith.constant 8 : i32
      %mul3A_302 = arith.muli %add3A_292, %mul3A_301 : i32
      %dma_wait3A_303 = arith.constant 0 : i32
      %dma_wait3A_304 = tpu.memref_slice %arg4[%add3A_3, %mul3A_302, %dma_wait3A_303] : memref<32x80x128xi32, #tpu.memory_space<hbm>> -> memref<1x8x128xi32, #tpu.memory_space<hbm>>
      %dma_wait3A_305 = tpu.memref_squeeze %dma_wait3A_304 : memref<1x8x128xi32, #tpu.memory_space<hbm>> -> memref<8x128xi32, #tpu.memory_space<hbm>>
      %dma_wait3A_306 = arith.constant 0 : i32
      %dma_wait3A_307 = tpu.memref_slice %arg4[%add3A_3, %mul3A_302, %dma_wait3A_306] : memref<32x80x128xi32, #tpu.memory_space<hbm>> -> memref<1x8x128xi32, #tpu.memory_space<hbm>>
      %dma_wait3A_308 = tpu.memref_squeeze %dma_wait3A_307 : memref<1x8x128xi32, #tpu.memory_space<hbm>> -> memref<8x128xi32, #tpu.memory_space<hbm>>
      tpu.wait_dma2 semaphore(%arg17 : memref<!tpu.dma_semaphore, #tpu.memory_space<semaphore_mem>>) src(%dma_wait3A_308 : memref<8x128xi32, #tpu.memory_space<hbm>>) dst(%arg10 : memref<8x128xi32, #tpu.memory_space<vmem>>)
      %dma_start3A_309 = arith.constant 0 : i32
      %dma_start3A_310 = arith.constant 0 : i32
      %dma_start3A_311 = tpu.memref_slice %arg8[%dma_start3A_309, %dma_start3A_310] : memref<8x128xi32, #tpu.memory_space<vmem>> -> memref<1x128xi32, #tpu.memory_space<vmem>>
      %dma_start3A_312 = tpu.memref_squeeze %dma_start3A_311 : memref<1x128xi32, #tpu.memory_space<vmem>> -> memref<128xi32, #tpu.memory_space<vmem>>
      %dma_start3A_313 = arith.constant 0 : i32
      %dma_start3A_314 = arith.constant 0 : i32
      %dma_start3A_315 = tpu.memref_slice %arg2[%dma_start3A_313, %dma_start3A_314] : memref<10240x128xf32, #tpu.memory_space<hbm>> -> memref<10240x128xf32, #tpu.memory_space<hbm>>
      tpu.enqueue_indirect_dma source(%dma_start3A_315 : memref<10240x128xf32, #tpu.memory_space<hbm>>) target(%arg11 : memref<128x128xf32, #tpu.memory_space<vmem>>) offsets(%dma_start3A_312 : memref<128xi32, #tpu.memory_space<vmem>>) semaphore(%arg14 : memref<!tpu.dma_semaphore, #tpu.memory_space<semaphore_mem>>)
      %dma_start3A_316 = arith.constant 7 : i32
      %dma_start3A_317 = arith.constant 0 : i32
      %dma_start3A_318 = tpu.memref_slice %arg9[%dma_start3A_316, %dma_start3A_317] : memref<8x128xi32, #tpu.memory_space<vmem>> -> memref<1x128xi32, #tpu.memory_space<vmem>>
      %dma_start3A_319 = tpu.memref_squeeze %dma_start3A_318 : memref<1x128xi32, #tpu.memory_space<vmem>> -> memref<128xi32, #tpu.memory_space<vmem>>
      %dma_start3A_320 = arith.constant 0 : i32
      %dma_start3A_321 = arith.constant 0 : i32
      %dma_start3A_322 = tpu.memref_slice %arg13[%dma_start3A_320, %dma_start3A_321] : memref<10240x128xf32, #tpu.memory_space<vmem_shared>> -> memref<10240x128xf32, #tpu.memory_space<vmem_shared>>
      tpu.enqueue_indirect_dma source(%arg12 : memref<128x128xf32, #tpu.memory_space<vmem>>) target(%dma_start3A_322 : memref<10240x128xf32, #tpu.memory_space<vmem_shared>>) offsets(%dma_start3A_319 : memref<128xi32, #tpu.memory_space<vmem>>) semaphore(%arg19 : memref<!tpu.dma_semaphore, #tpu.memory_space<semaphore_mem>>) {add = true}
      %mul3A_323 = arith.constant 2 : i32
      %mul3A_324 = arith.muli %scan3A_63, %mul3A_323 : i32
      %add3A_325 = arith.constant 1 : i32
      %add3A_326 = arith.addi %mul3A_324, %add3A_325 : i32
      %dma_wait3A_327 = arith.constant 7 : i32
      %dma_wait3A_328 = arith.constant 0 : i32
      %dma_wait3A_329 = tpu.memref_slice %arg9[%dma_wait3A_327, %dma_wait3A_328] : memref<8x128xi32, #tpu.memory_space<vmem>> -> memref<1x128xi32, #tpu.memory_space<vmem>>
      %dma_wait3A_330 = tpu.memref_squeeze %dma_wait3A_329 : memref<1x128xi32, #tpu.memory_space<vmem>> -> memref<128xi32, #tpu.memory_space<vmem>>
      %dma_wait3A_331 = arith.constant 0 : i32
      %dma_wait3A_332 = arith.constant 0 : i32
      %dma_wait3A_333 = tpu.memref_slice %arg13[%dma_wait3A_331, %dma_wait3A_332] : memref<10240x128xf32, #tpu.memory_space<vmem_shared>> -> memref<10240x128xf32, #tpu.memory_space<vmem_shared>>
      tpu.wait_indirect_dma semaphore(%arg19 : memref<!tpu.dma_semaphore, #tpu.memory_space<semaphore_mem>>) src(%arg12 : memref<128x128xf32, #tpu.memory_space<vmem>>) dst(%dma_wait3A_333 : memref<10240x128xf32, #tpu.memory_space<vmem_shared>>)
      %lt3A = arith.constant 4 : i32
      %lt3A_334 = arith.cmpi slt, %scan3A_63, %lt3A : i32
      %convert_element_type3A_335 = arith.extui %lt3A_334 : i1 to i32
      %cond3A_336 = arith.constant 0 : i32
      %cond3A_337 = arith.cmpi ne, %convert_element_type3A_335, %cond3A_336 : i32
      scf.if %cond3A_337 {
        %add3A_553 = arith.constant 1 : i32
        %add3A_554 = arith.addi %add3A_326, %add3A_553 : i32
        %mul3A_555 = arith.constant 8 : i32
        %mul3A_556 = arith.muli %add3A_554, %mul3A_555 : i32
        %dma_start3A_557 = arith.constant 0 : i32
        %dma_start3A_558 = tpu.memref_slice %arg3[%add3A, %mul3A_556, %dma_start3A_557] : memref<32x80x128xi32, #tpu.memory_space<hbm>> -> memref<1x8x128xi32, #tpu.memory_space<hbm>>
        %dma_start3A_559 = tpu.memref_squeeze %dma_start3A_558 : memref<1x8x128xi32, #tpu.memory_space<hbm>> -> memref<8x128xi32, #tpu.memory_space<hbm>>
        %dma_start3A_560 = arith.constant 0 : i32
        %dma_start3A_561 = tpu.memref_slice %arg3[%add3A, %mul3A_556, %dma_start3A_560] : memref<32x80x128xi32, #tpu.memory_space<hbm>> -> memref<1x8x128xi32, #tpu.memory_space<hbm>>
        %dma_start3A_562 = tpu.memref_squeeze %dma_start3A_561 : memref<1x8x128xi32, #tpu.memory_space<hbm>> -> memref<8x128xi32, #tpu.memory_space<hbm>>
        tpu.enqueue_dma source(%dma_start3A_562 : memref<8x128xi32, #tpu.memory_space<hbm>>) target(%arg7 : memref<8x128xi32, #tpu.memory_space<vmem>>) target_semaphore(%arg16 : memref<!tpu.dma_semaphore, #tpu.memory_space<semaphore_mem>>)
        %mul3A_563 = arith.constant 8 : i32
        %mul3A_564 = arith.muli %add3A_554, %mul3A_563 : i32
        %dma_start3A_565 = arith.constant 0 : i32
        %dma_start3A_566 = tpu.memref_slice %arg4[%add3A_3, %mul3A_564, %dma_start3A_565] : memref<32x80x128xi32, #tpu.memory_space<hbm>> -> memref<1x8x128xi32, #tpu.memory_space<hbm>>
        %dma_start3A_567 = tpu.memref_squeeze %dma_start3A_566 : memref<1x8x128xi32, #tpu.memory_space<hbm>> -> memref<8x128xi32, #tpu.memory_space<hbm>>
        %dma_start3A_568 = arith.constant 0 : i32
        %dma_start3A_569 = tpu.memref_slice %arg4[%add3A_3, %mul3A_564, %dma_start3A_568] : memref<32x80x128xi32, #tpu.memory_space<hbm>> -> memref<1x8x128xi32, #tpu.memory_space<hbm>>
        %dma_start3A_570 = tpu.memref_squeeze %dma_start3A_569 : memref<1x8x128xi32, #tpu.memory_space<hbm>> -> memref<8x128xi32, #tpu.memory_space<hbm>>
        tpu.enqueue_dma source(%dma_start3A_570 : memref<8x128xi32, #tpu.memory_space<hbm>>) target(%arg9 : memref<8x128xi32, #tpu.memory_space<vmem>>) target_semaphore(%arg16 : memref<!tpu.dma_semaphore, #tpu.memory_space<semaphore_mem>>)
      } else {
      }
      %dma_wait3A_338 = arith.constant 0 : i32
      %dma_wait3A_339 = arith.constant 0 : i32
      %dma_wait3A_340 = tpu.memref_slice %arg8[%dma_wait3A_338, %dma_wait3A_339] : memref<8x128xi32, #tpu.memory_space<vmem>> -> memref<1x128xi32, #tpu.memory_space<vmem>>
      %dma_wait3A_341 = tpu.memref_squeeze %dma_wait3A_340 : memref<1x128xi32, #tpu.memory_space<vmem>> -> memref<128xi32, #tpu.memory_space<vmem>>
      %dma_wait3A_342 = arith.constant 0 : i32
      %dma_wait3A_343 = arith.constant 0 : i32
      %dma_wait3A_344 = tpu.memref_slice %arg2[%dma_wait3A_342, %dma_wait3A_343] : memref<10240x128xf32, #tpu.memory_space<hbm>> -> memref<10240x128xf32, #tpu.memory_space<hbm>>
      tpu.wait_indirect_dma semaphore(%arg14 : memref<!tpu.dma_semaphore, #tpu.memory_space<semaphore_mem>>) src(%dma_wait3A_344 : memref<10240x128xf32, #tpu.memory_space<hbm>>) dst(%arg11 : memref<128x128xf32, #tpu.memory_space<vmem>>)
      %dma_start3A_345 = arith.constant 1 : i32
      %dma_start3A_346 = arith.constant 0 : i32
      %dma_start3A_347 = tpu.memref_slice %arg8[%dma_start3A_345, %dma_start3A_346] : memref<8x128xi32, #tpu.memory_space<vmem>> -> memref<1x128xi32, #tpu.memory_space<vmem>>
      %dma_start3A_348 = tpu.memref_squeeze %dma_start3A_347 : memref<1x128xi32, #tpu.memory_space<vmem>> -> memref<128xi32, #tpu.memory_space<vmem>>
      %dma_start3A_349 = arith.constant 0 : i32
      %dma_start3A_350 = arith.constant 0 : i32
      %dma_start3A_351 = tpu.memref_slice %arg2[%dma_start3A_349, %dma_start3A_350] : memref<10240x128xf32, #tpu.memory_space<hbm>> -> memref<10240x128xf32, #tpu.memory_space<hbm>>
      tpu.enqueue_indirect_dma source(%dma_start3A_351 : memref<10240x128xf32, #tpu.memory_space<hbm>>) target(%arg12 : memref<128x128xf32, #tpu.memory_space<vmem>>) offsets(%dma_start3A_348 : memref<128xi32, #tpu.memory_space<vmem>>) semaphore(%arg15 : memref<!tpu.dma_semaphore, #tpu.memory_space<semaphore_mem>>)
      %dma_start3A_352 = arith.constant 0 : i32
      %dma_start3A_353 = arith.constant 0 : i32
      %dma_start3A_354 = tpu.memref_slice %arg10[%dma_start3A_352, %dma_start3A_353] : memref<8x128xi32, #tpu.memory_space<vmem>> -> memref<1x128xi32, #tpu.memory_space<vmem>>
      %dma_start3A_355 = tpu.memref_squeeze %dma_start3A_354 : memref<1x128xi32, #tpu.memory_space<vmem>> -> memref<128xi32, #tpu.memory_space<vmem>>
      %dma_start3A_356 = arith.constant 0 : i32
      %dma_start3A_357 = arith.constant 0 : i32
      %dma_start3A_358 = tpu.memref_slice %arg13[%dma_start3A_356, %dma_start3A_357] : memref<10240x128xf32, #tpu.memory_space<vmem_shared>> -> memref<10240x128xf32, #tpu.memory_space<vmem_shared>>
      tpu.enqueue_indirect_dma source(%arg11 : memref<128x128xf32, #tpu.memory_space<vmem>>) target(%dma_start3A_358 : memref<10240x128xf32, #tpu.memory_space<vmem_shared>>) offsets(%dma_start3A_355 : memref<128xi32, #tpu.memory_space<vmem>>) semaphore(%arg18 : memref<!tpu.dma_semaphore, #tpu.memory_space<semaphore_mem>>) {add = true}
      %dma_wait3A_359 = arith.constant 1 : i32
      %dma_wait3A_360 = arith.constant 0 : i32
      %dma_wait3A_361 = tpu.memref_slice %arg8[%dma_wait3A_359, %dma_wait3A_360] : memref<8x128xi32, #tpu.memory_space<vmem>> -> memref<1x128xi32, #tpu.memory_space<vmem>>
      %dma_wait3A_362 = tpu.memref_squeeze %dma_wait3A_361 : memref<1x128xi32, #tpu.memory_space<vmem>> -> memref<128xi32, #tpu.memory_space<vmem>>
      %dma_wait3A_363 = arith.constant 0 : i32
      %dma_wait3A_364 = arith.constant 0 : i32
      %dma_wait3A_365 = tpu.memref_slice %arg2[%dma_wait3A_363, %dma_wait3A_364] : memref<10240x128xf32, #tpu.memory_space<hbm>> -> memref<10240x128xf32, #tpu.memory_space<hbm>>
      tpu.wait_indirect_dma semaphore(%arg15 : memref<!tpu.dma_semaphore, #tpu.memory_space<semaphore_mem>>) src(%dma_wait3A_365 : memref<10240x128xf32, #tpu.memory_space<hbm>>) dst(%arg12 : memref<128x128xf32, #tpu.memory_space<vmem>>)
      %dma_wait3A_366 = arith.constant 0 : i32
      %dma_wait3A_367 = arith.constant 0 : i32
      %dma_wait3A_368 = tpu.memref_slice %arg10[%dma_wait3A_366, %dma_wait3A_367] : memref<8x128xi32, #tpu.memory_space<vmem>> -> memref<1x128xi32, #tpu.memory_space<vmem>>
      %dma_wait3A_369 = tpu.memref_squeeze %dma_wait3A_368 : memref<1x128xi32, #tpu.memory_space<vmem>> -> memref<128xi32, #tpu.memory_space<vmem>>
      %dma_wait3A_370 = arith.constant 0 : i32
      %dma_wait3A_371 = arith.constant 0 : i32
      %dma_wait3A_372 = tpu.memref_slice %arg13[%dma_wait3A_370, %dma_wait3A_371] : memref<10240x128xf32, #tpu.memory_space<vmem_shared>> -> memref<10240x128xf32, #tpu.memory_space<vmem_shared>>
      tpu.wait_indirect_dma semaphore(%arg18 : memref<!tpu.dma_semaphore, #tpu.memory_space<semaphore_mem>>) src(%arg11 : memref<128x128xf32, #tpu.memory_space<vmem>>) dst(%dma_wait3A_372 : memref<10240x128xf32, #tpu.memory_space<vmem_shared>>)
      %dma_start3A_373 = arith.constant 2 : i32
      %dma_start3A_374 = arith.constant 0 : i32
      %dma_start3A_375 = tpu.memref_slice %arg8[%dma_start3A_373, %dma_start3A_374] : memref<8x128xi32, #tpu.memory_space<vmem>> -> memref<1x128xi32, #tpu.memory_space<vmem>>
      %dma_start3A_376 = tpu.memref_squeeze %dma_start3A_375 : memref<1x128xi32, #tpu.memory_space<vmem>> -> memref<128xi32, #tpu.memory_space<vmem>>
      %dma_start3A_377 = arith.constant 0 : i32
      %dma_start3A_378 = arith.constant 0 : i32
      %dma_start3A_379 = tpu.memref_slice %arg2[%dma_start3A_377, %dma_start3A_378] : memref<10240x128xf32, #tpu.memory_space<hbm>> -> memref<10240x128xf32, #tpu.memory_space<hbm>>
      tpu.enqueue_indirect_dma source(%dma_start3A_379 : memref<10240x128xf32, #tpu.memory_space<hbm>>) target(%arg11 : memref<128x128xf32, #tpu.memory_space<vmem>>) offsets(%dma_start3A_376 : memref<128xi32, #tpu.memory_space<vmem>>) semaphore(%arg14 : memref<!tpu.dma_semaphore, #tpu.memory_space<semaphore_mem>>)
      %dma_start3A_380 = arith.constant 1 : i32
      %dma_start3A_381 = arith.constant 0 : i32
      %dma_start3A_382 = tpu.memref_slice %arg10[%dma_start3A_380, %dma_start3A_381] : memref<8x128xi32, #tpu.memory_space<vmem>> -> memref<1x128xi32, #tpu.memory_space<vmem>>
      %dma_start3A_383 = tpu.memref_squeeze %dma_start3A_382 : memref<1x128xi32, #tpu.memory_space<vmem>> -> memref<128xi32, #tpu.memory_space<vmem>>
      %dma_start3A_384 = arith.constant 0 : i32
      %dma_start3A_385 = arith.constant 0 : i32
      %dma_start3A_386 = tpu.memref_slice %arg13[%dma_start3A_384, %dma_start3A_385] : memref<10240x128xf32, #tpu.memory_space<vmem_shared>> -> memref<10240x128xf32, #tpu.memory_space<vmem_shared>>
      tpu.enqueue_indirect_dma source(%arg12 : memref<128x128xf32, #tpu.memory_space<vmem>>) target(%dma_start3A_386 : memref<10240x128xf32, #tpu.memory_space<vmem_shared>>) offsets(%dma_start3A_383 : memref<128xi32, #tpu.memory_space<vmem>>) semaphore(%arg19 : memref<!tpu.dma_semaphore, #tpu.memory_space<semaphore_mem>>) {add = true}
      %dma_wait3A_387 = arith.constant 2 : i32
      %dma_wait3A_388 = arith.constant 0 : i32
      %dma_wait3A_389 = tpu.memref_slice %arg8[%dma_wait3A_387, %dma_wait3A_388] : memref<8x128xi32, #tpu.memory_space<vmem>> -> memref<1x128xi32, #tpu.memory_space<vmem>>
      %dma_wait3A_390 = tpu.memref_squeeze %dma_wait3A_389 : memref<1x128xi32, #tpu.memory_space<vmem>> -> memref<128xi32, #tpu.memory_space<vmem>>
      %dma_wait3A_391 = arith.constant 0 : i32
      %dma_wait3A_392 = arith.constant 0 : i32
      %dma_wait3A_393 = tpu.memref_slice %arg2[%dma_wait3A_391, %dma_wait3A_392] : memref<10240x128xf32, #tpu.memory_space<hbm>> -> memref<10240x128xf32, #tpu.memory_space<hbm>>
      tpu.wait_indirect_dma semaphore(%arg14 : memref<!tpu.dma_semaphore, #tpu.memory_space<semaphore_mem>>) src(%dma_wait3A_393 : memref<10240x128xf32, #tpu.memory_space<hbm>>) dst(%arg11 : memref<128x128xf32, #tpu.memory_space<vmem>>)
      %dma_wait3A_394 = arith.constant 1 : i32
      %dma_wait3A_395 = arith.constant 0 : i32
      %dma_wait3A_396 = tpu.memref_slice %arg10[%dma_wait3A_394, %dma_wait3A_395] : memref<8x128xi32, #tpu.memory_space<vmem>> -> memref<1x128xi32, #tpu.memory_space<vmem>>
      %dma_wait3A_397 = tpu.memref_squeeze %dma_wait3A_396 : memref<1x128xi32, #tpu.memory_space<vmem>> -> memref<128xi32, #tpu.memory_space<vmem>>
      %dma_wait3A_398 = arith.constant 0 : i32
      %dma_wait3A_399 = arith.constant 0 : i32
      %dma_wait3A_400 = tpu.memref_slice %arg13[%dma_wait3A_398, %dma_wait3A_399] : memref<10240x128xf32, #tpu.memory_space<vmem_shared>> -> memref<10240x128xf32, #tpu.memory_space<vmem_shared>>
      tpu.wait_indirect_dma semaphore(%arg19 : memref<!tpu.dma_semaphore, #tpu.memory_space<semaphore_mem>>) src(%arg12 : memref<128x128xf32, #tpu.memory_space<vmem>>) dst(%dma_wait3A_400 : memref<10240x128xf32, #tpu.memory_space<vmem_shared>>)
      %dma_start3A_401 = arith.constant 3 : i32
      %dma_start3A_402 = arith.constant 0 : i32
      %dma_start3A_403 = tpu.memref_slice %arg8[%dma_start3A_401, %dma_start3A_402] : memref<8x128xi32, #tpu.memory_space<vmem>> -> memref<1x128xi32, #tpu.memory_space<vmem>>
      %dma_start3A_404 = tpu.memref_squeeze %dma_start3A_403 : memref<1x128xi32, #tpu.memory_space<vmem>> -> memref<128xi32, #tpu.memory_space<vmem>>
      %dma_start3A_405 = arith.constant 0 : i32
      %dma_start3A_406 = arith.constant 0 : i32
      %dma_start3A_407 = tpu.memref_slice %arg2[%dma_start3A_405, %dma_start3A_406] : memref<10240x128xf32, #tpu.memory_space<hbm>> -> memref<10240x128xf32, #tpu.memory_space<hbm>>
      tpu.enqueue_indirect_dma source(%dma_start3A_407 : memref<10240x128xf32, #tpu.memory_space<hbm>>) target(%arg12 : memref<128x128xf32, #tpu.memory_space<vmem>>) offsets(%dma_start3A_404 : memref<128xi32, #tpu.memory_space<vmem>>) semaphore(%arg15 : memref<!tpu.dma_semaphore, #tpu.memory_space<semaphore_mem>>)
      %dma_start3A_408 = arith.constant 2 : i32
      %dma_start3A_409 = arith.constant 0 : i32
      %dma_start3A_410 = tpu.memref_slice %arg10[%dma_start3A_408, %dma_start3A_409] : memref<8x128xi32, #tpu.memory_space<vmem>> -> memref<1x128xi32, #tpu.memory_space<vmem>>
      %dma_start3A_411 = tpu.memref_squeeze %dma_start3A_410 : memref<1x128xi32, #tpu.memory_space<vmem>> -> memref<128xi32, #tpu.memory_space<vmem>>
      %dma_start3A_412 = arith.constant 0 : i32
      %dma_start3A_413 = arith.constant 0 : i32
      %dma_start3A_414 = tpu.memref_slice %arg13[%dma_start3A_412, %dma_start3A_413] : memref<10240x128xf32, #tpu.memory_space<vmem_shared>> -> memref<10240x128xf32, #tpu.memory_space<vmem_shared>>
      tpu.enqueue_indirect_dma source(%arg11 : memref<128x128xf32, #tpu.memory_space<vmem>>) target(%dma_start3A_414 : memref<10240x128xf32, #tpu.memory_space<vmem_shared>>) offsets(%dma_start3A_411 : memref<128xi32, #tpu.memory_space<vmem>>) semaphore(%arg18 : memref<!tpu.dma_semaphore, #tpu.memory_space<semaphore_mem>>) {add = true}
      %dma_wait3A_415 = arith.constant 3 : i32
      %dma_wait3A_416 = arith.constant 0 : i32
      %dma_wait3A_417 = tpu.memref_slice %arg8[%dma_wait3A_415, %dma_wait3A_416] : memref<8x128xi32, #tpu.memory_space<vmem>> -> memref<1x128xi32, #tpu.memory_space<vmem>>
      %dma_wait3A_418 = tpu.memref_squeeze %dma_wait3A_417 : memref<1x128xi32, #tpu.memory_space<vmem>> -> memref<128xi32, #tpu.memory_space<vmem>>
      %dma_wait3A_419 = arith.constant 0 : i32
      %dma_wait3A_420 = arith.constant 0 : i32
      %dma_wait3A_421 = tpu.memref_slice %arg2[%dma_wait3A_419, %dma_wait3A_420] : memref<10240x128xf32, #tpu.memory_space<hbm>> -> memref<10240x128xf32, #tpu.memory_space<hbm>>
      tpu.wait_indirect_dma semaphore(%arg15 : memref<!tpu.dma_semaphore, #tpu.memory_space<semaphore_mem>>) src(%dma_wait3A_421 : memref<10240x128xf32, #tpu.memory_space<hbm>>) dst(%arg12 : memref<128x128xf32, #tpu.memory_space<vmem>>)
      %dma_wait3A_422 = arith.constant 2 : i32
      %dma_wait3A_423 = arith.constant 0 : i32
      %dma_wait3A_424 = tpu.memref_slice %arg10[%dma_wait3A_422, %dma_wait3A_423] : memref<8x128xi32, #tpu.memory_space<vmem>> -> memref<1x128xi32, #tpu.memory_space<vmem>>
      %dma_wait3A_425 = tpu.memref_squeeze %dma_wait3A_424 : memref<1x128xi32, #tpu.memory_space<vmem>> -> memref<128xi32, #tpu.memory_space<vmem>>
      %dma_wait3A_426 = arith.constant 0 : i32
      %dma_wait3A_427 = arith.constant 0 : i32
      %dma_wait3A_428 = tpu.memref_slice %arg13[%dma_wait3A_426, %dma_wait3A_427] : memref<10240x128xf32, #tpu.memory_space<vmem_shared>> -> memref<10240x128xf32, #tpu.memory_space<vmem_shared>>
      tpu.wait_indirect_dma semaphore(%arg18 : memref<!tpu.dma_semaphore, #tpu.memory_space<semaphore_mem>>) src(%arg11 : memref<128x128xf32, #tpu.memory_space<vmem>>) dst(%dma_wait3A_428 : memref<10240x128xf32, #tpu.memory_space<vmem_shared>>)
      %dma_start3A_429 = arith.constant 4 : i32
      %dma_start3A_430 = arith.constant 0 : i32
      %dma_start3A_431 = tpu.memref_slice %arg8[%dma_start3A_429, %dma_start3A_430] : memref<8x128xi32, #tpu.memory_space<vmem>> -> memref<1x128xi32, #tpu.memory_space<vmem>>
      %dma_start3A_432 = tpu.memref_squeeze %dma_start3A_431 : memref<1x128xi32, #tpu.memory_space<vmem>> -> memref<128xi32, #tpu.memory_space<vmem>>
      %dma_start3A_433 = arith.constant 0 : i32
      %dma_start3A_434 = arith.constant 0 : i32
      %dma_start3A_435 = tpu.memref_slice %arg2[%dma_start3A_433, %dma_start3A_434] : memref<10240x128xf32, #tpu.memory_space<hbm>> -> memref<10240x128xf32, #tpu.memory_space<hbm>>
      tpu.enqueue_indirect_dma source(%dma_start3A_435 : memref<10240x128xf32, #tpu.memory_space<hbm>>) target(%arg11 : memref<128x128xf32, #tpu.memory_space<vmem>>) offsets(%dma_start3A_432 : memref<128xi32, #tpu.memory_space<vmem>>) semaphore(%arg14 : memref<!tpu.dma_semaphore, #tpu.memory_space<semaphore_mem>>)
      %dma_start3A_436 = arith.constant 3 : i32
      %dma_start3A_437 = arith.constant 0 : i32
      %dma_start3A_438 = tpu.memref_slice %arg10[%dma_start3A_436, %dma_start3A_437] : memref<8x128xi32, #tpu.memory_space<vmem>> -> memref<1x128xi32, #tpu.memory_space<vmem>>
      %dma_start3A_439 = tpu.memref_squeeze %dma_start3A_438 : memref<1x128xi32, #tpu.memory_space<vmem>> -> memref<128xi32, #tpu.memory_space<vmem>>
      %dma_start3A_440 = arith.constant 0 : i32
      %dma_start3A_441 = arith.constant 0 : i32
      %dma_start3A_442 = tpu.memref_slice %arg13[%dma_start3A_440, %dma_start3A_441] : memref<10240x128xf32, #tpu.memory_space<vmem_shared>> -> memref<10240x128xf32, #tpu.memory_space<vmem_shared>>
      tpu.enqueue_indirect_dma source(%arg12 : memref<128x128xf32, #tpu.memory_space<vmem>>) target(%dma_start3A_442 : memref<10240x128xf32, #tpu.memory_space<vmem_shared>>) offsets(%dma_start3A_439 : memref<128xi32, #tpu.memory_space<vmem>>) semaphore(%arg19 : memref<!tpu.dma_semaphore, #tpu.memory_space<semaphore_mem>>) {add = true}
      %dma_wait3A_443 = arith.constant 4 : i32
      %dma_wait3A_444 = arith.constant 0 : i32
      %dma_wait3A_445 = tpu.memref_slice %arg8[%dma_wait3A_443, %dma_wait3A_444] : memref<8x128xi32, #tpu.memory_space<vmem>> -> memref<1x128xi32, #tpu.memory_space<vmem>>
      %dma_wait3A_446 = tpu.memref_squeeze %dma_wait3A_445 : memref<1x128xi32, #tpu.memory_space<vmem>> -> memref<128xi32, #tpu.memory_space<vmem>>
      %dma_wait3A_447 = arith.constant 0 : i32
      %dma_wait3A_448 = arith.constant 0 : i32
      %dma_wait3A_449 = tpu.memref_slice %arg2[%dma_wait3A_447, %dma_wait3A_448] : memref<10240x128xf32, #tpu.memory_space<hbm>> -> memref<10240x128xf32, #tpu.memory_space<hbm>>
      tpu.wait_indirect_dma semaphore(%arg14 : memref<!tpu.dma_semaphore, #tpu.memory_space<semaphore_mem>>) src(%dma_wait3A_449 : memref<10240x128xf32, #tpu.memory_space<hbm>>) dst(%arg11 : memref<128x128xf32, #tpu.memory_space<vmem>>)
      %dma_wait3A_450 = arith.constant 3 : i32
      %dma_wait3A_451 = arith.constant 0 : i32
      %dma_wait3A_452 = tpu.memref_slice %arg10[%dma_wait3A_450, %dma_wait3A_451] : memref<8x128xi32, #tpu.memory_space<vmem>> -> memref<1x128xi32, #tpu.memory_space<vmem>>
      %dma_wait3A_453 = tpu.memref_squeeze %dma_wait3A_452 : memref<1x128xi32, #tpu.memory_space<vmem>> -> memref<128xi32, #tpu.memory_space<vmem>>
      %dma_wait3A_454 = arith.constant 0 : i32
      %dma_wait3A_455 = arith.constant 0 : i32
      %dma_wait3A_456 = tpu.memref_slice %arg13[%dma_wait3A_454, %dma_wait3A_455] : memref<10240x128xf32, #tpu.memory_space<vmem_shared>> -> memref<10240x128xf32, #tpu.memory_space<vmem_shared>>
      tpu.wait_indirect_dma semaphore(%arg19 : memref<!tpu.dma_semaphore, #tpu.memory_space<semaphore_mem>>) src(%arg12 : memref<128x128xf32, #tpu.memory_space<vmem>>) dst(%dma_wait3A_456 : memref<10240x128xf32, #tpu.memory_space<vmem_shared>>)
      %dma_start3A_457 = arith.constant 5 : i32
      %dma_start3A_458 = arith.constant 0 : i32
      %dma_start3A_459 = tpu.memref_slice %arg8[%dma_start3A_457, %dma_start3A_458] : memref<8x128xi32, #tpu.memory_space<vmem>> -> memref<1x128xi32, #tpu.memory_space<vmem>>
      %dma_start3A_460 = tpu.memref_squeeze %dma_start3A_459 : memref<1x128xi32, #tpu.memory_space<vmem>> -> memref<128xi32, #tpu.memory_space<vmem>>
      %dma_start3A_461 = arith.constant 0 : i32
      %dma_start3A_462 = arith.constant 0 : i32
      %dma_start3A_463 = tpu.memref_slice %arg2[%dma_start3A_461, %dma_start3A_462] : memref<10240x128xf32, #tpu.memory_space<hbm>> -> memref<10240x128xf32, #tpu.memory_space<hbm>>
      tpu.enqueue_indirect_dma source(%dma_start3A_463 : memref<10240x128xf32, #tpu.memory_space<hbm>>) target(%arg12 : memref<128x128xf32, #tpu.memory_space<vmem>>) offsets(%dma_start3A_460 : memref<128xi32, #tpu.memory_space<vmem>>) semaphore(%arg15 : memref<!tpu.dma_semaphore, #tpu.memory_space<semaphore_mem>>)
      %dma_start3A_464 = arith.constant 4 : i32
      %dma_start3A_465 = arith.constant 0 : i32
      %dma_start3A_466 = tpu.memref_slice %arg10[%dma_start3A_464, %dma_start3A_465] : memref<8x128xi32, #tpu.memory_space<vmem>> -> memref<1x128xi32, #tpu.memory_space<vmem>>
      %dma_start3A_467 = tpu.memref_squeeze %dma_start3A_466 : memref<1x128xi32, #tpu.memory_space<vmem>> -> memref<128xi32, #tpu.memory_space<vmem>>
      %dma_start3A_468 = arith.constant 0 : i32
      %dma_start3A_469 = arith.constant 0 : i32
      %dma_start3A_470 = tpu.memref_slice %arg13[%dma_start3A_468, %dma_start3A_469] : memref<10240x128xf32, #tpu.memory_space<vmem_shared>> -> memref<10240x128xf32, #tpu.memory_space<vmem_shared>>
      tpu.enqueue_indirect_dma source(%arg11 : memref<128x128xf32, #tpu.memory_space<vmem>>) target(%dma_start3A_470 : memref<10240x128xf32, #tpu.memory_space<vmem_shared>>) offsets(%dma_start3A_467 : memref<128xi32, #tpu.memory_space<vmem>>) semaphore(%arg18 : memref<!tpu.dma_semaphore, #tpu.memory_space<semaphore_mem>>) {add = true}
      %dma_wait3A_471 = arith.constant 5 : i32
      %dma_wait3A_472 = arith.constant 0 : i32
      %dma_wait3A_473 = tpu.memref_slice %arg8[%dma_wait3A_471, %dma_wait3A_472] : memref<8x128xi32, #tpu.memory_space<vmem>> -> memref<1x128xi32, #tpu.memory_space<vmem>>
      %dma_wait3A_474 = tpu.memref_squeeze %dma_wait3A_473 : memref<1x128xi32, #tpu.memory_space<vmem>> -> memref<128xi32, #tpu.memory_space<vmem>>
      %dma_wait3A_475 = arith.constant 0 : i32
      %dma_wait3A_476 = arith.constant 0 : i32
      %dma_wait3A_477 = tpu.memref_slice %arg2[%dma_wait3A_475, %dma_wait3A_476] : memref<10240x128xf32, #tpu.memory_space<hbm>> -> memref<10240x128xf32, #tpu.memory_space<hbm>>
      tpu.wait_indirect_dma semaphore(%arg15 : memref<!tpu.dma_semaphore, #tpu.memory_space<semaphore_mem>>) src(%dma_wait3A_477 : memref<10240x128xf32, #tpu.memory_space<hbm>>) dst(%arg12 : memref<128x128xf32, #tpu.memory_space<vmem>>)
      %dma_wait3A_478 = arith.constant 4 : i32
      %dma_wait3A_479 = arith.constant 0 : i32
      %dma_wait3A_480 = tpu.memref_slice %arg10[%dma_wait3A_478, %dma_wait3A_479] : memref<8x128xi32, #tpu.memory_space<vmem>> -> memref<1x128xi32, #tpu.memory_space<vmem>>
      %dma_wait3A_481 = tpu.memref_squeeze %dma_wait3A_480 : memref<1x128xi32, #tpu.memory_space<vmem>> -> memref<128xi32, #tpu.memory_space<vmem>>
      %dma_wait3A_482 = arith.constant 0 : i32
      %dma_wait3A_483 = arith.constant 0 : i32
      %dma_wait3A_484 = tpu.memref_slice %arg13[%dma_wait3A_482, %dma_wait3A_483] : memref<10240x128xf32, #tpu.memory_space<vmem_shared>> -> memref<10240x128xf32, #tpu.memory_space<vmem_shared>>
      tpu.wait_indirect_dma semaphore(%arg18 : memref<!tpu.dma_semaphore, #tpu.memory_space<semaphore_mem>>) src(%arg11 : memref<128x128xf32, #tpu.memory_space<vmem>>) dst(%dma_wait3A_484 : memref<10240x128xf32, #tpu.memory_space<vmem_shared>>)
      %dma_start3A_485 = arith.constant 6 : i32
      %dma_start3A_486 = arith.constant 0 : i32
      %dma_start3A_487 = tpu.memref_slice %arg8[%dma_start3A_485, %dma_start3A_486] : memref<8x128xi32, #tpu.memory_space<vmem>> -> memref<1x128xi32, #tpu.memory_space<vmem>>
      %dma_start3A_488 = tpu.memref_squeeze %dma_start3A_487 : memref<1x128xi32, #tpu.memory_space<vmem>> -> memref<128xi32, #tpu.memory_space<vmem>>
      %dma_start3A_489 = arith.constant 0 : i32
      %dma_start3A_490 = arith.constant 0 : i32
      %dma_start3A_491 = tpu.memref_slice %arg2[%dma_start3A_489, %dma_start3A_490] : memref<10240x128xf32, #tpu.memory_space<hbm>> -> memref<10240x128xf32, #tpu.memory_space<hbm>>
      tpu.enqueue_indirect_dma source(%dma_start3A_491 : memref<10240x128xf32, #tpu.memory_space<hbm>>) target(%arg11 : memref<128x128xf32, #tpu.memory_space<vmem>>) offsets(%dma_start3A_488 : memref<128xi32, #tpu.memory_space<vmem>>) semaphore(%arg14 : memref<!tpu.dma_semaphore, #tpu.memory_space<semaphore_mem>>)
      %dma_start3A_492 = arith.constant 5 : i32
      %dma_start3A_493 = arith.constant 0 : i32
      %dma_start3A_494 = tpu.memref_slice %arg10[%dma_start3A_492, %dma_start3A_493] : memref<8x128xi32, #tpu.memory_space<vmem>> -> memref<1x128xi32, #tpu.memory_space<vmem>>
      %dma_start3A_495 = tpu.memref_squeeze %dma_start3A_494 : memref<1x128xi32, #tpu.memory_space<vmem>> -> memref<128xi32, #tpu.memory_space<vmem>>
      %dma_start3A_496 = arith.constant 0 : i32
      %dma_start3A_497 = arith.constant 0 : i32
      %dma_start3A_498 = tpu.memref_slice %arg13[%dma_start3A_496, %dma_start3A_497] : memref<10240x128xf32, #tpu.memory_space<vmem_shared>> -> memref<10240x128xf32, #tpu.memory_space<vmem_shared>>
      tpu.enqueue_indirect_dma source(%arg12 : memref<128x128xf32, #tpu.memory_space<vmem>>) target(%dma_start3A_498 : memref<10240x128xf32, #tpu.memory_space<vmem_shared>>) offsets(%dma_start3A_495 : memref<128xi32, #tpu.memory_space<vmem>>) semaphore(%arg19 : memref<!tpu.dma_semaphore, #tpu.memory_space<semaphore_mem>>) {add = true}
      %dma_wait3A_499 = arith.constant 6 : i32
      %dma_wait3A_500 = arith.constant 0 : i32
      %dma_wait3A_501 = tpu.memref_slice %arg8[%dma_wait3A_499, %dma_wait3A_500] : memref<8x128xi32, #tpu.memory_space<vmem>> -> memref<1x128xi32, #tpu.memory_space<vmem>>
      %dma_wait3A_502 = tpu.memref_squeeze %dma_wait3A_501 : memref<1x128xi32, #tpu.memory_space<vmem>> -> memref<128xi32, #tpu.memory_space<vmem>>
      %dma_wait3A_503 = arith.constant 0 : i32
      %dma_wait3A_504 = arith.constant 0 : i32
      %dma_wait3A_505 = tpu.memref_slice %arg2[%dma_wait3A_503, %dma_wait3A_504] : memref<10240x128xf32, #tpu.memory_space<hbm>> -> memref<10240x128xf32, #tpu.memory_space<hbm>>
      tpu.wait_indirect_dma semaphore(%arg14 : memref<!tpu.dma_semaphore, #tpu.memory_space<semaphore_mem>>) src(%dma_wait3A_505 : memref<10240x128xf32, #tpu.memory_space<hbm>>) dst(%arg11 : memref<128x128xf32, #tpu.memory_space<vmem>>)
      %dma_wait3A_506 = arith.constant 5 : i32
      %dma_wait3A_507 = arith.constant 0 : i32
      %dma_wait3A_508 = tpu.memref_slice %arg10[%dma_wait3A_506, %dma_wait3A_507] : memref<8x128xi32, #tpu.memory_space<vmem>> -> memref<1x128xi32, #tpu.memory_space<vmem>>
      %dma_wait3A_509 = tpu.memref_squeeze %dma_wait3A_508 : memref<1x128xi32, #tpu.memory_space<vmem>> -> memref<128xi32, #tpu.memory_space<vmem>>
      %dma_wait3A_510 = arith.constant 0 : i32
      %dma_wait3A_511 = arith.constant 0 : i32
      %dma_wait3A_512 = tpu.memref_slice %arg13[%dma_wait3A_510, %dma_wait3A_511] : memref<10240x128xf32, #tpu.memory_space<vmem_shared>> -> memref<10240x128xf32, #tpu.memory_space<vmem_shared>>
      tpu.wait_indirect_dma semaphore(%arg19 : memref<!tpu.dma_semaphore, #tpu.memory_space<semaphore_mem>>) src(%arg12 : memref<128x128xf32, #tpu.memory_space<vmem>>) dst(%dma_wait3A_512 : memref<10240x128xf32, #tpu.memory_space<vmem_shared>>)
      %dma_start3A_513 = arith.constant 7 : i32
      %dma_start3A_514 = arith.constant 0 : i32
      %dma_start3A_515 = tpu.memref_slice %arg8[%dma_start3A_513, %dma_start3A_514] : memref<8x128xi32, #tpu.memory_space<vmem>> -> memref<1x128xi32, #tpu.memory_space<vmem>>
      %dma_start3A_516 = tpu.memref_squeeze %dma_start3A_515 : memref<1x128xi32, #tpu.memory_space<vmem>> -> memref<128xi32, #tpu.memory_space<vmem>>
      %dma_start3A_517 = arith.constant 0 : i32
      %dma_start3A_518 = arith.constant 0 : i32
      %dma_start3A_519 = tpu.memref_slice %arg2[%dma_start3A_517, %dma_start3A_518] : memref<10240x128xf32, #tpu.memory_space<hbm>> -> memref<10240x128xf32, #tpu.memory_space<hbm>>
      tpu.enqueue_indirect_dma source(%dma_start3A_519 : memref<10240x128xf32, #tpu.memory_space<hbm>>) target(%arg12 : memref<128x128xf32, #tpu.memory_space<vmem>>) offsets(%dma_start3A_516 : memref<128xi32, #tpu.memory_space<vmem>>) semaphore(%arg15 : memref<!tpu.dma_semaphore, #tpu.memory_space<semaphore_mem>>)
      %dma_start3A_520 = arith.constant 6 : i32
      %dma_start3A_521 = arith.constant 0 : i32
      %dma_start3A_522 = tpu.memref_slice %arg10[%dma_start3A_520, %dma_start3A_521] : memref<8x128xi32, #tpu.memory_space<vmem>> -> memref<1x128xi32, #tpu.memory_space<vmem>>
      %dma_start3A_523 = tpu.memref_squeeze %dma_start3A_522 : memref<1x128xi32, #tpu.memory_space<vmem>> -> memref<128xi32, #tpu.memory_space<vmem>>
      %dma_start3A_524 = arith.constant 0 : i32
      %dma_start3A_525 = arith.constant 0 : i32
      %dma_start3A_526 = tpu.memref_slice %arg13[%dma_start3A_524, %dma_start3A_525] : memref<10240x128xf32, #tpu.memory_space<vmem_shared>> -> memref<10240x128xf32, #tpu.memory_space<vmem_shared>>
      tpu.enqueue_indirect_dma source(%arg11 : memref<128x128xf32, #tpu.memory_space<vmem>>) target(%dma_start3A_526 : memref<10240x128xf32, #tpu.memory_space<vmem_shared>>) offsets(%dma_start3A_523 : memref<128xi32, #tpu.memory_space<vmem>>) semaphore(%arg18 : memref<!tpu.dma_semaphore, #tpu.memory_space<semaphore_mem>>) {add = true}
      %dma_wait3A_527 = arith.constant 7 : i32
      %dma_wait3A_528 = arith.constant 0 : i32
      %dma_wait3A_529 = tpu.memref_slice %arg8[%dma_wait3A_527, %dma_wait3A_528] : memref<8x128xi32, #tpu.memory_space<vmem>> -> memref<1x128xi32, #tpu.memory_space<vmem>>
      %dma_wait3A_530 = tpu.memref_squeeze %dma_wait3A_529 : memref<1x128xi32, #tpu.memory_space<vmem>> -> memref<128xi32, #tpu.memory_space<vmem>>
      %dma_wait3A_531 = arith.constant 0 : i32
      %dma_wait3A_532 = arith.constant 0 : i32
      %dma_wait3A_533 = tpu.memref_slice %arg2[%dma_wait3A_531, %dma_wait3A_532] : memref<10240x128xf32, #tpu.memory_space<hbm>> -> memref<10240x128xf32, #tpu.memory_space<hbm>>
      tpu.wait_indirect_dma semaphore(%arg15 : memref<!tpu.dma_semaphore, #tpu.memory_space<semaphore_mem>>) src(%dma_wait3A_533 : memref<10240x128xf32, #tpu.memory_space<hbm>>) dst(%arg12 : memref<128x128xf32, #tpu.memory_space<vmem>>)
      %dma_wait3A_534 = arith.constant 6 : i32
      %dma_wait3A_535 = arith.constant 0 : i32
      %dma_wait3A_536 = tpu.memref_slice %arg10[%dma_wait3A_534, %dma_wait3A_535] : memref<8x128xi32, #tpu.memory_space<vmem>> -> memref<1x128xi32, #tpu.memory_space<vmem>>
      %dma_wait3A_537 = tpu.memref_squeeze %dma_wait3A_536 : memref<1x128xi32, #tpu.memory_space<vmem>> -> memref<128xi32, #tpu.memory_space<vmem>>
      %dma_wait3A_538 = arith.constant 0 : i32
      %dma_wait3A_539 = arith.constant 0 : i32
      %dma_wait3A_540 = tpu.memref_slice %arg13[%dma_wait3A_538, %dma_wait3A_539] : memref<10240x128xf32, #tpu.memory_space<vmem_shared>> -> memref<10240x128xf32, #tpu.memory_space<vmem_shared>>
      tpu.wait_indirect_dma semaphore(%arg18 : memref<!tpu.dma_semaphore, #tpu.memory_space<semaphore_mem>>) src(%arg11 : memref<128x128xf32, #tpu.memory_space<vmem>>) dst(%dma_wait3A_540 : memref<10240x128xf32, #tpu.memory_space<vmem_shared>>)
      %lt3A_541 = arith.constant 4 : i32
      %lt3A_542 = arith.cmpi slt, %scan3A_63, %lt3A_541 : i32
      %convert_element_type3A_543 = arith.extui %lt3A_542 : i1 to i32
      %cond3A_544 = arith.constant 0 : i32
      %cond3A_545 = arith.cmpi ne, %convert_element_type3A_543, %cond3A_544 : i32
      scf.if %cond3A_545 {
        %add3A_553 = arith.constant 1 : i32
        %add3A_554 = arith.addi %add3A_326, %add3A_553 : i32
        %mul3A_555 = arith.constant 8 : i32
        %mul3A_556 = arith.muli %add3A_554, %mul3A_555 : i32
        %dma_wait3A_557 = arith.constant 0 : i32
        %dma_wait3A_558 = tpu.memref_slice %arg3[%add3A, %mul3A_556, %dma_wait3A_557] : memref<32x80x128xi32, #tpu.memory_space<hbm>> -> memref<1x8x128xi32, #tpu.memory_space<hbm>>
        %dma_wait3A_559 = tpu.memref_squeeze %dma_wait3A_558 : memref<1x8x128xi32, #tpu.memory_space<hbm>> -> memref<8x128xi32, #tpu.memory_space<hbm>>
        %dma_wait3A_560 = arith.constant 0 : i32
        %dma_wait3A_561 = tpu.memref_slice %arg3[%add3A, %mul3A_556, %dma_wait3A_560] : memref<32x80x128xi32, #tpu.memory_space<hbm>> -> memref<1x8x128xi32, #tpu.memory_space<hbm>>
        %dma_wait3A_562 = tpu.memref_squeeze %dma_wait3A_561 : memref<1x8x128xi32, #tpu.memory_space<hbm>> -> memref<8x128xi32, #tpu.memory_space<hbm>>
        tpu.wait_dma2 semaphore(%arg16 : memref<!tpu.dma_semaphore, #tpu.memory_space<semaphore_mem>>) src(%dma_wait3A_562 : memref<8x128xi32, #tpu.memory_space<hbm>>) dst(%arg7 : memref<8x128xi32, #tpu.memory_space<vmem>>)
        %mul3A_563 = arith.constant 8 : i32
        %mul3A_564 = arith.muli %add3A_554, %mul3A_563 : i32
        %dma_wait3A_565 = arith.constant 0 : i32
        %dma_wait3A_566 = tpu.memref_slice %arg4[%add3A_3, %mul3A_564, %dma_wait3A_565] : memref<32x80x128xi32, #tpu.memory_space<hbm>> -> memref<1x8x128xi32, #tpu.memory_space<hbm>>
        %dma_wait3A_567 = tpu.memref_squeeze %dma_wait3A_566 : memref<1x8x128xi32, #tpu.memory_space<hbm>> -> memref<8x128xi32, #tpu.memory_space<hbm>>
        %dma_wait3A_568 = arith.constant 0 : i32
        %dma_wait3A_569 = tpu.memref_slice %arg4[%add3A_3, %mul3A_564, %dma_wait3A_568] : memref<32x80x128xi32, #tpu.memory_space<hbm>> -> memref<1x8x128xi32, #tpu.memory_space<hbm>>
        %dma_wait3A_570 = tpu.memref_squeeze %dma_wait3A_569 : memref<1x8x128xi32, #tpu.memory_space<hbm>> -> memref<8x128xi32, #tpu.memory_space<hbm>>
        tpu.wait_dma2 semaphore(%arg16 : memref<!tpu.dma_semaphore, #tpu.memory_space<semaphore_mem>>) src(%dma_wait3A_570 : memref<8x128xi32, #tpu.memory_space<hbm>>) dst(%arg9 : memref<8x128xi32, #tpu.memory_space<vmem>>)
        %dma_start3A_571 = arith.constant 0 : i32
        %dma_start3A_572 = arith.constant 0 : i32
        %dma_start3A_573 = tpu.memref_slice %arg7[%dma_start3A_571, %dma_start3A_572] : memref<8x128xi32, #tpu.memory_space<vmem>> -> memref<1x128xi32, #tpu.memory_space<vmem>>
        %dma_start3A_574 = tpu.memref_squeeze %dma_start3A_573 : memref<1x128xi32, #tpu.memory_space<vmem>> -> memref<128xi32, #tpu.memory_space<vmem>>
        %dma_start3A_575 = arith.constant 0 : i32
        %dma_start3A_576 = arith.constant 0 : i32
        %dma_start3A_577 = tpu.memref_slice %arg2[%dma_start3A_575, %dma_start3A_576] : memref<10240x128xf32, #tpu.memory_space<hbm>> -> memref<10240x128xf32, #tpu.memory_space<hbm>>
        tpu.enqueue_indirect_dma source(%dma_start3A_577 : memref<10240x128xf32, #tpu.memory_space<hbm>>) target(%arg11 : memref<128x128xf32, #tpu.memory_space<vmem>>) offsets(%dma_start3A_574 : memref<128xi32, #tpu.memory_space<vmem>>) semaphore(%arg14 : memref<!tpu.dma_semaphore, #tpu.memory_space<semaphore_mem>>)
      } else {
      }
      %dma_start3A_546 = arith.constant 7 : i32
      %dma_start3A_547 = arith.constant 0 : i32
      %dma_start3A_548 = tpu.memref_slice %arg10[%dma_start3A_546, %dma_start3A_547] : memref<8x128xi32, #tpu.memory_space<vmem>> -> memref<1x128xi32, #tpu.memory_space<vmem>>
      %dma_start3A_549 = tpu.memref_squeeze %dma_start3A_548 : memref<1x128xi32, #tpu.memory_space<vmem>> -> memref<128xi32, #tpu.memory_space<vmem>>
      %dma_start3A_550 = arith.constant 0 : i32
      %dma_start3A_551 = arith.constant 0 : i32
      %dma_start3A_552 = tpu.memref_slice %arg13[%dma_start3A_550, %dma_start3A_551] : memref<10240x128xf32, #tpu.memory_space<vmem_shared>> -> memref<10240x128xf32, #tpu.memory_space<vmem_shared>>
      tpu.enqueue_indirect_dma source(%arg12 : memref<128x128xf32, #tpu.memory_space<vmem>>) target(%dma_start3A_552 : memref<10240x128xf32, #tpu.memory_space<vmem_shared>>) offsets(%dma_start3A_549 : memref<128xi32, #tpu.memory_space<vmem>>) semaphore(%arg19 : memref<!tpu.dma_semaphore, #tpu.memory_space<semaphore_mem>>) {add = true}
    }
    %scan3A_47 = arith.constant 5 : i32
    %dma_wait3A_48 = arith.constant 7 : i32
    %dma_wait3A_49 = arith.constant 0 : i32
    %dma_wait3A_50 = tpu.memref_slice %arg10[%dma_wait3A_48, %dma_wait3A_49] : memref<8x128xi32, #tpu.memory_space<vmem>> -> memref<1x128xi32, #tpu.memory_space<vmem>>
    %dma_wait3A_51 = tpu.memref_squeeze %dma_wait3A_50 : memref<1x128xi32, #tpu.memory_space<vmem>> -> memref<128xi32, #tpu.memory_space<vmem>>
    %dma_wait3A_52 = arith.constant 0 : i32
    %dma_wait3A_53 = arith.constant 0 : i32
    %dma_wait3A_54 = tpu.memref_slice %arg13[%dma_wait3A_52, %dma_wait3A_53] : memref<10240x128xf32, #tpu.memory_space<vmem_shared>> -> memref<10240x128xf32, #tpu.memory_space<vmem_shared>>
    tpu.wait_indirect_dma semaphore(%arg19 : memref<!tpu.dma_semaphore, #tpu.memory_space<semaphore_mem>>) src(%arg12 : memref<128x128xf32, #tpu.memory_space<vmem>>) dst(%dma_wait3A_54 : memref<10240x128xf32, #tpu.memory_space<vmem_shared>>)
    %barrier3A_55 = arith.constant 0 : index
    tpu.barrier barrier_id(%barrier3A_55)
    %mul3A_56 = arith.constant 640 : i32
    %mul3A_57 = arith.muli %arg1, %mul3A_56 : i32
    %mul3A_58 = arith.constant 10240 : i32
    %mul3A_59 = arith.muli %arg0, %mul3A_58 : i32
    %mul3A_60 = arith.constant 640 : i32
    %mul3A_61 = arith.muli %arg1, %mul3A_60 : i32
    %add3A_62 = arith.addi %mul3A_59, %mul3A_61 : i32
    "tpu.region"() ({
      %run_scoped3A = tpu.sem_alloc : memref<!tpu.dma_semaphore, #tpu.memory_space<semaphore_mem>>
      %dma_start3A_63 = arith.constant 0 : i32
      %dma_start3A_64 = tpu.memref_slice %arg6[%add3A_62, %dma_start3A_63] : memref<20480x128xf32, #tpu.memory_space<hbm>> -> memref<640x128xf32, #tpu.memory_space<hbm>>
      %dma_start3A_65 = arith.constant 0 : i32
      %dma_start3A_66 = tpu.memref_slice %arg13[%mul3A_57, %dma_start3A_65] : memref<10240x128xf32, #tpu.memory_space<vmem_shared>> -> memref<640x128xf32, #tpu.memory_space<vmem_shared>>
      tpu.enqueue_dma source(%dma_start3A_66 : memref<640x128xf32, #tpu.memory_space<vmem_shared>>) target(%dma_start3A_64 : memref<640x128xf32, #tpu.memory_space<hbm>>) target_semaphore(%run_scoped3A : memref<!tpu.dma_semaphore, #tpu.memory_space<semaphore_mem>>)
      %dma_wait3A_67 = arith.constant 0 : i32
      %dma_wait3A_68 = tpu.memref_slice %arg6[%add3A_62, %dma_wait3A_67] : memref<20480x128xf32, #tpu.memory_space<hbm>> -> memref<640x128xf32, #tpu.memory_space<hbm>>
      %dma_wait3A_69 = arith.constant 0 : i32
      %dma_wait3A_70 = tpu.memref_slice %arg13[%mul3A_57, %dma_wait3A_69] : memref<10240x128xf32, #tpu.memory_space<vmem_shared>> -> memref<640x128xf32, #tpu.memory_space<vmem_shared>>
      tpu.wait_dma2 semaphore(%run_scoped3A : memref<!tpu.dma_semaphore, #tpu.memory_space<semaphore_mem>>) src(%dma_wait3A_70 : memref<640x128xf32, #tpu.memory_space<vmem_shared>>) dst(%dma_wait3A_68 : memref<640x128xf32, #tpu.memory_space<hbm>>)
      tpu.yield
    }) : () -> ()
    return
  }
}

#map = affine_map<(d0, d1) -> (0, 0, 0)>
#map1 = affine_map<(d0, d1) -> (0, 0)>
module attributes {stable_mosaic.version = 14 : i64} {
  func.func @deg_kernel(%arg0: i32, %arg1: i32, %arg2: memref<32x80x128xi32, #tpu.memory_space<hbm>>, %arg3: memref<128x128xf32, #tpu.memory_space<hbm>>, %arg4: memref<640x128xf32, #tpu.memory_space<hbm>>, %arg5: memref<20480x128xf32, #tpu.memory_space<hbm>>, %arg6: memref<8x128xi32, #tpu.memory_space<vmem>>, %arg7: memref<128x128xf32, #tpu.memory_space<vmem>>, %arg8: memref<10240x128xf32, #tpu.memory_space<vmem_shared>>) attributes {dimension_semantics = [#tpu.dimension_semantics<core_parallel>, #tpu.dimension_semantics<subcore_parallel>], iteration_bounds = array<i64: 2, 16>, scalar_prefetch = 0 : i64, scratch_operands = 3 : i64, tpu.core_type = #tpu.core_type<sc_vector_subcore>, window_params = [{transform_indices = #map}, {transform_indices = #map1}, {transform_indices = #map1}, {transform_indices = #map1}]} {
    %mul3A = arith.constant 16 : i32
    %mul3A_0 = arith.muli %arg0, %mul3A : i32
    %add3A = arith.addi %mul3A_0, %arg1 : i32
    "tpu.region"() ({
      %run_scoped3A = tpu.sem_alloc : memref<!tpu.dma_semaphore, #tpu.memory_space<semaphore_mem>>
      tpu.enqueue_dma source(%arg3 : memref<128x128xf32, #tpu.memory_space<hbm>>) target(%arg7 : memref<128x128xf32, #tpu.memory_space<vmem>>) target_semaphore(%run_scoped3A : memref<!tpu.dma_semaphore, #tpu.memory_space<semaphore_mem>>)
      tpu.wait_dma2 semaphore(%run_scoped3A : memref<!tpu.dma_semaphore, #tpu.memory_space<semaphore_mem>>) src(%arg3 : memref<128x128xf32, #tpu.memory_space<hbm>>) dst(%arg7 : memref<128x128xf32, #tpu.memory_space<vmem>>)
      tpu.yield
    }) : () -> ()
    %mul3A_1 = arith.constant 640 : i32
    %mul3A_2 = arith.muli %arg1, %mul3A_1 : i32
    "tpu.region"() ({
      %run_scoped3A = tpu.sem_alloc : memref<!tpu.dma_semaphore, #tpu.memory_space<semaphore_mem>>
      %dma_start3A = arith.constant 0 : i32
      %dma_start3A_16 = tpu.memref_slice %arg8[%mul3A_2, %dma_start3A] : memref<10240x128xf32, #tpu.memory_space<vmem_shared>> -> memref<640x128xf32, #tpu.memory_space<vmem_shared>>
      tpu.enqueue_dma source(%arg4 : memref<640x128xf32, #tpu.memory_space<hbm>>) target(%dma_start3A_16 : memref<640x128xf32, #tpu.memory_space<vmem_shared>>) target_semaphore(%run_scoped3A : memref<!tpu.dma_semaphore, #tpu.memory_space<semaphore_mem>>)
      %dma_wait3A = arith.constant 0 : i32
      %dma_wait3A_17 = tpu.memref_slice %arg8[%mul3A_2, %dma_wait3A] : memref<10240x128xf32, #tpu.memory_space<vmem_shared>> -> memref<640x128xf32, #tpu.memory_space<vmem_shared>>
      tpu.wait_dma2 semaphore(%run_scoped3A : memref<!tpu.dma_semaphore, #tpu.memory_space<semaphore_mem>>) src(%arg4 : memref<640x128xf32, #tpu.memory_space<hbm>>) dst(%dma_wait3A_17 : memref<640x128xf32, #tpu.memory_space<vmem_shared>>)
      tpu.yield
    }) : () -> ()
    %barrier3A = arith.constant 0 : index
    tpu.barrier barrier_id(%barrier3A)
    %scan3A = arith.constant 0 : i32
    %scan3A_3 = arith.constant 0 : i32
    %scan3A_4 = arith.constant 10 : i32
    %scan3A_5 = arith.addi %scan3A_3, %scan3A_4 : i32
    %scan3A_6 = arith.constant 1 : i32
    scf.for %scan3A_16 = %scan3A_3 to %scan3A_5 step %scan3A_6  : i32 {
      %mul3A_17 = arith.constant 8 : i32
      %mul3A_18 = arith.muli %scan3A_16, %mul3A_17 : i32
      "tpu.region"() ({
        %run_scoped3A_26 = tpu.sem_alloc : memref<!tpu.dma_semaphore, #tpu.memory_space<semaphore_mem>>
        %dma_start3A = arith.constant 0 : i32
        %dma_start3A_27 = tpu.memref_slice %arg2[%add3A, %mul3A_18, %dma_start3A] : memref<32x80x128xi32, #tpu.memory_space<hbm>> -> memref<1x8x128xi32, #tpu.memory_space<hbm>>
        %dma_start3A_28 = tpu.memref_squeeze %dma_start3A_27 : memref<1x8x128xi32, #tpu.memory_space<hbm>> -> memref<8x128xi32, #tpu.memory_space<hbm>>
        %dma_start3A_29 = arith.constant 0 : i32
        %dma_start3A_30 = tpu.memref_slice %arg2[%add3A, %mul3A_18, %dma_start3A_29] : memref<32x80x128xi32, #tpu.memory_space<hbm>> -> memref<1x8x128xi32, #tpu.memory_space<hbm>>
        %dma_start3A_31 = tpu.memref_squeeze %dma_start3A_30 : memref<1x8x128xi32, #tpu.memory_space<hbm>> -> memref<8x128xi32, #tpu.memory_space<hbm>>
        tpu.enqueue_dma source(%dma_start3A_31 : memref<8x128xi32, #tpu.memory_space<hbm>>) target(%arg6 : memref<8x128xi32, #tpu.memory_space<vmem>>) target_semaphore(%run_scoped3A_26 : memref<!tpu.dma_semaphore, #tpu.memory_space<semaphore_mem>>)
        %dma_wait3A = arith.constant 0 : i32
        %dma_wait3A_32 = tpu.memref_slice %arg2[%add3A, %mul3A_18, %dma_wait3A] : memref<32x80x128xi32, #tpu.memory_space<hbm>> -> memref<1x8x128xi32, #tpu.memory_space<hbm>>
        %dma_wait3A_33 = tpu.memref_squeeze %dma_wait3A_32 : memref<1x8x128xi32, #tpu.memory_space<hbm>> -> memref<8x128xi32, #tpu.memory_space<hbm>>
        %dma_wait3A_34 = arith.constant 0 : i32
        %dma_wait3A_35 = tpu.memref_slice %arg2[%add3A, %mul3A_18, %dma_wait3A_34] : memref<32x80x128xi32, #tpu.memory_space<hbm>> -> memref<1x8x128xi32, #tpu.memory_space<hbm>>
        %dma_wait3A_36 = tpu.memref_squeeze %dma_wait3A_35 : memref<1x8x128xi32, #tpu.memory_space<hbm>> -> memref<8x128xi32, #tpu.memory_space<hbm>>
        tpu.wait_dma2 semaphore(%run_scoped3A_26 : memref<!tpu.dma_semaphore, #tpu.memory_space<semaphore_mem>>) src(%dma_wait3A_36 : memref<8x128xi32, #tpu.memory_space<hbm>>) dst(%arg6 : memref<8x128xi32, #tpu.memory_space<vmem>>)
        tpu.yield
      }) : () -> ()
      %run_scoped3A = arith.constant 0 : i32
      "tpu.region"() ({
        %run_scoped3A_26 = tpu.sem_alloc : memref<!tpu.dma_semaphore, #tpu.memory_space<semaphore_mem>>
        %dma_start3A = arith.constant 0 : i32
        %dma_start3A_27 = tpu.memref_slice %arg6[%run_scoped3A, %dma_start3A] : memref<8x128xi32, #tpu.memory_space<vmem>> -> memref<1x128xi32, #tpu.memory_space<vmem>>
        %dma_start3A_28 = tpu.memref_squeeze %dma_start3A_27 : memref<1x128xi32, #tpu.memory_space<vmem>> -> memref<128xi32, #tpu.memory_space<vmem>>
        %dma_start3A_29 = arith.constant 0 : i32
        %dma_start3A_30 = arith.constant 0 : i32
        %dma_start3A_31 = tpu.memref_slice %arg8[%dma_start3A_29, %dma_start3A_30] : memref<10240x128xf32, #tpu.memory_space<vmem_shared>> -> memref<10240x128xf32, #tpu.memory_space<vmem_shared>>
        tpu.enqueue_indirect_dma source(%arg7 : memref<128x128xf32, #tpu.memory_space<vmem>>) target(%dma_start3A_31 : memref<10240x128xf32, #tpu.memory_space<vmem_shared>>) offsets(%dma_start3A_28 : memref<128xi32, #tpu.memory_space<vmem>>) semaphore(%run_scoped3A_26 : memref<!tpu.dma_semaphore, #tpu.memory_space<semaphore_mem>>) {add = true}
        %dma_wait3A = arith.constant 0 : i32
        %dma_wait3A_32 = tpu.memref_slice %arg6[%run_scoped3A, %dma_wait3A] : memref<8x128xi32, #tpu.memory_space<vmem>> -> memref<1x128xi32, #tpu.memory_space<vmem>>
        %dma_wait3A_33 = tpu.memref_squeeze %dma_wait3A_32 : memref<1x128xi32, #tpu.memory_space<vmem>> -> memref<128xi32, #tpu.memory_space<vmem>>
        %dma_wait3A_34 = arith.constant 0 : i32
        %dma_wait3A_35 = arith.constant 0 : i32
        %dma_wait3A_36 = tpu.memref_slice %arg8[%dma_wait3A_34, %dma_wait3A_35] : memref<10240x128xf32, #tpu.memory_space<vmem_shared>> -> memref<10240x128xf32, #tpu.memory_space<vmem_shared>>
        tpu.wait_indirect_dma semaphore(%run_scoped3A_26 : memref<!tpu.dma_semaphore, #tpu.memory_space<semaphore_mem>>) src(%arg7 : memref<128x128xf32, #tpu.memory_space<vmem>>) dst(%dma_wait3A_36 : memref<10240x128xf32, #tpu.memory_space<vmem_shared>>)
        tpu.yield
      }) : () -> ()
      %run_scoped3A_19 = arith.constant 1 : i32
      "tpu.region"() ({
        %run_scoped3A_26 = tpu.sem_alloc : memref<!tpu.dma_semaphore, #tpu.memory_space<semaphore_mem>>
        %dma_start3A = arith.constant 0 : i32
        %dma_start3A_27 = tpu.memref_slice %arg6[%run_scoped3A_19, %dma_start3A] : memref<8x128xi32, #tpu.memory_space<vmem>> -> memref<1x128xi32, #tpu.memory_space<vmem>>
        %dma_start3A_28 = tpu.memref_squeeze %dma_start3A_27 : memref<1x128xi32, #tpu.memory_space<vmem>> -> memref<128xi32, #tpu.memory_space<vmem>>
        %dma_start3A_29 = arith.constant 0 : i32
        %dma_start3A_30 = arith.constant 0 : i32
        %dma_start3A_31 = tpu.memref_slice %arg8[%dma_start3A_29, %dma_start3A_30] : memref<10240x128xf32, #tpu.memory_space<vmem_shared>> -> memref<10240x128xf32, #tpu.memory_space<vmem_shared>>
        tpu.enqueue_indirect_dma source(%arg7 : memref<128x128xf32, #tpu.memory_space<vmem>>) target(%dma_start3A_31 : memref<10240x128xf32, #tpu.memory_space<vmem_shared>>) offsets(%dma_start3A_28 : memref<128xi32, #tpu.memory_space<vmem>>) semaphore(%run_scoped3A_26 : memref<!tpu.dma_semaphore, #tpu.memory_space<semaphore_mem>>) {add = true}
        %dma_wait3A = arith.constant 0 : i32
        %dma_wait3A_32 = tpu.memref_slice %arg6[%run_scoped3A_19, %dma_wait3A] : memref<8x128xi32, #tpu.memory_space<vmem>> -> memref<1x128xi32, #tpu.memory_space<vmem>>
        %dma_wait3A_33 = tpu.memref_squeeze %dma_wait3A_32 : memref<1x128xi32, #tpu.memory_space<vmem>> -> memref<128xi32, #tpu.memory_space<vmem>>
        %dma_wait3A_34 = arith.constant 0 : i32
        %dma_wait3A_35 = arith.constant 0 : i32
        %dma_wait3A_36 = tpu.memref_slice %arg8[%dma_wait3A_34, %dma_wait3A_35] : memref<10240x128xf32, #tpu.memory_space<vmem_shared>> -> memref<10240x128xf32, #tpu.memory_space<vmem_shared>>
        tpu.wait_indirect_dma semaphore(%run_scoped3A_26 : memref<!tpu.dma_semaphore, #tpu.memory_space<semaphore_mem>>) src(%arg7 : memref<128x128xf32, #tpu.memory_space<vmem>>) dst(%dma_wait3A_36 : memref<10240x128xf32, #tpu.memory_space<vmem_shared>>)
        tpu.yield
      }) : () -> ()
      %run_scoped3A_20 = arith.constant 2 : i32
      "tpu.region"() ({
        %run_scoped3A_26 = tpu.sem_alloc : memref<!tpu.dma_semaphore, #tpu.memory_space<semaphore_mem>>
        %dma_start3A = arith.constant 0 : i32
        %dma_start3A_27 = tpu.memref_slice %arg6[%run_scoped3A_20, %dma_start3A] : memref<8x128xi32, #tpu.memory_space<vmem>> -> memref<1x128xi32, #tpu.memory_space<vmem>>
        %dma_start3A_28 = tpu.memref_squeeze %dma_start3A_27 : memref<1x128xi32, #tpu.memory_space<vmem>> -> memref<128xi32, #tpu.memory_space<vmem>>
        %dma_start3A_29 = arith.constant 0 : i32
        %dma_start3A_30 = arith.constant 0 : i32
        %dma_start3A_31 = tpu.memref_slice %arg8[%dma_start3A_29, %dma_start3A_30] : memref<10240x128xf32, #tpu.memory_space<vmem_shared>> -> memref<10240x128xf32, #tpu.memory_space<vmem_shared>>
        tpu.enqueue_indirect_dma source(%arg7 : memref<128x128xf32, #tpu.memory_space<vmem>>) target(%dma_start3A_31 : memref<10240x128xf32, #tpu.memory_space<vmem_shared>>) offsets(%dma_start3A_28 : memref<128xi32, #tpu.memory_space<vmem>>) semaphore(%run_scoped3A_26 : memref<!tpu.dma_semaphore, #tpu.memory_space<semaphore_mem>>) {add = true}
        %dma_wait3A = arith.constant 0 : i32
        %dma_wait3A_32 = tpu.memref_slice %arg6[%run_scoped3A_20, %dma_wait3A] : memref<8x128xi32, #tpu.memory_space<vmem>> -> memref<1x128xi32, #tpu.memory_space<vmem>>
        %dma_wait3A_33 = tpu.memref_squeeze %dma_wait3A_32 : memref<1x128xi32, #tpu.memory_space<vmem>> -> memref<128xi32, #tpu.memory_space<vmem>>
        %dma_wait3A_34 = arith.constant 0 : i32
        %dma_wait3A_35 = arith.constant 0 : i32
        %dma_wait3A_36 = tpu.memref_slice %arg8[%dma_wait3A_34, %dma_wait3A_35] : memref<10240x128xf32, #tpu.memory_space<vmem_shared>> -> memref<10240x128xf32, #tpu.memory_space<vmem_shared>>
        tpu.wait_indirect_dma semaphore(%run_scoped3A_26 : memref<!tpu.dma_semaphore, #tpu.memory_space<semaphore_mem>>) src(%arg7 : memref<128x128xf32, #tpu.memory_space<vmem>>) dst(%dma_wait3A_36 : memref<10240x128xf32, #tpu.memory_space<vmem_shared>>)
        tpu.yield
      }) : () -> ()
      %run_scoped3A_21 = arith.constant 3 : i32
      "tpu.region"() ({
        %run_scoped3A_26 = tpu.sem_alloc : memref<!tpu.dma_semaphore, #tpu.memory_space<semaphore_mem>>
        %dma_start3A = arith.constant 0 : i32
        %dma_start3A_27 = tpu.memref_slice %arg6[%run_scoped3A_21, %dma_start3A] : memref<8x128xi32, #tpu.memory_space<vmem>> -> memref<1x128xi32, #tpu.memory_space<vmem>>
        %dma_start3A_28 = tpu.memref_squeeze %dma_start3A_27 : memref<1x128xi32, #tpu.memory_space<vmem>> -> memref<128xi32, #tpu.memory_space<vmem>>
        %dma_start3A_29 = arith.constant 0 : i32
        %dma_start3A_30 = arith.constant 0 : i32
        %dma_start3A_31 = tpu.memref_slice %arg8[%dma_start3A_29, %dma_start3A_30] : memref<10240x128xf32, #tpu.memory_space<vmem_shared>> -> memref<10240x128xf32, #tpu.memory_space<vmem_shared>>
        tpu.enqueue_indirect_dma source(%arg7 : memref<128x128xf32, #tpu.memory_space<vmem>>) target(%dma_start3A_31 : memref<10240x128xf32, #tpu.memory_space<vmem_shared>>) offsets(%dma_start3A_28 : memref<128xi32, #tpu.memory_space<vmem>>) semaphore(%run_scoped3A_26 : memref<!tpu.dma_semaphore, #tpu.memory_space<semaphore_mem>>) {add = true}
        %dma_wait3A = arith.constant 0 : i32
        %dma_wait3A_32 = tpu.memref_slice %arg6[%run_scoped3A_21, %dma_wait3A] : memref<8x128xi32, #tpu.memory_space<vmem>> -> memref<1x128xi32, #tpu.memory_space<vmem>>
        %dma_wait3A_33 = tpu.memref_squeeze %dma_wait3A_32 : memref<1x128xi32, #tpu.memory_space<vmem>> -> memref<128xi32, #tpu.memory_space<vmem>>
        %dma_wait3A_34 = arith.constant 0 : i32
        %dma_wait3A_35 = arith.constant 0 : i32
        %dma_wait3A_36 = tpu.memref_slice %arg8[%dma_wait3A_34, %dma_wait3A_35] : memref<10240x128xf32, #tpu.memory_space<vmem_shared>> -> memref<10240x128xf32, #tpu.memory_space<vmem_shared>>
        tpu.wait_indirect_dma semaphore(%run_scoped3A_26 : memref<!tpu.dma_semaphore, #tpu.memory_space<semaphore_mem>>) src(%arg7 : memref<128x128xf32, #tpu.memory_space<vmem>>) dst(%dma_wait3A_36 : memref<10240x128xf32, #tpu.memory_space<vmem_shared>>)
        tpu.yield
      }) : () -> ()
      %run_scoped3A_22 = arith.constant 4 : i32
      "tpu.region"() ({
        %run_scoped3A_26 = tpu.sem_alloc : memref<!tpu.dma_semaphore, #tpu.memory_space<semaphore_mem>>
        %dma_start3A = arith.constant 0 : i32
        %dma_start3A_27 = tpu.memref_slice %arg6[%run_scoped3A_22, %dma_start3A] : memref<8x128xi32, #tpu.memory_space<vmem>> -> memref<1x128xi32, #tpu.memory_space<vmem>>
        %dma_start3A_28 = tpu.memref_squeeze %dma_start3A_27 : memref<1x128xi32, #tpu.memory_space<vmem>> -> memref<128xi32, #tpu.memory_space<vmem>>
        %dma_start3A_29 = arith.constant 0 : i32
        %dma_start3A_30 = arith.constant 0 : i32
        %dma_start3A_31 = tpu.memref_slice %arg8[%dma_start3A_29, %dma_start3A_30] : memref<10240x128xf32, #tpu.memory_space<vmem_shared>> -> memref<10240x128xf32, #tpu.memory_space<vmem_shared>>
        tpu.enqueue_indirect_dma source(%arg7 : memref<128x128xf32, #tpu.memory_space<vmem>>) target(%dma_start3A_31 : memref<10240x128xf32, #tpu.memory_space<vmem_shared>>) offsets(%dma_start3A_28 : memref<128xi32, #tpu.memory_space<vmem>>) semaphore(%run_scoped3A_26 : memref<!tpu.dma_semaphore, #tpu.memory_space<semaphore_mem>>) {add = true}
        %dma_wait3A = arith.constant 0 : i32
        %dma_wait3A_32 = tpu.memref_slice %arg6[%run_scoped3A_22, %dma_wait3A] : memref<8x128xi32, #tpu.memory_space<vmem>> -> memref<1x128xi32, #tpu.memory_space<vmem>>
        %dma_wait3A_33 = tpu.memref_squeeze %dma_wait3A_32 : memref<1x128xi32, #tpu.memory_space<vmem>> -> memref<128xi32, #tpu.memory_space<vmem>>
        %dma_wait3A_34 = arith.constant 0 : i32
        %dma_wait3A_35 = arith.constant 0 : i32
        %dma_wait3A_36 = tpu.memref_slice %arg8[%dma_wait3A_34, %dma_wait3A_35] : memref<10240x128xf32, #tpu.memory_space<vmem_shared>> -> memref<10240x128xf32, #tpu.memory_space<vmem_shared>>
        tpu.wait_indirect_dma semaphore(%run_scoped3A_26 : memref<!tpu.dma_semaphore, #tpu.memory_space<semaphore_mem>>) src(%arg7 : memref<128x128xf32, #tpu.memory_space<vmem>>) dst(%dma_wait3A_36 : memref<10240x128xf32, #tpu.memory_space<vmem_shared>>)
        tpu.yield
      }) : () -> ()
      %run_scoped3A_23 = arith.constant 5 : i32
      "tpu.region"() ({
        %run_scoped3A_26 = tpu.sem_alloc : memref<!tpu.dma_semaphore, #tpu.memory_space<semaphore_mem>>
        %dma_start3A = arith.constant 0 : i32
        %dma_start3A_27 = tpu.memref_slice %arg6[%run_scoped3A_23, %dma_start3A] : memref<8x128xi32, #tpu.memory_space<vmem>> -> memref<1x128xi32, #tpu.memory_space<vmem>>
        %dma_start3A_28 = tpu.memref_squeeze %dma_start3A_27 : memref<1x128xi32, #tpu.memory_space<vmem>> -> memref<128xi32, #tpu.memory_space<vmem>>
        %dma_start3A_29 = arith.constant 0 : i32
        %dma_start3A_30 = arith.constant 0 : i32
        %dma_start3A_31 = tpu.memref_slice %arg8[%dma_start3A_29, %dma_start3A_30] : memref<10240x128xf32, #tpu.memory_space<vmem_shared>> -> memref<10240x128xf32, #tpu.memory_space<vmem_shared>>
        tpu.enqueue_indirect_dma source(%arg7 : memref<128x128xf32, #tpu.memory_space<vmem>>) target(%dma_start3A_31 : memref<10240x128xf32, #tpu.memory_space<vmem_shared>>) offsets(%dma_start3A_28 : memref<128xi32, #tpu.memory_space<vmem>>) semaphore(%run_scoped3A_26 : memref<!tpu.dma_semaphore, #tpu.memory_space<semaphore_mem>>) {add = true}
        %dma_wait3A = arith.constant 0 : i32
        %dma_wait3A_32 = tpu.memref_slice %arg6[%run_scoped3A_23, %dma_wait3A] : memref<8x128xi32, #tpu.memory_space<vmem>> -> memref<1x128xi32, #tpu.memory_space<vmem>>
        %dma_wait3A_33 = tpu.memref_squeeze %dma_wait3A_32 : memref<1x128xi32, #tpu.memory_space<vmem>> -> memref<128xi32, #tpu.memory_space<vmem>>
        %dma_wait3A_34 = arith.constant 0 : i32
        %dma_wait3A_35 = arith.constant 0 : i32
        %dma_wait3A_36 = tpu.memref_slice %arg8[%dma_wait3A_34, %dma_wait3A_35] : memref<10240x128xf32, #tpu.memory_space<vmem_shared>> -> memref<10240x128xf32, #tpu.memory_space<vmem_shared>>
        tpu.wait_indirect_dma semaphore(%run_scoped3A_26 : memref<!tpu.dma_semaphore, #tpu.memory_space<semaphore_mem>>) src(%arg7 : memref<128x128xf32, #tpu.memory_space<vmem>>) dst(%dma_wait3A_36 : memref<10240x128xf32, #tpu.memory_space<vmem_shared>>)
        tpu.yield
      }) : () -> ()
      %run_scoped3A_24 = arith.constant 6 : i32
      "tpu.region"() ({
        %run_scoped3A_26 = tpu.sem_alloc : memref<!tpu.dma_semaphore, #tpu.memory_space<semaphore_mem>>
        %dma_start3A = arith.constant 0 : i32
        %dma_start3A_27 = tpu.memref_slice %arg6[%run_scoped3A_24, %dma_start3A] : memref<8x128xi32, #tpu.memory_space<vmem>> -> memref<1x128xi32, #tpu.memory_space<vmem>>
        %dma_start3A_28 = tpu.memref_squeeze %dma_start3A_27 : memref<1x128xi32, #tpu.memory_space<vmem>> -> memref<128xi32, #tpu.memory_space<vmem>>
        %dma_start3A_29 = arith.constant 0 : i32
        %dma_start3A_30 = arith.constant 0 : i32
        %dma_start3A_31 = tpu.memref_slice %arg8[%dma_start3A_29, %dma_start3A_30] : memref<10240x128xf32, #tpu.memory_space<vmem_shared>> -> memref<10240x128xf32, #tpu.memory_space<vmem_shared>>
        tpu.enqueue_indirect_dma source(%arg7 : memref<128x128xf32, #tpu.memory_space<vmem>>) target(%dma_start3A_31 : memref<10240x128xf32, #tpu.memory_space<vmem_shared>>) offsets(%dma_start3A_28 : memref<128xi32, #tpu.memory_space<vmem>>) semaphore(%run_scoped3A_26 : memref<!tpu.dma_semaphore, #tpu.memory_space<semaphore_mem>>) {add = true}
        %dma_wait3A = arith.constant 0 : i32
        %dma_wait3A_32 = tpu.memref_slice %arg6[%run_scoped3A_24, %dma_wait3A] : memref<8x128xi32, #tpu.memory_space<vmem>> -> memref<1x128xi32, #tpu.memory_space<vmem>>
        %dma_wait3A_33 = tpu.memref_squeeze %dma_wait3A_32 : memref<1x128xi32, #tpu.memory_space<vmem>> -> memref<128xi32, #tpu.memory_space<vmem>>
        %dma_wait3A_34 = arith.constant 0 : i32
        %dma_wait3A_35 = arith.constant 0 : i32
        %dma_wait3A_36 = tpu.memref_slice %arg8[%dma_wait3A_34, %dma_wait3A_35] : memref<10240x128xf32, #tpu.memory_space<vmem_shared>> -> memref<10240x128xf32, #tpu.memory_space<vmem_shared>>
        tpu.wait_indirect_dma semaphore(%run_scoped3A_26 : memref<!tpu.dma_semaphore, #tpu.memory_space<semaphore_mem>>) src(%arg7 : memref<128x128xf32, #tpu.memory_space<vmem>>) dst(%dma_wait3A_36 : memref<10240x128xf32, #tpu.memory_space<vmem_shared>>)
        tpu.yield
      }) : () -> ()
      %run_scoped3A_25 = arith.constant 7 : i32
      "tpu.region"() ({
        %run_scoped3A_26 = tpu.sem_alloc : memref<!tpu.dma_semaphore, #tpu.memory_space<semaphore_mem>>
        %dma_start3A = arith.constant 0 : i32
        %dma_start3A_27 = tpu.memref_slice %arg6[%run_scoped3A_25, %dma_start3A] : memref<8x128xi32, #tpu.memory_space<vmem>> -> memref<1x128xi32, #tpu.memory_space<vmem>>
        %dma_start3A_28 = tpu.memref_squeeze %dma_start3A_27 : memref<1x128xi32, #tpu.memory_space<vmem>> -> memref<128xi32, #tpu.memory_space<vmem>>
        %dma_start3A_29 = arith.constant 0 : i32
        %dma_start3A_30 = arith.constant 0 : i32
        %dma_start3A_31 = tpu.memref_slice %arg8[%dma_start3A_29, %dma_start3A_30] : memref<10240x128xf32, #tpu.memory_space<vmem_shared>> -> memref<10240x128xf32, #tpu.memory_space<vmem_shared>>
        tpu.enqueue_indirect_dma source(%arg7 : memref<128x128xf32, #tpu.memory_space<vmem>>) target(%dma_start3A_31 : memref<10240x128xf32, #tpu.memory_space<vmem_shared>>) offsets(%dma_start3A_28 : memref<128xi32, #tpu.memory_space<vmem>>) semaphore(%run_scoped3A_26 : memref<!tpu.dma_semaphore, #tpu.memory_space<semaphore_mem>>) {add = true}
        %dma_wait3A = arith.constant 0 : i32
        %dma_wait3A_32 = tpu.memref_slice %arg6[%run_scoped3A_25, %dma_wait3A] : memref<8x128xi32, #tpu.memory_space<vmem>> -> memref<1x128xi32, #tpu.memory_space<vmem>>
        %dma_wait3A_33 = tpu.memref_squeeze %dma_wait3A_32 : memref<1x128xi32, #tpu.memory_space<vmem>> -> memref<128xi32, #tpu.memory_space<vmem>>
        %dma_wait3A_34 = arith.constant 0 : i32
        %dma_wait3A_35 = arith.constant 0 : i32
        %dma_wait3A_36 = tpu.memref_slice %arg8[%dma_wait3A_34, %dma_wait3A_35] : memref<10240x128xf32, #tpu.memory_space<vmem_shared>> -> memref<10240x128xf32, #tpu.memory_space<vmem_shared>>
        tpu.wait_indirect_dma semaphore(%run_scoped3A_26 : memref<!tpu.dma_semaphore, #tpu.memory_space<semaphore_mem>>) src(%arg7 : memref<128x128xf32, #tpu.memory_space<vmem>>) dst(%dma_wait3A_36 : memref<10240x128xf32, #tpu.memory_space<vmem_shared>>)
        tpu.yield
      }) : () -> ()
    }
    %scan3A_7 = arith.constant 10 : i32
    %barrier3A_8 = arith.constant 0 : index
    tpu.barrier barrier_id(%barrier3A_8)
    %mul3A_9 = arith.constant 640 : i32
    %mul3A_10 = arith.muli %arg1, %mul3A_9 : i32
    %mul3A_11 = arith.constant 10240 : i32
    %mul3A_12 = arith.muli %arg0, %mul3A_11 : i32
    %mul3A_13 = arith.constant 640 : i32
    %mul3A_14 = arith.muli %arg1, %mul3A_13 : i32
    %add3A_15 = arith.addi %mul3A_12, %mul3A_14 : i32
    "tpu.region"() ({
      %run_scoped3A = tpu.sem_alloc : memref<!tpu.dma_semaphore, #tpu.memory_space<semaphore_mem>>
      %dma_start3A = arith.constant 0 : i32
      %dma_start3A_16 = tpu.memref_slice %arg5[%add3A_15, %dma_start3A] : memref<20480x128xf32, #tpu.memory_space<hbm>> -> memref<640x128xf32, #tpu.memory_space<hbm>>
      %dma_start3A_17 = arith.constant 0 : i32
      %dma_start3A_18 = tpu.memref_slice %arg8[%mul3A_10, %dma_start3A_17] : memref<10240x128xf32, #tpu.memory_space<vmem_shared>> -> memref<640x128xf32, #tpu.memory_space<vmem_shared>>
      tpu.enqueue_dma source(%dma_start3A_18 : memref<640x128xf32, #tpu.memory_space<vmem_shared>>) target(%dma_start3A_16 : memref<640x128xf32, #tpu.memory_space<hbm>>) target_semaphore(%run_scoped3A : memref<!tpu.dma_semaphore, #tpu.memory_space<semaphore_mem>>)
      %dma_wait3A = arith.constant 0 : i32
      %dma_wait3A_19 = tpu.memref_slice %arg5[%add3A_15, %dma_wait3A] : memref<20480x128xf32, #tpu.memory_space<hbm>> -> memref<640x128xf32, #tpu.memory_space<hbm>>
      %dma_wait3A_20 = arith.constant 0 : i32
      %dma_wait3A_21 = tpu.memref_slice %arg8[%mul3A_10, %dma_wait3A_20] : memref<10240x128xf32, #tpu.memory_space<vmem_shared>> -> memref<640x128xf32, #tpu.memory_space<vmem_shared>>
      tpu.wait_dma2 semaphore(%run_scoped3A : memref<!tpu.dma_semaphore, #tpu.memory_space<semaphore_mem>>) src(%dma_wait3A_21 : memref<640x128xf32, #tpu.memory_space<vmem_shared>>) dst(%dma_wait3A_19 : memref<640x128xf32, #tpu.memory_space<hbm>>)
      tpu.yield
    }) : () -> ()
    return
  }
}

#map = affine_map<(d0, d1) -> (0, 0)>
#map1 = affine_map<(d0, d1) -> (0, 0, 0)>
module attributes {stable_mosaic.version = 14 : i64} {
  func.func @agg_kernel(%arg0: i32, %arg1: i32, %arg2: memref<20480x128xf32, #tpu.memory_space<hbm>>, %arg3: memref<32x160x128xi32, #tpu.memory_space<hbm>>, %arg4: memref<16x160x128xi32, #tpu.memory_space<hbm>>, %arg5: memref<640x128xf32, #tpu.memory_space<hbm>>, %arg6: memref<20480x128xf32, #tpu.memory_space<hbm>>, %arg7: memref<8x128xi32, #tpu.memory_space<vmem>>, %arg8: memref<8x128xi32, #tpu.memory_space<vmem>>, %arg9: memref<8x128xi32, #tpu.memory_space<vmem>>, %arg10: memref<8x128xi32, #tpu.memory_space<vmem>>, %arg11: memref<128x128xf32, #tpu.memory_space<vmem>>, %arg12: memref<128x128xf32, #tpu.memory_space<vmem>>, %arg13: memref<10240x128xf32, #tpu.memory_space<vmem_shared>>, %arg14: memref<!tpu.dma_semaphore, #tpu.memory_space<semaphore_mem>>, %arg15: memref<!tpu.dma_semaphore, #tpu.memory_space<semaphore_mem>>, %arg16: memref<!tpu.dma_semaphore, #tpu.memory_space<semaphore_mem>>, %arg17: memref<!tpu.dma_semaphore, #tpu.memory_space<semaphore_mem>>, %arg18: memref<!tpu.dma_semaphore, #tpu.memory_space<semaphore_mem>>, %arg19: memref<!tpu.dma_semaphore, #tpu.memory_space<semaphore_mem>>) attributes {dimension_semantics = [#tpu.dimension_semantics<core_parallel>, #tpu.dimension_semantics<subcore_parallel>], iteration_bounds = array<i64: 2, 16>, scalar_prefetch = 0 : i64, scratch_operands = 13 : i64, tpu.core_type = #tpu.core_type<sc_vector_subcore>, window_params = [{transform_indices = #map}, {transform_indices = #map1}, {transform_indices = #map1}, {transform_indices = #map}, {transform_indices = #map}]} {
    %mul3A = arith.constant 16 : i32
    %mul3A_0 = arith.muli %arg0, %mul3A : i32
    %add3A = arith.addi %mul3A_0, %arg1 : i32
    %mul3A_1 = arith.constant 0 : i32
    %mul3A_2 = arith.muli %arg0, %mul3A_1 : i32
    %add3A_3 = arith.addi %mul3A_2, %arg1 : i32
    %mul3A_4 = arith.constant 640 : i32
    %mul3A_5 = arith.muli %arg1, %mul3A_4 : i32
    "tpu.region"() ({
      %run_scoped3A = tpu.sem_alloc : memref<!tpu.dma_semaphore, #tpu.memory_space<semaphore_mem>>
      %dma_start3A_63 = arith.constant 0 : i32
      %dma_start3A_64 = tpu.memref_slice %arg13[%mul3A_5, %dma_start3A_63] : memref<10240x128xf32, #tpu.memory_space<vmem_shared>> -> memref<640x128xf32, #tpu.memory_space<vmem_shared>>
      tpu.enqueue_dma source(%arg5 : memref<640x128xf32, #tpu.memory_space<hbm>>) target(%dma_start3A_64 : memref<640x128xf32, #tpu.memory_space<vmem_shared>>) target_semaphore(%run_scoped3A : memref<!tpu.dma_semaphore, #tpu.memory_space<semaphore_mem>>)
      %dma_wait3A_65 = arith.constant 0 : i32
      %dma_wait3A_66 = tpu.memref_slice %arg13[%mul3A_5, %dma_wait3A_65] : memref<10240x128xf32, #tpu.memory_space<vmem_shared>> -> memref<640x128xf32, #tpu.memory_space<vmem_shared>>
      tpu.wait_dma2 semaphore(%run_scoped3A : memref<!tpu.dma_semaphore, #tpu.memory_space<semaphore_mem>>) src(%arg5 : memref<640x128xf32, #tpu.memory_space<hbm>>) dst(%dma_wait3A_66 : memref<640x128xf32, #tpu.memory_space<vmem_shared>>)
      tpu.yield
    }) : () -> ()
    %barrier3A = arith.constant 0 : index
    tpu.barrier barrier_id(%barrier3A)
    %dma_start3A = arith.constant 0 : i32
    %dma_start3A_6 = arith.constant 0 : i32
    %dma_start3A_7 = tpu.memref_slice %arg3[%add3A, %dma_start3A, %dma_start3A_6] : memref<32x160x128xi32, #tpu.memory_space<hbm>> -> memref<1x8x128xi32, #tpu.memory_space<hbm>>
    %dma_start3A_8 = tpu.memref_squeeze %dma_start3A_7 : memref<1x8x128xi32, #tpu.memory_space<hbm>> -> memref<8x128xi32, #tpu.memory_space<hbm>>
    %dma_start3A_9 = arith.constant 0 : i32
    %dma_start3A_10 = arith.constant 0 : i32
    %dma_start3A_11 = tpu.memref_slice %arg3[%add3A, %dma_start3A_9, %dma_start3A_10] : memref<32x160x128xi32, #tpu.memory_space<hbm>> -> memref<1x8x128xi32, #tpu.memory_space<hbm>>
    %dma_start3A_12 = tpu.memref_squeeze %dma_start3A_11 : memref<1x8x128xi32, #tpu.memory_space<hbm>> -> memref<8x128xi32, #tpu.memory_space<hbm>>
    tpu.enqueue_dma source(%dma_start3A_12 : memref<8x128xi32, #tpu.memory_space<hbm>>) target(%arg7 : memref<8x128xi32, #tpu.memory_space<vmem>>) target_semaphore(%arg16 : memref<!tpu.dma_semaphore, #tpu.memory_space<semaphore_mem>>)
    %dma_start3A_13 = arith.constant 0 : i32
    %dma_start3A_14 = arith.constant 0 : i32
    %dma_start3A_15 = tpu.memref_slice %arg4[%add3A_3, %dma_start3A_13, %dma_start3A_14] : memref<16x160x128xi32, #tpu.memory_space<hbm>> -> memref<1x8x128xi32, #tpu.memory_space<hbm>>
    %dma_start3A_16 = tpu.memref_squeeze %dma_start3A_15 : memref<1x8x128xi32, #tpu.memory_space<hbm>> -> memref<8x128xi32, #tpu.memory_space<hbm>>
    %dma_start3A_17 = arith.constant 0 : i32
    %dma_start3A_18 = arith.constant 0 : i32
    %dma_start3A_19 = tpu.memref_slice %arg4[%add3A_3, %dma_start3A_17, %dma_start3A_18] : memref<16x160x128xi32, #tpu.memory_space<hbm>> -> memref<1x8x128xi32, #tpu.memory_space<hbm>>
    %dma_start3A_20 = tpu.memref_squeeze %dma_start3A_19 : memref<1x8x128xi32, #tpu.memory_space<hbm>> -> memref<8x128xi32, #tpu.memory_space<hbm>>
    tpu.enqueue_dma source(%dma_start3A_20 : memref<8x128xi32, #tpu.memory_space<hbm>>) target(%arg9 : memref<8x128xi32, #tpu.memory_space<vmem>>) target_semaphore(%arg16 : memref<!tpu.dma_semaphore, #tpu.memory_space<semaphore_mem>>)
    %dma_wait3A = arith.constant 0 : i32
    %dma_wait3A_21 = arith.constant 0 : i32
    %dma_wait3A_22 = tpu.memref_slice %arg3[%add3A, %dma_wait3A, %dma_wait3A_21] : memref<32x160x128xi32, #tpu.memory_space<hbm>> -> memref<1x8x128xi32, #tpu.memory_space<hbm>>
    %dma_wait3A_23 = tpu.memref_squeeze %dma_wait3A_22 : memref<1x8x128xi32, #tpu.memory_space<hbm>> -> memref<8x128xi32, #tpu.memory_space<hbm>>
    %dma_wait3A_24 = arith.constant 0 : i32
    %dma_wait3A_25 = arith.constant 0 : i32
    %dma_wait3A_26 = tpu.memref_slice %arg3[%add3A, %dma_wait3A_24, %dma_wait3A_25] : memref<32x160x128xi32, #tpu.memory_space<hbm>> -> memref<1x8x128xi32, #tpu.memory_space<hbm>>
    %dma_wait3A_27 = tpu.memref_squeeze %dma_wait3A_26 : memref<1x8x128xi32, #tpu.memory_space<hbm>> -> memref<8x128xi32, #tpu.memory_space<hbm>>
    tpu.wait_dma2 semaphore(%arg16 : memref<!tpu.dma_semaphore, #tpu.memory_space<semaphore_mem>>) src(%dma_wait3A_27 : memref<8x128xi32, #tpu.memory_space<hbm>>) dst(%arg7 : memref<8x128xi32, #tpu.memory_space<vmem>>)
    %dma_wait3A_28 = arith.constant 0 : i32
    %dma_wait3A_29 = arith.constant 0 : i32
    %dma_wait3A_30 = tpu.memref_slice %arg4[%add3A_3, %dma_wait3A_28, %dma_wait3A_29] : memref<16x160x128xi32, #tpu.memory_space<hbm>> -> memref<1x8x128xi32, #tpu.memory_space<hbm>>
    %dma_wait3A_31 = tpu.memref_squeeze %dma_wait3A_30 : memref<1x8x128xi32, #tpu.memory_space<hbm>> -> memref<8x128xi32, #tpu.memory_space<hbm>>
    %dma_wait3A_32 = arith.constant 0 : i32
    %dma_wait3A_33 = arith.constant 0 : i32
    %dma_wait3A_34 = tpu.memref_slice %arg4[%add3A_3, %dma_wait3A_32, %dma_wait3A_33] : memref<16x160x128xi32, #tpu.memory_space<hbm>> -> memref<1x8x128xi32, #tpu.memory_space<hbm>>
    %dma_wait3A_35 = tpu.memref_squeeze %dma_wait3A_34 : memref<1x8x128xi32, #tpu.memory_space<hbm>> -> memref<8x128xi32, #tpu.memory_space<hbm>>
    tpu.wait_dma2 semaphore(%arg16 : memref<!tpu.dma_semaphore, #tpu.memory_space<semaphore_mem>>) src(%dma_wait3A_35 : memref<8x128xi32, #tpu.memory_space<hbm>>) dst(%arg9 : memref<8x128xi32, #tpu.memory_space<vmem>>)
    %dma_start3A_36 = arith.constant 0 : i32
    %dma_start3A_37 = arith.constant 0 : i32
    %dma_start3A_38 = tpu.memref_slice %arg7[%dma_start3A_36, %dma_start3A_37] : memref<8x128xi32, #tpu.memory_space<vmem>> -> memref<1x128xi32, #tpu.memory_space<vmem>>
    %dma_start3A_39 = tpu.memref_squeeze %dma_start3A_38 : memref<1x128xi32, #tpu.memory_space<vmem>> -> memref<128xi32, #tpu.memory_space<vmem>>
    %dma_start3A_40 = arith.constant 0 : i32
    %dma_start3A_41 = arith.constant 0 : i32
    %dma_start3A_42 = tpu.memref_slice %arg2[%dma_start3A_40, %dma_start3A_41] : memref<20480x128xf32, #tpu.memory_space<hbm>> -> memref<20480x128xf32, #tpu.memory_space<hbm>>
    tpu.enqueue_indirect_dma source(%dma_start3A_42 : memref<20480x128xf32, #tpu.memory_space<hbm>>) target(%arg11 : memref<128x128xf32, #tpu.memory_space<vmem>>) offsets(%dma_start3A_39 : memref<128xi32, #tpu.memory_space<vmem>>) semaphore(%arg14 : memref<!tpu.dma_semaphore, #tpu.memory_space<semaphore_mem>>)
    %scan3A = arith.constant 0 : i32
    %scan3A_43 = arith.constant 0 : i32
    %scan3A_44 = arith.constant 10 : i32
    %scan3A_45 = arith.addi %scan3A_43, %scan3A_44 : i32
    %scan3A_46 = arith.constant 1 : i32
    scf.for %scan3A_63 = %scan3A_43 to %scan3A_45 step %scan3A_46  : i32 {
      %mul3A_64 = arith.constant 2 : i32
      %mul3A_65 = arith.muli %scan3A_63, %mul3A_64 : i32
      %add3A_66 = arith.constant 0 : i32
      %add3A_67 = arith.addi %mul3A_65, %add3A_66 : i32
      %gt3A = arith.constant 0 : i32
      %gt3A_68 = arith.cmpi sgt, %scan3A_63, %gt3A : i32
      %convert_element_type3A = arith.extui %gt3A_68 : i1 to i32
      %cond3A = arith.constant 0 : i32
      %cond3A_69 = arith.cmpi ne, %convert_element_type3A, %cond3A : i32
      scf.if %cond3A_69 {
        %dma_wait3A_553 = arith.constant 7 : i32
        %dma_wait3A_554 = arith.constant 0 : i32
        %dma_wait3A_555 = tpu.memref_slice %arg10[%dma_wait3A_553, %dma_wait3A_554] : memref<8x128xi32, #tpu.memory_space<vmem>> -> memref<1x128xi32, #tpu.memory_space<vmem>>
        %dma_wait3A_556 = tpu.memref_squeeze %dma_wait3A_555 : memref<1x128xi32, #tpu.memory_space<vmem>> -> memref<128xi32, #tpu.memory_space<vmem>>
        %dma_wait3A_557 = arith.constant 0 : i32
        %dma_wait3A_558 = arith.constant 0 : i32
        %dma_wait3A_559 = tpu.memref_slice %arg13[%dma_wait3A_557, %dma_wait3A_558] : memref<10240x128xf32, #tpu.memory_space<vmem_shared>> -> memref<10240x128xf32, #tpu.memory_space<vmem_shared>>
        tpu.wait_indirect_dma semaphore(%arg19 : memref<!tpu.dma_semaphore, #tpu.memory_space<semaphore_mem>>) src(%arg12 : memref<128x128xf32, #tpu.memory_space<vmem>>) dst(%dma_wait3A_559 : memref<10240x128xf32, #tpu.memory_space<vmem_shared>>)
      } else {
      }
      %add3A_70 = arith.constant 1 : i32
      %add3A_71 = arith.addi %add3A_67, %add3A_70 : i32
      %mul3A_72 = arith.constant 8 : i32
      %mul3A_73 = arith.muli %add3A_71, %mul3A_72 : i32
      %dma_start3A_74 = arith.constant 0 : i32
      %dma_start3A_75 = tpu.memref_slice %arg3[%add3A, %mul3A_73, %dma_start3A_74] : memref<32x160x128xi32, #tpu.memory_space<hbm>> -> memref<1x8x128xi32, #tpu.memory_space<hbm>>
      %dma_start3A_76 = tpu.memref_squeeze %dma_start3A_75 : memref<1x8x128xi32, #tpu.memory_space<hbm>> -> memref<8x128xi32, #tpu.memory_space<hbm>>
      %dma_start3A_77 = arith.constant 0 : i32
      %dma_start3A_78 = tpu.memref_slice %arg3[%add3A, %mul3A_73, %dma_start3A_77] : memref<32x160x128xi32, #tpu.memory_space<hbm>> -> memref<1x8x128xi32, #tpu.memory_space<hbm>>
      %dma_start3A_79 = tpu.memref_squeeze %dma_start3A_78 : memref<1x8x128xi32, #tpu.memory_space<hbm>> -> memref<8x128xi32, #tpu.memory_space<hbm>>
      tpu.enqueue_dma source(%dma_start3A_79 : memref<8x128xi32, #tpu.memory_space<hbm>>) target(%arg8 : memref<8x128xi32, #tpu.memory_space<vmem>>) target_semaphore(%arg17 : memref<!tpu.dma_semaphore, #tpu.memory_space<semaphore_mem>>)
      %mul3A_80 = arith.constant 8 : i32
      %mul3A_81 = arith.muli %add3A_71, %mul3A_80 : i32
      %dma_start3A_82 = arith.constant 0 : i32
      %dma_start3A_83 = tpu.memref_slice %arg4[%add3A_3, %mul3A_81, %dma_start3A_82] : memref<16x160x128xi32, #tpu.memory_space<hbm>> -> memref<1x8x128xi32, #tpu.memory_space<hbm>>
      %dma_start3A_84 = tpu.memref_squeeze %dma_start3A_83 : memref<1x8x128xi32, #tpu.memory_space<hbm>> -> memref<8x128xi32, #tpu.memory_space<hbm>>
      %dma_start3A_85 = arith.constant 0 : i32
      %dma_start3A_86 = tpu.memref_slice %arg4[%add3A_3, %mul3A_81, %dma_start3A_85] : memref<16x160x128xi32, #tpu.memory_space<hbm>> -> memref<1x8x128xi32, #tpu.memory_space<hbm>>
      %dma_start3A_87 = tpu.memref_squeeze %dma_start3A_86 : memref<1x8x128xi32, #tpu.memory_space<hbm>> -> memref<8x128xi32, #tpu.memory_space<hbm>>
      tpu.enqueue_dma source(%dma_start3A_87 : memref<8x128xi32, #tpu.memory_space<hbm>>) target(%arg10 : memref<8x128xi32, #tpu.memory_space<vmem>>) target_semaphore(%arg17 : memref<!tpu.dma_semaphore, #tpu.memory_space<semaphore_mem>>)
      %dma_wait3A_88 = arith.constant 0 : i32
      %dma_wait3A_89 = arith.constant 0 : i32
      %dma_wait3A_90 = tpu.memref_slice %arg7[%dma_wait3A_88, %dma_wait3A_89] : memref<8x128xi32, #tpu.memory_space<vmem>> -> memref<1x128xi32, #tpu.memory_space<vmem>>
      %dma_wait3A_91 = tpu.memref_squeeze %dma_wait3A_90 : memref<1x128xi32, #tpu.memory_space<vmem>> -> memref<128xi32, #tpu.memory_space<vmem>>
      %dma_wait3A_92 = arith.constant 0 : i32
      %dma_wait3A_93 = arith.constant 0 : i32
      %dma_wait3A_94 = tpu.memref_slice %arg2[%dma_wait3A_92, %dma_wait3A_93] : memref<20480x128xf32, #tpu.memory_space<hbm>> -> memref<20480x128xf32, #tpu.memory_space<hbm>>
      tpu.wait_indirect_dma semaphore(%arg14 : memref<!tpu.dma_semaphore, #tpu.memory_space<semaphore_mem>>) src(%dma_wait3A_94 : memref<20480x128xf32, #tpu.memory_space<hbm>>) dst(%arg11 : memref<128x128xf32, #tpu.memory_space<vmem>>)
      %dma_start3A_95 = arith.constant 1 : i32
      %dma_start3A_96 = arith.constant 0 : i32
      %dma_start3A_97 = tpu.memref_slice %arg7[%dma_start3A_95, %dma_start3A_96] : memref<8x128xi32, #tpu.memory_space<vmem>> -> memref<1x128xi32, #tpu.memory_space<vmem>>
      %dma_start3A_98 = tpu.memref_squeeze %dma_start3A_97 : memref<1x128xi32, #tpu.memory_space<vmem>> -> memref<128xi32, #tpu.memory_space<vmem>>
      %dma_start3A_99 = arith.constant 0 : i32
      %dma_start3A_100 = arith.constant 0 : i32
      %dma_start3A_101 = tpu.memref_slice %arg2[%dma_start3A_99, %dma_start3A_100] : memref<20480x128xf32, #tpu.memory_space<hbm>> -> memref<20480x128xf32, #tpu.memory_space<hbm>>
      tpu.enqueue_indirect_dma source(%dma_start3A_101 : memref<20480x128xf32, #tpu.memory_space<hbm>>) target(%arg12 : memref<128x128xf32, #tpu.memory_space<vmem>>) offsets(%dma_start3A_98 : memref<128xi32, #tpu.memory_space<vmem>>) semaphore(%arg15 : memref<!tpu.dma_semaphore, #tpu.memory_space<semaphore_mem>>)
      %dma_start3A_102 = arith.constant 0 : i32
      %dma_start3A_103 = arith.constant 0 : i32
      %dma_start3A_104 = tpu.memref_slice %arg9[%dma_start3A_102, %dma_start3A_103] : memref<8x128xi32, #tpu.memory_space<vmem>> -> memref<1x128xi32, #tpu.memory_space<vmem>>
      %dma_start3A_105 = tpu.memref_squeeze %dma_start3A_104 : memref<1x128xi32, #tpu.memory_space<vmem>> -> memref<128xi32, #tpu.memory_space<vmem>>
      %dma_start3A_106 = arith.constant 0 : i32
      %dma_start3A_107 = arith.constant 0 : i32
      %dma_start3A_108 = tpu.memref_slice %arg13[%dma_start3A_106, %dma_start3A_107] : memref<10240x128xf32, #tpu.memory_space<vmem_shared>> -> memref<10240x128xf32, #tpu.memory_space<vmem_shared>>
      tpu.enqueue_indirect_dma source(%arg11 : memref<128x128xf32, #tpu.memory_space<vmem>>) target(%dma_start3A_108 : memref<10240x128xf32, #tpu.memory_space<vmem_shared>>) offsets(%dma_start3A_105 : memref<128xi32, #tpu.memory_space<vmem>>) semaphore(%arg18 : memref<!tpu.dma_semaphore, #tpu.memory_space<semaphore_mem>>) {add = true}
      %dma_wait3A_109 = arith.constant 1 : i32
      %dma_wait3A_110 = arith.constant 0 : i32
      %dma_wait3A_111 = tpu.memref_slice %arg7[%dma_wait3A_109, %dma_wait3A_110] : memref<8x128xi32, #tpu.memory_space<vmem>> -> memref<1x128xi32, #tpu.memory_space<vmem>>
      %dma_wait3A_112 = tpu.memref_squeeze %dma_wait3A_111 : memref<1x128xi32, #tpu.memory_space<vmem>> -> memref<128xi32, #tpu.memory_space<vmem>>
      %dma_wait3A_113 = arith.constant 0 : i32
      %dma_wait3A_114 = arith.constant 0 : i32
      %dma_wait3A_115 = tpu.memref_slice %arg2[%dma_wait3A_113, %dma_wait3A_114] : memref<20480x128xf32, #tpu.memory_space<hbm>> -> memref<20480x128xf32, #tpu.memory_space<hbm>>
      tpu.wait_indirect_dma semaphore(%arg15 : memref<!tpu.dma_semaphore, #tpu.memory_space<semaphore_mem>>) src(%dma_wait3A_115 : memref<20480x128xf32, #tpu.memory_space<hbm>>) dst(%arg12 : memref<128x128xf32, #tpu.memory_space<vmem>>)
      %dma_wait3A_116 = arith.constant 0 : i32
      %dma_wait3A_117 = arith.constant 0 : i32
      %dma_wait3A_118 = tpu.memref_slice %arg9[%dma_wait3A_116, %dma_wait3A_117] : memref<8x128xi32, #tpu.memory_space<vmem>> -> memref<1x128xi32, #tpu.memory_space<vmem>>
      %dma_wait3A_119 = tpu.memref_squeeze %dma_wait3A_118 : memref<1x128xi32, #tpu.memory_space<vmem>> -> memref<128xi32, #tpu.memory_space<vmem>>
      %dma_wait3A_120 = arith.constant 0 : i32
      %dma_wait3A_121 = arith.constant 0 : i32
      %dma_wait3A_122 = tpu.memref_slice %arg13[%dma_wait3A_120, %dma_wait3A_121] : memref<10240x128xf32, #tpu.memory_space<vmem_shared>> -> memref<10240x128xf32, #tpu.memory_space<vmem_shared>>
      tpu.wait_indirect_dma semaphore(%arg18 : memref<!tpu.dma_semaphore, #tpu.memory_space<semaphore_mem>>) src(%arg11 : memref<128x128xf32, #tpu.memory_space<vmem>>) dst(%dma_wait3A_122 : memref<10240x128xf32, #tpu.memory_space<vmem_shared>>)
      %dma_start3A_123 = arith.constant 2 : i32
      %dma_start3A_124 = arith.constant 0 : i32
      %dma_start3A_125 = tpu.memref_slice %arg7[%dma_start3A_123, %dma_start3A_124] : memref<8x128xi32, #tpu.memory_space<vmem>> -> memref<1x128xi32, #tpu.memory_space<vmem>>
      %dma_start3A_126 = tpu.memref_squeeze %dma_start3A_125 : memref<1x128xi32, #tpu.memory_space<vmem>> -> memref<128xi32, #tpu.memory_space<vmem>>
      %dma_start3A_127 = arith.constant 0 : i32
      %dma_start3A_128 = arith.constant 0 : i32
      %dma_start3A_129 = tpu.memref_slice %arg2[%dma_start3A_127, %dma_start3A_128] : memref<20480x128xf32, #tpu.memory_space<hbm>> -> memref<20480x128xf32, #tpu.memory_space<hbm>>
      tpu.enqueue_indirect_dma source(%dma_start3A_129 : memref<20480x128xf32, #tpu.memory_space<hbm>>) target(%arg11 : memref<128x128xf32, #tpu.memory_space<vmem>>) offsets(%dma_start3A_126 : memref<128xi32, #tpu.memory_space<vmem>>) semaphore(%arg14 : memref<!tpu.dma_semaphore, #tpu.memory_space<semaphore_mem>>)
      %dma_start3A_130 = arith.constant 1 : i32
      %dma_start3A_131 = arith.constant 0 : i32
      %dma_start3A_132 = tpu.memref_slice %arg9[%dma_start3A_130, %dma_start3A_131] : memref<8x128xi32, #tpu.memory_space<vmem>> -> memref<1x128xi32, #tpu.memory_space<vmem>>
      %dma_start3A_133 = tpu.memref_squeeze %dma_start3A_132 : memref<1x128xi32, #tpu.memory_space<vmem>> -> memref<128xi32, #tpu.memory_space<vmem>>
      %dma_start3A_134 = arith.constant 0 : i32
      %dma_start3A_135 = arith.constant 0 : i32
      %dma_start3A_136 = tpu.memref_slice %arg13[%dma_start3A_134, %dma_start3A_135] : memref<10240x128xf32, #tpu.memory_space<vmem_shared>> -> memref<10240x128xf32, #tpu.memory_space<vmem_shared>>
      tpu.enqueue_indirect_dma source(%arg12 : memref<128x128xf32, #tpu.memory_space<vmem>>) target(%dma_start3A_136 : memref<10240x128xf32, #tpu.memory_space<vmem_shared>>) offsets(%dma_start3A_133 : memref<128xi32, #tpu.memory_space<vmem>>) semaphore(%arg19 : memref<!tpu.dma_semaphore, #tpu.memory_space<semaphore_mem>>) {add = true}
      %dma_wait3A_137 = arith.constant 2 : i32
      %dma_wait3A_138 = arith.constant 0 : i32
      %dma_wait3A_139 = tpu.memref_slice %arg7[%dma_wait3A_137, %dma_wait3A_138] : memref<8x128xi32, #tpu.memory_space<vmem>> -> memref<1x128xi32, #tpu.memory_space<vmem>>
      %dma_wait3A_140 = tpu.memref_squeeze %dma_wait3A_139 : memref<1x128xi32, #tpu.memory_space<vmem>> -> memref<128xi32, #tpu.memory_space<vmem>>
      %dma_wait3A_141 = arith.constant 0 : i32
      %dma_wait3A_142 = arith.constant 0 : i32
      %dma_wait3A_143 = tpu.memref_slice %arg2[%dma_wait3A_141, %dma_wait3A_142] : memref<20480x128xf32, #tpu.memory_space<hbm>> -> memref<20480x128xf32, #tpu.memory_space<hbm>>
      tpu.wait_indirect_dma semaphore(%arg14 : memref<!tpu.dma_semaphore, #tpu.memory_space<semaphore_mem>>) src(%dma_wait3A_143 : memref<20480x128xf32, #tpu.memory_space<hbm>>) dst(%arg11 : memref<128x128xf32, #tpu.memory_space<vmem>>)
      %dma_wait3A_144 = arith.constant 1 : i32
      %dma_wait3A_145 = arith.constant 0 : i32
      %dma_wait3A_146 = tpu.memref_slice %arg9[%dma_wait3A_144, %dma_wait3A_145] : memref<8x128xi32, #tpu.memory_space<vmem>> -> memref<1x128xi32, #tpu.memory_space<vmem>>
      %dma_wait3A_147 = tpu.memref_squeeze %dma_wait3A_146 : memref<1x128xi32, #tpu.memory_space<vmem>> -> memref<128xi32, #tpu.memory_space<vmem>>
      %dma_wait3A_148 = arith.constant 0 : i32
      %dma_wait3A_149 = arith.constant 0 : i32
      %dma_wait3A_150 = tpu.memref_slice %arg13[%dma_wait3A_148, %dma_wait3A_149] : memref<10240x128xf32, #tpu.memory_space<vmem_shared>> -> memref<10240x128xf32, #tpu.memory_space<vmem_shared>>
      tpu.wait_indirect_dma semaphore(%arg19 : memref<!tpu.dma_semaphore, #tpu.memory_space<semaphore_mem>>) src(%arg12 : memref<128x128xf32, #tpu.memory_space<vmem>>) dst(%dma_wait3A_150 : memref<10240x128xf32, #tpu.memory_space<vmem_shared>>)
      %dma_start3A_151 = arith.constant 3 : i32
      %dma_start3A_152 = arith.constant 0 : i32
      %dma_start3A_153 = tpu.memref_slice %arg7[%dma_start3A_151, %dma_start3A_152] : memref<8x128xi32, #tpu.memory_space<vmem>> -> memref<1x128xi32, #tpu.memory_space<vmem>>
      %dma_start3A_154 = tpu.memref_squeeze %dma_start3A_153 : memref<1x128xi32, #tpu.memory_space<vmem>> -> memref<128xi32, #tpu.memory_space<vmem>>
      %dma_start3A_155 = arith.constant 0 : i32
      %dma_start3A_156 = arith.constant 0 : i32
      %dma_start3A_157 = tpu.memref_slice %arg2[%dma_start3A_155, %dma_start3A_156] : memref<20480x128xf32, #tpu.memory_space<hbm>> -> memref<20480x128xf32, #tpu.memory_space<hbm>>
      tpu.enqueue_indirect_dma source(%dma_start3A_157 : memref<20480x128xf32, #tpu.memory_space<hbm>>) target(%arg12 : memref<128x128xf32, #tpu.memory_space<vmem>>) offsets(%dma_start3A_154 : memref<128xi32, #tpu.memory_space<vmem>>) semaphore(%arg15 : memref<!tpu.dma_semaphore, #tpu.memory_space<semaphore_mem>>)
      %dma_start3A_158 = arith.constant 2 : i32
      %dma_start3A_159 = arith.constant 0 : i32
      %dma_start3A_160 = tpu.memref_slice %arg9[%dma_start3A_158, %dma_start3A_159] : memref<8x128xi32, #tpu.memory_space<vmem>> -> memref<1x128xi32, #tpu.memory_space<vmem>>
      %dma_start3A_161 = tpu.memref_squeeze %dma_start3A_160 : memref<1x128xi32, #tpu.memory_space<vmem>> -> memref<128xi32, #tpu.memory_space<vmem>>
      %dma_start3A_162 = arith.constant 0 : i32
      %dma_start3A_163 = arith.constant 0 : i32
      %dma_start3A_164 = tpu.memref_slice %arg13[%dma_start3A_162, %dma_start3A_163] : memref<10240x128xf32, #tpu.memory_space<vmem_shared>> -> memref<10240x128xf32, #tpu.memory_space<vmem_shared>>
      tpu.enqueue_indirect_dma source(%arg11 : memref<128x128xf32, #tpu.memory_space<vmem>>) target(%dma_start3A_164 : memref<10240x128xf32, #tpu.memory_space<vmem_shared>>) offsets(%dma_start3A_161 : memref<128xi32, #tpu.memory_space<vmem>>) semaphore(%arg18 : memref<!tpu.dma_semaphore, #tpu.memory_space<semaphore_mem>>) {add = true}
      %dma_wait3A_165 = arith.constant 3 : i32
      %dma_wait3A_166 = arith.constant 0 : i32
      %dma_wait3A_167 = tpu.memref_slice %arg7[%dma_wait3A_165, %dma_wait3A_166] : memref<8x128xi32, #tpu.memory_space<vmem>> -> memref<1x128xi32, #tpu.memory_space<vmem>>
      %dma_wait3A_168 = tpu.memref_squeeze %dma_wait3A_167 : memref<1x128xi32, #tpu.memory_space<vmem>> -> memref<128xi32, #tpu.memory_space<vmem>>
      %dma_wait3A_169 = arith.constant 0 : i32
      %dma_wait3A_170 = arith.constant 0 : i32
      %dma_wait3A_171 = tpu.memref_slice %arg2[%dma_wait3A_169, %dma_wait3A_170] : memref<20480x128xf32, #tpu.memory_space<hbm>> -> memref<20480x128xf32, #tpu.memory_space<hbm>>
      tpu.wait_indirect_dma semaphore(%arg15 : memref<!tpu.dma_semaphore, #tpu.memory_space<semaphore_mem>>) src(%dma_wait3A_171 : memref<20480x128xf32, #tpu.memory_space<hbm>>) dst(%arg12 : memref<128x128xf32, #tpu.memory_space<vmem>>)
      %dma_wait3A_172 = arith.constant 2 : i32
      %dma_wait3A_173 = arith.constant 0 : i32
      %dma_wait3A_174 = tpu.memref_slice %arg9[%dma_wait3A_172, %dma_wait3A_173] : memref<8x128xi32, #tpu.memory_space<vmem>> -> memref<1x128xi32, #tpu.memory_space<vmem>>
      %dma_wait3A_175 = tpu.memref_squeeze %dma_wait3A_174 : memref<1x128xi32, #tpu.memory_space<vmem>> -> memref<128xi32, #tpu.memory_space<vmem>>
      %dma_wait3A_176 = arith.constant 0 : i32
      %dma_wait3A_177 = arith.constant 0 : i32
      %dma_wait3A_178 = tpu.memref_slice %arg13[%dma_wait3A_176, %dma_wait3A_177] : memref<10240x128xf32, #tpu.memory_space<vmem_shared>> -> memref<10240x128xf32, #tpu.memory_space<vmem_shared>>
      tpu.wait_indirect_dma semaphore(%arg18 : memref<!tpu.dma_semaphore, #tpu.memory_space<semaphore_mem>>) src(%arg11 : memref<128x128xf32, #tpu.memory_space<vmem>>) dst(%dma_wait3A_178 : memref<10240x128xf32, #tpu.memory_space<vmem_shared>>)
      %dma_start3A_179 = arith.constant 4 : i32
      %dma_start3A_180 = arith.constant 0 : i32
      %dma_start3A_181 = tpu.memref_slice %arg7[%dma_start3A_179, %dma_start3A_180] : memref<8x128xi32, #tpu.memory_space<vmem>> -> memref<1x128xi32, #tpu.memory_space<vmem>>
      %dma_start3A_182 = tpu.memref_squeeze %dma_start3A_181 : memref<1x128xi32, #tpu.memory_space<vmem>> -> memref<128xi32, #tpu.memory_space<vmem>>
      %dma_start3A_183 = arith.constant 0 : i32
      %dma_start3A_184 = arith.constant 0 : i32
      %dma_start3A_185 = tpu.memref_slice %arg2[%dma_start3A_183, %dma_start3A_184] : memref<20480x128xf32, #tpu.memory_space<hbm>> -> memref<20480x128xf32, #tpu.memory_space<hbm>>
      tpu.enqueue_indirect_dma source(%dma_start3A_185 : memref<20480x128xf32, #tpu.memory_space<hbm>>) target(%arg11 : memref<128x128xf32, #tpu.memory_space<vmem>>) offsets(%dma_start3A_182 : memref<128xi32, #tpu.memory_space<vmem>>) semaphore(%arg14 : memref<!tpu.dma_semaphore, #tpu.memory_space<semaphore_mem>>)
      %dma_start3A_186 = arith.constant 3 : i32
      %dma_start3A_187 = arith.constant 0 : i32
      %dma_start3A_188 = tpu.memref_slice %arg9[%dma_start3A_186, %dma_start3A_187] : memref<8x128xi32, #tpu.memory_space<vmem>> -> memref<1x128xi32, #tpu.memory_space<vmem>>
      %dma_start3A_189 = tpu.memref_squeeze %dma_start3A_188 : memref<1x128xi32, #tpu.memory_space<vmem>> -> memref<128xi32, #tpu.memory_space<vmem>>
      %dma_start3A_190 = arith.constant 0 : i32
      %dma_start3A_191 = arith.constant 0 : i32
      %dma_start3A_192 = tpu.memref_slice %arg13[%dma_start3A_190, %dma_start3A_191] : memref<10240x128xf32, #tpu.memory_space<vmem_shared>> -> memref<10240x128xf32, #tpu.memory_space<vmem_shared>>
      tpu.enqueue_indirect_dma source(%arg12 : memref<128x128xf32, #tpu.memory_space<vmem>>) target(%dma_start3A_192 : memref<10240x128xf32, #tpu.memory_space<vmem_shared>>) offsets(%dma_start3A_189 : memref<128xi32, #tpu.memory_space<vmem>>) semaphore(%arg19 : memref<!tpu.dma_semaphore, #tpu.memory_space<semaphore_mem>>) {add = true}
      %dma_wait3A_193 = arith.constant 4 : i32
      %dma_wait3A_194 = arith.constant 0 : i32
      %dma_wait3A_195 = tpu.memref_slice %arg7[%dma_wait3A_193, %dma_wait3A_194] : memref<8x128xi32, #tpu.memory_space<vmem>> -> memref<1x128xi32, #tpu.memory_space<vmem>>
      %dma_wait3A_196 = tpu.memref_squeeze %dma_wait3A_195 : memref<1x128xi32, #tpu.memory_space<vmem>> -> memref<128xi32, #tpu.memory_space<vmem>>
      %dma_wait3A_197 = arith.constant 0 : i32
      %dma_wait3A_198 = arith.constant 0 : i32
      %dma_wait3A_199 = tpu.memref_slice %arg2[%dma_wait3A_197, %dma_wait3A_198] : memref<20480x128xf32, #tpu.memory_space<hbm>> -> memref<20480x128xf32, #tpu.memory_space<hbm>>
      tpu.wait_indirect_dma semaphore(%arg14 : memref<!tpu.dma_semaphore, #tpu.memory_space<semaphore_mem>>) src(%dma_wait3A_199 : memref<20480x128xf32, #tpu.memory_space<hbm>>) dst(%arg11 : memref<128x128xf32, #tpu.memory_space<vmem>>)
      %dma_wait3A_200 = arith.constant 3 : i32
      %dma_wait3A_201 = arith.constant 0 : i32
      %dma_wait3A_202 = tpu.memref_slice %arg9[%dma_wait3A_200, %dma_wait3A_201] : memref<8x128xi32, #tpu.memory_space<vmem>> -> memref<1x128xi32, #tpu.memory_space<vmem>>
      %dma_wait3A_203 = tpu.memref_squeeze %dma_wait3A_202 : memref<1x128xi32, #tpu.memory_space<vmem>> -> memref<128xi32, #tpu.memory_space<vmem>>
      %dma_wait3A_204 = arith.constant 0 : i32
      %dma_wait3A_205 = arith.constant 0 : i32
      %dma_wait3A_206 = tpu.memref_slice %arg13[%dma_wait3A_204, %dma_wait3A_205] : memref<10240x128xf32, #tpu.memory_space<vmem_shared>> -> memref<10240x128xf32, #tpu.memory_space<vmem_shared>>
      tpu.wait_indirect_dma semaphore(%arg19 : memref<!tpu.dma_semaphore, #tpu.memory_space<semaphore_mem>>) src(%arg12 : memref<128x128xf32, #tpu.memory_space<vmem>>) dst(%dma_wait3A_206 : memref<10240x128xf32, #tpu.memory_space<vmem_shared>>)
      %dma_start3A_207 = arith.constant 5 : i32
      %dma_start3A_208 = arith.constant 0 : i32
      %dma_start3A_209 = tpu.memref_slice %arg7[%dma_start3A_207, %dma_start3A_208] : memref<8x128xi32, #tpu.memory_space<vmem>> -> memref<1x128xi32, #tpu.memory_space<vmem>>
      %dma_start3A_210 = tpu.memref_squeeze %dma_start3A_209 : memref<1x128xi32, #tpu.memory_space<vmem>> -> memref<128xi32, #tpu.memory_space<vmem>>
      %dma_start3A_211 = arith.constant 0 : i32
      %dma_start3A_212 = arith.constant 0 : i32
      %dma_start3A_213 = tpu.memref_slice %arg2[%dma_start3A_211, %dma_start3A_212] : memref<20480x128xf32, #tpu.memory_space<hbm>> -> memref<20480x128xf32, #tpu.memory_space<hbm>>
      tpu.enqueue_indirect_dma source(%dma_start3A_213 : memref<20480x128xf32, #tpu.memory_space<hbm>>) target(%arg12 : memref<128x128xf32, #tpu.memory_space<vmem>>) offsets(%dma_start3A_210 : memref<128xi32, #tpu.memory_space<vmem>>) semaphore(%arg15 : memref<!tpu.dma_semaphore, #tpu.memory_space<semaphore_mem>>)
      %dma_start3A_214 = arith.constant 4 : i32
      %dma_start3A_215 = arith.constant 0 : i32
      %dma_start3A_216 = tpu.memref_slice %arg9[%dma_start3A_214, %dma_start3A_215] : memref<8x128xi32, #tpu.memory_space<vmem>> -> memref<1x128xi32, #tpu.memory_space<vmem>>
      %dma_start3A_217 = tpu.memref_squeeze %dma_start3A_216 : memref<1x128xi32, #tpu.memory_space<vmem>> -> memref<128xi32, #tpu.memory_space<vmem>>
      %dma_start3A_218 = arith.constant 0 : i32
      %dma_start3A_219 = arith.constant 0 : i32
      %dma_start3A_220 = tpu.memref_slice %arg13[%dma_start3A_218, %dma_start3A_219] : memref<10240x128xf32, #tpu.memory_space<vmem_shared>> -> memref<10240x128xf32, #tpu.memory_space<vmem_shared>>
      tpu.enqueue_indirect_dma source(%arg11 : memref<128x128xf32, #tpu.memory_space<vmem>>) target(%dma_start3A_220 : memref<10240x128xf32, #tpu.memory_space<vmem_shared>>) offsets(%dma_start3A_217 : memref<128xi32, #tpu.memory_space<vmem>>) semaphore(%arg18 : memref<!tpu.dma_semaphore, #tpu.memory_space<semaphore_mem>>) {add = true}
      %dma_wait3A_221 = arith.constant 5 : i32
      %dma_wait3A_222 = arith.constant 0 : i32
      %dma_wait3A_223 = tpu.memref_slice %arg7[%dma_wait3A_221, %dma_wait3A_222] : memref<8x128xi32, #tpu.memory_space<vmem>> -> memref<1x128xi32, #tpu.memory_space<vmem>>
      %dma_wait3A_224 = tpu.memref_squeeze %dma_wait3A_223 : memref<1x128xi32, #tpu.memory_space<vmem>> -> memref<128xi32, #tpu.memory_space<vmem>>
      %dma_wait3A_225 = arith.constant 0 : i32
      %dma_wait3A_226 = arith.constant 0 : i32
      %dma_wait3A_227 = tpu.memref_slice %arg2[%dma_wait3A_225, %dma_wait3A_226] : memref<20480x128xf32, #tpu.memory_space<hbm>> -> memref<20480x128xf32, #tpu.memory_space<hbm>>
      tpu.wait_indirect_dma semaphore(%arg15 : memref<!tpu.dma_semaphore, #tpu.memory_space<semaphore_mem>>) src(%dma_wait3A_227 : memref<20480x128xf32, #tpu.memory_space<hbm>>) dst(%arg12 : memref<128x128xf32, #tpu.memory_space<vmem>>)
      %dma_wait3A_228 = arith.constant 4 : i32
      %dma_wait3A_229 = arith.constant 0 : i32
      %dma_wait3A_230 = tpu.memref_slice %arg9[%dma_wait3A_228, %dma_wait3A_229] : memref<8x128xi32, #tpu.memory_space<vmem>> -> memref<1x128xi32, #tpu.memory_space<vmem>>
      %dma_wait3A_231 = tpu.memref_squeeze %dma_wait3A_230 : memref<1x128xi32, #tpu.memory_space<vmem>> -> memref<128xi32, #tpu.memory_space<vmem>>
      %dma_wait3A_232 = arith.constant 0 : i32
      %dma_wait3A_233 = arith.constant 0 : i32
      %dma_wait3A_234 = tpu.memref_slice %arg13[%dma_wait3A_232, %dma_wait3A_233] : memref<10240x128xf32, #tpu.memory_space<vmem_shared>> -> memref<10240x128xf32, #tpu.memory_space<vmem_shared>>
      tpu.wait_indirect_dma semaphore(%arg18 : memref<!tpu.dma_semaphore, #tpu.memory_space<semaphore_mem>>) src(%arg11 : memref<128x128xf32, #tpu.memory_space<vmem>>) dst(%dma_wait3A_234 : memref<10240x128xf32, #tpu.memory_space<vmem_shared>>)
      %dma_start3A_235 = arith.constant 6 : i32
      %dma_start3A_236 = arith.constant 0 : i32
      %dma_start3A_237 = tpu.memref_slice %arg7[%dma_start3A_235, %dma_start3A_236] : memref<8x128xi32, #tpu.memory_space<vmem>> -> memref<1x128xi32, #tpu.memory_space<vmem>>
      %dma_start3A_238 = tpu.memref_squeeze %dma_start3A_237 : memref<1x128xi32, #tpu.memory_space<vmem>> -> memref<128xi32, #tpu.memory_space<vmem>>
      %dma_start3A_239 = arith.constant 0 : i32
      %dma_start3A_240 = arith.constant 0 : i32
      %dma_start3A_241 = tpu.memref_slice %arg2[%dma_start3A_239, %dma_start3A_240] : memref<20480x128xf32, #tpu.memory_space<hbm>> -> memref<20480x128xf32, #tpu.memory_space<hbm>>
      tpu.enqueue_indirect_dma source(%dma_start3A_241 : memref<20480x128xf32, #tpu.memory_space<hbm>>) target(%arg11 : memref<128x128xf32, #tpu.memory_space<vmem>>) offsets(%dma_start3A_238 : memref<128xi32, #tpu.memory_space<vmem>>) semaphore(%arg14 : memref<!tpu.dma_semaphore, #tpu.memory_space<semaphore_mem>>)
      %dma_start3A_242 = arith.constant 5 : i32
      %dma_start3A_243 = arith.constant 0 : i32
      %dma_start3A_244 = tpu.memref_slice %arg9[%dma_start3A_242, %dma_start3A_243] : memref<8x128xi32, #tpu.memory_space<vmem>> -> memref<1x128xi32, #tpu.memory_space<vmem>>
      %dma_start3A_245 = tpu.memref_squeeze %dma_start3A_244 : memref<1x128xi32, #tpu.memory_space<vmem>> -> memref<128xi32, #tpu.memory_space<vmem>>
      %dma_start3A_246 = arith.constant 0 : i32
      %dma_start3A_247 = arith.constant 0 : i32
      %dma_start3A_248 = tpu.memref_slice %arg13[%dma_start3A_246, %dma_start3A_247] : memref<10240x128xf32, #tpu.memory_space<vmem_shared>> -> memref<10240x128xf32, #tpu.memory_space<vmem_shared>>
      tpu.enqueue_indirect_dma source(%arg12 : memref<128x128xf32, #tpu.memory_space<vmem>>) target(%dma_start3A_248 : memref<10240x128xf32, #tpu.memory_space<vmem_shared>>) offsets(%dma_start3A_245 : memref<128xi32, #tpu.memory_space<vmem>>) semaphore(%arg19 : memref<!tpu.dma_semaphore, #tpu.memory_space<semaphore_mem>>) {add = true}
      %dma_wait3A_249 = arith.constant 6 : i32
      %dma_wait3A_250 = arith.constant 0 : i32
      %dma_wait3A_251 = tpu.memref_slice %arg7[%dma_wait3A_249, %dma_wait3A_250] : memref<8x128xi32, #tpu.memory_space<vmem>> -> memref<1x128xi32, #tpu.memory_space<vmem>>
      %dma_wait3A_252 = tpu.memref_squeeze %dma_wait3A_251 : memref<1x128xi32, #tpu.memory_space<vmem>> -> memref<128xi32, #tpu.memory_space<vmem>>
      %dma_wait3A_253 = arith.constant 0 : i32
      %dma_wait3A_254 = arith.constant 0 : i32
      %dma_wait3A_255 = tpu.memref_slice %arg2[%dma_wait3A_253, %dma_wait3A_254] : memref<20480x128xf32, #tpu.memory_space<hbm>> -> memref<20480x128xf32, #tpu.memory_space<hbm>>
      tpu.wait_indirect_dma semaphore(%arg14 : memref<!tpu.dma_semaphore, #tpu.memory_space<semaphore_mem>>) src(%dma_wait3A_255 : memref<20480x128xf32, #tpu.memory_space<hbm>>) dst(%arg11 : memref<128x128xf32, #tpu.memory_space<vmem>>)
      %dma_wait3A_256 = arith.constant 5 : i32
      %dma_wait3A_257 = arith.constant 0 : i32
      %dma_wait3A_258 = tpu.memref_slice %arg9[%dma_wait3A_256, %dma_wait3A_257] : memref<8x128xi32, #tpu.memory_space<vmem>> -> memref<1x128xi32, #tpu.memory_space<vmem>>
      %dma_wait3A_259 = tpu.memref_squeeze %dma_wait3A_258 : memref<1x128xi32, #tpu.memory_space<vmem>> -> memref<128xi32, #tpu.memory_space<vmem>>
      %dma_wait3A_260 = arith.constant 0 : i32
      %dma_wait3A_261 = arith.constant 0 : i32
      %dma_wait3A_262 = tpu.memref_slice %arg13[%dma_wait3A_260, %dma_wait3A_261] : memref<10240x128xf32, #tpu.memory_space<vmem_shared>> -> memref<10240x128xf32, #tpu.memory_space<vmem_shared>>
      tpu.wait_indirect_dma semaphore(%arg19 : memref<!tpu.dma_semaphore, #tpu.memory_space<semaphore_mem>>) src(%arg12 : memref<128x128xf32, #tpu.memory_space<vmem>>) dst(%dma_wait3A_262 : memref<10240x128xf32, #tpu.memory_space<vmem_shared>>)
      %dma_start3A_263 = arith.constant 7 : i32
      %dma_start3A_264 = arith.constant 0 : i32
      %dma_start3A_265 = tpu.memref_slice %arg7[%dma_start3A_263, %dma_start3A_264] : memref<8x128xi32, #tpu.memory_space<vmem>> -> memref<1x128xi32, #tpu.memory_space<vmem>>
      %dma_start3A_266 = tpu.memref_squeeze %dma_start3A_265 : memref<1x128xi32, #tpu.memory_space<vmem>> -> memref<128xi32, #tpu.memory_space<vmem>>
      %dma_start3A_267 = arith.constant 0 : i32
      %dma_start3A_268 = arith.constant 0 : i32
      %dma_start3A_269 = tpu.memref_slice %arg2[%dma_start3A_267, %dma_start3A_268] : memref<20480x128xf32, #tpu.memory_space<hbm>> -> memref<20480x128xf32, #tpu.memory_space<hbm>>
      tpu.enqueue_indirect_dma source(%dma_start3A_269 : memref<20480x128xf32, #tpu.memory_space<hbm>>) target(%arg12 : memref<128x128xf32, #tpu.memory_space<vmem>>) offsets(%dma_start3A_266 : memref<128xi32, #tpu.memory_space<vmem>>) semaphore(%arg15 : memref<!tpu.dma_semaphore, #tpu.memory_space<semaphore_mem>>)
      %dma_start3A_270 = arith.constant 6 : i32
      %dma_start3A_271 = arith.constant 0 : i32
      %dma_start3A_272 = tpu.memref_slice %arg9[%dma_start3A_270, %dma_start3A_271] : memref<8x128xi32, #tpu.memory_space<vmem>> -> memref<1x128xi32, #tpu.memory_space<vmem>>
      %dma_start3A_273 = tpu.memref_squeeze %dma_start3A_272 : memref<1x128xi32, #tpu.memory_space<vmem>> -> memref<128xi32, #tpu.memory_space<vmem>>
      %dma_start3A_274 = arith.constant 0 : i32
      %dma_start3A_275 = arith.constant 0 : i32
      %dma_start3A_276 = tpu.memref_slice %arg13[%dma_start3A_274, %dma_start3A_275] : memref<10240x128xf32, #tpu.memory_space<vmem_shared>> -> memref<10240x128xf32, #tpu.memory_space<vmem_shared>>
      tpu.enqueue_indirect_dma source(%arg11 : memref<128x128xf32, #tpu.memory_space<vmem>>) target(%dma_start3A_276 : memref<10240x128xf32, #tpu.memory_space<vmem_shared>>) offsets(%dma_start3A_273 : memref<128xi32, #tpu.memory_space<vmem>>) semaphore(%arg18 : memref<!tpu.dma_semaphore, #tpu.memory_space<semaphore_mem>>) {add = true}
      %dma_wait3A_277 = arith.constant 7 : i32
      %dma_wait3A_278 = arith.constant 0 : i32
      %dma_wait3A_279 = tpu.memref_slice %arg7[%dma_wait3A_277, %dma_wait3A_278] : memref<8x128xi32, #tpu.memory_space<vmem>> -> memref<1x128xi32, #tpu.memory_space<vmem>>
      %dma_wait3A_280 = tpu.memref_squeeze %dma_wait3A_279 : memref<1x128xi32, #tpu.memory_space<vmem>> -> memref<128xi32, #tpu.memory_space<vmem>>
      %dma_wait3A_281 = arith.constant 0 : i32
      %dma_wait3A_282 = arith.constant 0 : i32
      %dma_wait3A_283 = tpu.memref_slice %arg2[%dma_wait3A_281, %dma_wait3A_282] : memref<20480x128xf32, #tpu.memory_space<hbm>> -> memref<20480x128xf32, #tpu.memory_space<hbm>>
      tpu.wait_indirect_dma semaphore(%arg15 : memref<!tpu.dma_semaphore, #tpu.memory_space<semaphore_mem>>) src(%dma_wait3A_283 : memref<20480x128xf32, #tpu.memory_space<hbm>>) dst(%arg12 : memref<128x128xf32, #tpu.memory_space<vmem>>)
      %dma_wait3A_284 = arith.constant 6 : i32
      %dma_wait3A_285 = arith.constant 0 : i32
      %dma_wait3A_286 = tpu.memref_slice %arg9[%dma_wait3A_284, %dma_wait3A_285] : memref<8x128xi32, #tpu.memory_space<vmem>> -> memref<1x128xi32, #tpu.memory_space<vmem>>
      %dma_wait3A_287 = tpu.memref_squeeze %dma_wait3A_286 : memref<1x128xi32, #tpu.memory_space<vmem>> -> memref<128xi32, #tpu.memory_space<vmem>>
      %dma_wait3A_288 = arith.constant 0 : i32
      %dma_wait3A_289 = arith.constant 0 : i32
      %dma_wait3A_290 = tpu.memref_slice %arg13[%dma_wait3A_288, %dma_wait3A_289] : memref<10240x128xf32, #tpu.memory_space<vmem_shared>> -> memref<10240x128xf32, #tpu.memory_space<vmem_shared>>
      tpu.wait_indirect_dma semaphore(%arg18 : memref<!tpu.dma_semaphore, #tpu.memory_space<semaphore_mem>>) src(%arg11 : memref<128x128xf32, #tpu.memory_space<vmem>>) dst(%dma_wait3A_290 : memref<10240x128xf32, #tpu.memory_space<vmem_shared>>)
      %add3A_291 = arith.constant 1 : i32
      %add3A_292 = arith.addi %add3A_67, %add3A_291 : i32
      %mul3A_293 = arith.constant 8 : i32
      %mul3A_294 = arith.muli %add3A_292, %mul3A_293 : i32
      %dma_wait3A_295 = arith.constant 0 : i32
      %dma_wait3A_296 = tpu.memref_slice %arg3[%add3A, %mul3A_294, %dma_wait3A_295] : memref<32x160x128xi32, #tpu.memory_space<hbm>> -> memref<1x8x128xi32, #tpu.memory_space<hbm>>
      %dma_wait3A_297 = tpu.memref_squeeze %dma_wait3A_296 : memref<1x8x128xi32, #tpu.memory_space<hbm>> -> memref<8x128xi32, #tpu.memory_space<hbm>>
      %dma_wait3A_298 = arith.constant 0 : i32
      %dma_wait3A_299 = tpu.memref_slice %arg3[%add3A, %mul3A_294, %dma_wait3A_298] : memref<32x160x128xi32, #tpu.memory_space<hbm>> -> memref<1x8x128xi32, #tpu.memory_space<hbm>>
      %dma_wait3A_300 = tpu.memref_squeeze %dma_wait3A_299 : memref<1x8x128xi32, #tpu.memory_space<hbm>> -> memref<8x128xi32, #tpu.memory_space<hbm>>
      tpu.wait_dma2 semaphore(%arg17 : memref<!tpu.dma_semaphore, #tpu.memory_space<semaphore_mem>>) src(%dma_wait3A_300 : memref<8x128xi32, #tpu.memory_space<hbm>>) dst(%arg8 : memref<8x128xi32, #tpu.memory_space<vmem>>)
      %mul3A_301 = arith.constant 8 : i32
      %mul3A_302 = arith.muli %add3A_292, %mul3A_301 : i32
      %dma_wait3A_303 = arith.constant 0 : i32
      %dma_wait3A_304 = tpu.memref_slice %arg4[%add3A_3, %mul3A_302, %dma_wait3A_303] : memref<16x160x128xi32, #tpu.memory_space<hbm>> -> memref<1x8x128xi32, #tpu.memory_space<hbm>>
      %dma_wait3A_305 = tpu.memref_squeeze %dma_wait3A_304 : memref<1x8x128xi32, #tpu.memory_space<hbm>> -> memref<8x128xi32, #tpu.memory_space<hbm>>
      %dma_wait3A_306 = arith.constant 0 : i32
      %dma_wait3A_307 = tpu.memref_slice %arg4[%add3A_3, %mul3A_302, %dma_wait3A_306] : memref<16x160x128xi32, #tpu.memory_space<hbm>> -> memref<1x8x128xi32, #tpu.memory_space<hbm>>
      %dma_wait3A_308 = tpu.memref_squeeze %dma_wait3A_307 : memref<1x8x128xi32, #tpu.memory_space<hbm>> -> memref<8x128xi32, #tpu.memory_space<hbm>>
      tpu.wait_dma2 semaphore(%arg17 : memref<!tpu.dma_semaphore, #tpu.memory_space<semaphore_mem>>) src(%dma_wait3A_308 : memref<8x128xi32, #tpu.memory_space<hbm>>) dst(%arg10 : memref<8x128xi32, #tpu.memory_space<vmem>>)
      %dma_start3A_309 = arith.constant 0 : i32
      %dma_start3A_310 = arith.constant 0 : i32
      %dma_start3A_311 = tpu.memref_slice %arg8[%dma_start3A_309, %dma_start3A_310] : memref<8x128xi32, #tpu.memory_space<vmem>> -> memref<1x128xi32, #tpu.memory_space<vmem>>
      %dma_start3A_312 = tpu.memref_squeeze %dma_start3A_311 : memref<1x128xi32, #tpu.memory_space<vmem>> -> memref<128xi32, #tpu.memory_space<vmem>>
      %dma_start3A_313 = arith.constant 0 : i32
      %dma_start3A_314 = arith.constant 0 : i32
      %dma_start3A_315 = tpu.memref_slice %arg2[%dma_start3A_313, %dma_start3A_314] : memref<20480x128xf32, #tpu.memory_space<hbm>> -> memref<20480x128xf32, #tpu.memory_space<hbm>>
      tpu.enqueue_indirect_dma source(%dma_start3A_315 : memref<20480x128xf32, #tpu.memory_space<hbm>>) target(%arg11 : memref<128x128xf32, #tpu.memory_space<vmem>>) offsets(%dma_start3A_312 : memref<128xi32, #tpu.memory_space<vmem>>) semaphore(%arg14 : memref<!tpu.dma_semaphore, #tpu.memory_space<semaphore_mem>>)
      %dma_start3A_316 = arith.constant 7 : i32
      %dma_start3A_317 = arith.constant 0 : i32
      %dma_start3A_318 = tpu.memref_slice %arg9[%dma_start3A_316, %dma_start3A_317] : memref<8x128xi32, #tpu.memory_space<vmem>> -> memref<1x128xi32, #tpu.memory_space<vmem>>
      %dma_start3A_319 = tpu.memref_squeeze %dma_start3A_318 : memref<1x128xi32, #tpu.memory_space<vmem>> -> memref<128xi32, #tpu.memory_space<vmem>>
      %dma_start3A_320 = arith.constant 0 : i32
      %dma_start3A_321 = arith.constant 0 : i32
      %dma_start3A_322 = tpu.memref_slice %arg13[%dma_start3A_320, %dma_start3A_321] : memref<10240x128xf32, #tpu.memory_space<vmem_shared>> -> memref<10240x128xf32, #tpu.memory_space<vmem_shared>>
      tpu.enqueue_indirect_dma source(%arg12 : memref<128x128xf32, #tpu.memory_space<vmem>>) target(%dma_start3A_322 : memref<10240x128xf32, #tpu.memory_space<vmem_shared>>) offsets(%dma_start3A_319 : memref<128xi32, #tpu.memory_space<vmem>>) semaphore(%arg19 : memref<!tpu.dma_semaphore, #tpu.memory_space<semaphore_mem>>) {add = true}
      %mul3A_323 = arith.constant 2 : i32
      %mul3A_324 = arith.muli %scan3A_63, %mul3A_323 : i32
      %add3A_325 = arith.constant 1 : i32
      %add3A_326 = arith.addi %mul3A_324, %add3A_325 : i32
      %dma_wait3A_327 = arith.constant 7 : i32
      %dma_wait3A_328 = arith.constant 0 : i32
      %dma_wait3A_329 = tpu.memref_slice %arg9[%dma_wait3A_327, %dma_wait3A_328] : memref<8x128xi32, #tpu.memory_space<vmem>> -> memref<1x128xi32, #tpu.memory_space<vmem>>
      %dma_wait3A_330 = tpu.memref_squeeze %dma_wait3A_329 : memref<1x128xi32, #tpu.memory_space<vmem>> -> memref<128xi32, #tpu.memory_space<vmem>>
      %dma_wait3A_331 = arith.constant 0 : i32
      %dma_wait3A_332 = arith.constant 0 : i32
      %dma_wait3A_333 = tpu.memref_slice %arg13[%dma_wait3A_331, %dma_wait3A_332] : memref<10240x128xf32, #tpu.memory_space<vmem_shared>> -> memref<10240x128xf32, #tpu.memory_space<vmem_shared>>
      tpu.wait_indirect_dma semaphore(%arg19 : memref<!tpu.dma_semaphore, #tpu.memory_space<semaphore_mem>>) src(%arg12 : memref<128x128xf32, #tpu.memory_space<vmem>>) dst(%dma_wait3A_333 : memref<10240x128xf32, #tpu.memory_space<vmem_shared>>)
      %lt3A = arith.constant 9 : i32
      %lt3A_334 = arith.cmpi slt, %scan3A_63, %lt3A : i32
      %convert_element_type3A_335 = arith.extui %lt3A_334 : i1 to i32
      %cond3A_336 = arith.constant 0 : i32
      %cond3A_337 = arith.cmpi ne, %convert_element_type3A_335, %cond3A_336 : i32
      scf.if %cond3A_337 {
        %add3A_553 = arith.constant 1 : i32
        %add3A_554 = arith.addi %add3A_326, %add3A_553 : i32
        %mul3A_555 = arith.constant 8 : i32
        %mul3A_556 = arith.muli %add3A_554, %mul3A_555 : i32
        %dma_start3A_557 = arith.constant 0 : i32
        %dma_start3A_558 = tpu.memref_slice %arg3[%add3A, %mul3A_556, %dma_start3A_557] : memref<32x160x128xi32, #tpu.memory_space<hbm>> -> memref<1x8x128xi32, #tpu.memory_space<hbm>>
        %dma_start3A_559 = tpu.memref_squeeze %dma_start3A_558 : memref<1x8x128xi32, #tpu.memory_space<hbm>> -> memref<8x128xi32, #tpu.memory_space<hbm>>
        %dma_start3A_560 = arith.constant 0 : i32
        %dma_start3A_561 = tpu.memref_slice %arg3[%add3A, %mul3A_556, %dma_start3A_560] : memref<32x160x128xi32, #tpu.memory_space<hbm>> -> memref<1x8x128xi32, #tpu.memory_space<hbm>>
        %dma_start3A_562 = tpu.memref_squeeze %dma_start3A_561 : memref<1x8x128xi32, #tpu.memory_space<hbm>> -> memref<8x128xi32, #tpu.memory_space<hbm>>
        tpu.enqueue_dma source(%dma_start3A_562 : memref<8x128xi32, #tpu.memory_space<hbm>>) target(%arg7 : memref<8x128xi32, #tpu.memory_space<vmem>>) target_semaphore(%arg16 : memref<!tpu.dma_semaphore, #tpu.memory_space<semaphore_mem>>)
        %mul3A_563 = arith.constant 8 : i32
        %mul3A_564 = arith.muli %add3A_554, %mul3A_563 : i32
        %dma_start3A_565 = arith.constant 0 : i32
        %dma_start3A_566 = tpu.memref_slice %arg4[%add3A_3, %mul3A_564, %dma_start3A_565] : memref<16x160x128xi32, #tpu.memory_space<hbm>> -> memref<1x8x128xi32, #tpu.memory_space<hbm>>
        %dma_start3A_567 = tpu.memref_squeeze %dma_start3A_566 : memref<1x8x128xi32, #tpu.memory_space<hbm>> -> memref<8x128xi32, #tpu.memory_space<hbm>>
        %dma_start3A_568 = arith.constant 0 : i32
        %dma_start3A_569 = tpu.memref_slice %arg4[%add3A_3, %mul3A_564, %dma_start3A_568] : memref<16x160x128xi32, #tpu.memory_space<hbm>> -> memref<1x8x128xi32, #tpu.memory_space<hbm>>
        %dma_start3A_570 = tpu.memref_squeeze %dma_start3A_569 : memref<1x8x128xi32, #tpu.memory_space<hbm>> -> memref<8x128xi32, #tpu.memory_space<hbm>>
        tpu.enqueue_dma source(%dma_start3A_570 : memref<8x128xi32, #tpu.memory_space<hbm>>) target(%arg9 : memref<8x128xi32, #tpu.memory_space<vmem>>) target_semaphore(%arg16 : memref<!tpu.dma_semaphore, #tpu.memory_space<semaphore_mem>>)
      } else {
      }
      %dma_wait3A_338 = arith.constant 0 : i32
      %dma_wait3A_339 = arith.constant 0 : i32
      %dma_wait3A_340 = tpu.memref_slice %arg8[%dma_wait3A_338, %dma_wait3A_339] : memref<8x128xi32, #tpu.memory_space<vmem>> -> memref<1x128xi32, #tpu.memory_space<vmem>>
      %dma_wait3A_341 = tpu.memref_squeeze %dma_wait3A_340 : memref<1x128xi32, #tpu.memory_space<vmem>> -> memref<128xi32, #tpu.memory_space<vmem>>
      %dma_wait3A_342 = arith.constant 0 : i32
      %dma_wait3A_343 = arith.constant 0 : i32
      %dma_wait3A_344 = tpu.memref_slice %arg2[%dma_wait3A_342, %dma_wait3A_343] : memref<20480x128xf32, #tpu.memory_space<hbm>> -> memref<20480x128xf32, #tpu.memory_space<hbm>>
      tpu.wait_indirect_dma semaphore(%arg14 : memref<!tpu.dma_semaphore, #tpu.memory_space<semaphore_mem>>) src(%dma_wait3A_344 : memref<20480x128xf32, #tpu.memory_space<hbm>>) dst(%arg11 : memref<128x128xf32, #tpu.memory_space<vmem>>)
      %dma_start3A_345 = arith.constant 1 : i32
      %dma_start3A_346 = arith.constant 0 : i32
      %dma_start3A_347 = tpu.memref_slice %arg8[%dma_start3A_345, %dma_start3A_346] : memref<8x128xi32, #tpu.memory_space<vmem>> -> memref<1x128xi32, #tpu.memory_space<vmem>>
      %dma_start3A_348 = tpu.memref_squeeze %dma_start3A_347 : memref<1x128xi32, #tpu.memory_space<vmem>> -> memref<128xi32, #tpu.memory_space<vmem>>
      %dma_start3A_349 = arith.constant 0 : i32
      %dma_start3A_350 = arith.constant 0 : i32
      %dma_start3A_351 = tpu.memref_slice %arg2[%dma_start3A_349, %dma_start3A_350] : memref<20480x128xf32, #tpu.memory_space<hbm>> -> memref<20480x128xf32, #tpu.memory_space<hbm>>
      tpu.enqueue_indirect_dma source(%dma_start3A_351 : memref<20480x128xf32, #tpu.memory_space<hbm>>) target(%arg12 : memref<128x128xf32, #tpu.memory_space<vmem>>) offsets(%dma_start3A_348 : memref<128xi32, #tpu.memory_space<vmem>>) semaphore(%arg15 : memref<!tpu.dma_semaphore, #tpu.memory_space<semaphore_mem>>)
      %dma_start3A_352 = arith.constant 0 : i32
      %dma_start3A_353 = arith.constant 0 : i32
      %dma_start3A_354 = tpu.memref_slice %arg10[%dma_start3A_352, %dma_start3A_353] : memref<8x128xi32, #tpu.memory_space<vmem>> -> memref<1x128xi32, #tpu.memory_space<vmem>>
      %dma_start3A_355 = tpu.memref_squeeze %dma_start3A_354 : memref<1x128xi32, #tpu.memory_space<vmem>> -> memref<128xi32, #tpu.memory_space<vmem>>
      %dma_start3A_356 = arith.constant 0 : i32
      %dma_start3A_357 = arith.constant 0 : i32
      %dma_start3A_358 = tpu.memref_slice %arg13[%dma_start3A_356, %dma_start3A_357] : memref<10240x128xf32, #tpu.memory_space<vmem_shared>> -> memref<10240x128xf32, #tpu.memory_space<vmem_shared>>
      tpu.enqueue_indirect_dma source(%arg11 : memref<128x128xf32, #tpu.memory_space<vmem>>) target(%dma_start3A_358 : memref<10240x128xf32, #tpu.memory_space<vmem_shared>>) offsets(%dma_start3A_355 : memref<128xi32, #tpu.memory_space<vmem>>) semaphore(%arg18 : memref<!tpu.dma_semaphore, #tpu.memory_space<semaphore_mem>>) {add = true}
      %dma_wait3A_359 = arith.constant 1 : i32
      %dma_wait3A_360 = arith.constant 0 : i32
      %dma_wait3A_361 = tpu.memref_slice %arg8[%dma_wait3A_359, %dma_wait3A_360] : memref<8x128xi32, #tpu.memory_space<vmem>> -> memref<1x128xi32, #tpu.memory_space<vmem>>
      %dma_wait3A_362 = tpu.memref_squeeze %dma_wait3A_361 : memref<1x128xi32, #tpu.memory_space<vmem>> -> memref<128xi32, #tpu.memory_space<vmem>>
      %dma_wait3A_363 = arith.constant 0 : i32
      %dma_wait3A_364 = arith.constant 0 : i32
      %dma_wait3A_365 = tpu.memref_slice %arg2[%dma_wait3A_363, %dma_wait3A_364] : memref<20480x128xf32, #tpu.memory_space<hbm>> -> memref<20480x128xf32, #tpu.memory_space<hbm>>
      tpu.wait_indirect_dma semaphore(%arg15 : memref<!tpu.dma_semaphore, #tpu.memory_space<semaphore_mem>>) src(%dma_wait3A_365 : memref<20480x128xf32, #tpu.memory_space<hbm>>) dst(%arg12 : memref<128x128xf32, #tpu.memory_space<vmem>>)
      %dma_wait3A_366 = arith.constant 0 : i32
      %dma_wait3A_367 = arith.constant 0 : i32
      %dma_wait3A_368 = tpu.memref_slice %arg10[%dma_wait3A_366, %dma_wait3A_367] : memref<8x128xi32, #tpu.memory_space<vmem>> -> memref<1x128xi32, #tpu.memory_space<vmem>>
      %dma_wait3A_369 = tpu.memref_squeeze %dma_wait3A_368 : memref<1x128xi32, #tpu.memory_space<vmem>> -> memref<128xi32, #tpu.memory_space<vmem>>
      %dma_wait3A_370 = arith.constant 0 : i32
      %dma_wait3A_371 = arith.constant 0 : i32
      %dma_wait3A_372 = tpu.memref_slice %arg13[%dma_wait3A_370, %dma_wait3A_371] : memref<10240x128xf32, #tpu.memory_space<vmem_shared>> -> memref<10240x128xf32, #tpu.memory_space<vmem_shared>>
      tpu.wait_indirect_dma semaphore(%arg18 : memref<!tpu.dma_semaphore, #tpu.memory_space<semaphore_mem>>) src(%arg11 : memref<128x128xf32, #tpu.memory_space<vmem>>) dst(%dma_wait3A_372 : memref<10240x128xf32, #tpu.memory_space<vmem_shared>>)
      %dma_start3A_373 = arith.constant 2 : i32
      %dma_start3A_374 = arith.constant 0 : i32
      %dma_start3A_375 = tpu.memref_slice %arg8[%dma_start3A_373, %dma_start3A_374] : memref<8x128xi32, #tpu.memory_space<vmem>> -> memref<1x128xi32, #tpu.memory_space<vmem>>
      %dma_start3A_376 = tpu.memref_squeeze %dma_start3A_375 : memref<1x128xi32, #tpu.memory_space<vmem>> -> memref<128xi32, #tpu.memory_space<vmem>>
      %dma_start3A_377 = arith.constant 0 : i32
      %dma_start3A_378 = arith.constant 0 : i32
      %dma_start3A_379 = tpu.memref_slice %arg2[%dma_start3A_377, %dma_start3A_378] : memref<20480x128xf32, #tpu.memory_space<hbm>> -> memref<20480x128xf32, #tpu.memory_space<hbm>>
      tpu.enqueue_indirect_dma source(%dma_start3A_379 : memref<20480x128xf32, #tpu.memory_space<hbm>>) target(%arg11 : memref<128x128xf32, #tpu.memory_space<vmem>>) offsets(%dma_start3A_376 : memref<128xi32, #tpu.memory_space<vmem>>) semaphore(%arg14 : memref<!tpu.dma_semaphore, #tpu.memory_space<semaphore_mem>>)
      %dma_start3A_380 = arith.constant 1 : i32
      %dma_start3A_381 = arith.constant 0 : i32
      %dma_start3A_382 = tpu.memref_slice %arg10[%dma_start3A_380, %dma_start3A_381] : memref<8x128xi32, #tpu.memory_space<vmem>> -> memref<1x128xi32, #tpu.memory_space<vmem>>
      %dma_start3A_383 = tpu.memref_squeeze %dma_start3A_382 : memref<1x128xi32, #tpu.memory_space<vmem>> -> memref<128xi32, #tpu.memory_space<vmem>>
      %dma_start3A_384 = arith.constant 0 : i32
      %dma_start3A_385 = arith.constant 0 : i32
      %dma_start3A_386 = tpu.memref_slice %arg13[%dma_start3A_384, %dma_start3A_385] : memref<10240x128xf32, #tpu.memory_space<vmem_shared>> -> memref<10240x128xf32, #tpu.memory_space<vmem_shared>>
      tpu.enqueue_indirect_dma source(%arg12 : memref<128x128xf32, #tpu.memory_space<vmem>>) target(%dma_start3A_386 : memref<10240x128xf32, #tpu.memory_space<vmem_shared>>) offsets(%dma_start3A_383 : memref<128xi32, #tpu.memory_space<vmem>>) semaphore(%arg19 : memref<!tpu.dma_semaphore, #tpu.memory_space<semaphore_mem>>) {add = true}
      %dma_wait3A_387 = arith.constant 2 : i32
      %dma_wait3A_388 = arith.constant 0 : i32
      %dma_wait3A_389 = tpu.memref_slice %arg8[%dma_wait3A_387, %dma_wait3A_388] : memref<8x128xi32, #tpu.memory_space<vmem>> -> memref<1x128xi32, #tpu.memory_space<vmem>>
      %dma_wait3A_390 = tpu.memref_squeeze %dma_wait3A_389 : memref<1x128xi32, #tpu.memory_space<vmem>> -> memref<128xi32, #tpu.memory_space<vmem>>
      %dma_wait3A_391 = arith.constant 0 : i32
      %dma_wait3A_392 = arith.constant 0 : i32
      %dma_wait3A_393 = tpu.memref_slice %arg2[%dma_wait3A_391, %dma_wait3A_392] : memref<20480x128xf32, #tpu.memory_space<hbm>> -> memref<20480x128xf32, #tpu.memory_space<hbm>>
      tpu.wait_indirect_dma semaphore(%arg14 : memref<!tpu.dma_semaphore, #tpu.memory_space<semaphore_mem>>) src(%dma_wait3A_393 : memref<20480x128xf32, #tpu.memory_space<hbm>>) dst(%arg11 : memref<128x128xf32, #tpu.memory_space<vmem>>)
      %dma_wait3A_394 = arith.constant 1 : i32
      %dma_wait3A_395 = arith.constant 0 : i32
      %dma_wait3A_396 = tpu.memref_slice %arg10[%dma_wait3A_394, %dma_wait3A_395] : memref<8x128xi32, #tpu.memory_space<vmem>> -> memref<1x128xi32, #tpu.memory_space<vmem>>
      %dma_wait3A_397 = tpu.memref_squeeze %dma_wait3A_396 : memref<1x128xi32, #tpu.memory_space<vmem>> -> memref<128xi32, #tpu.memory_space<vmem>>
      %dma_wait3A_398 = arith.constant 0 : i32
      %dma_wait3A_399 = arith.constant 0 : i32
      %dma_wait3A_400 = tpu.memref_slice %arg13[%dma_wait3A_398, %dma_wait3A_399] : memref<10240x128xf32, #tpu.memory_space<vmem_shared>> -> memref<10240x128xf32, #tpu.memory_space<vmem_shared>>
      tpu.wait_indirect_dma semaphore(%arg19 : memref<!tpu.dma_semaphore, #tpu.memory_space<semaphore_mem>>) src(%arg12 : memref<128x128xf32, #tpu.memory_space<vmem>>) dst(%dma_wait3A_400 : memref<10240x128xf32, #tpu.memory_space<vmem_shared>>)
      %dma_start3A_401 = arith.constant 3 : i32
      %dma_start3A_402 = arith.constant 0 : i32
      %dma_start3A_403 = tpu.memref_slice %arg8[%dma_start3A_401, %dma_start3A_402] : memref<8x128xi32, #tpu.memory_space<vmem>> -> memref<1x128xi32, #tpu.memory_space<vmem>>
      %dma_start3A_404 = tpu.memref_squeeze %dma_start3A_403 : memref<1x128xi32, #tpu.memory_space<vmem>> -> memref<128xi32, #tpu.memory_space<vmem>>
      %dma_start3A_405 = arith.constant 0 : i32
      %dma_start3A_406 = arith.constant 0 : i32
      %dma_start3A_407 = tpu.memref_slice %arg2[%dma_start3A_405, %dma_start3A_406] : memref<20480x128xf32, #tpu.memory_space<hbm>> -> memref<20480x128xf32, #tpu.memory_space<hbm>>
      tpu.enqueue_indirect_dma source(%dma_start3A_407 : memref<20480x128xf32, #tpu.memory_space<hbm>>) target(%arg12 : memref<128x128xf32, #tpu.memory_space<vmem>>) offsets(%dma_start3A_404 : memref<128xi32, #tpu.memory_space<vmem>>) semaphore(%arg15 : memref<!tpu.dma_semaphore, #tpu.memory_space<semaphore_mem>>)
      %dma_start3A_408 = arith.constant 2 : i32
      %dma_start3A_409 = arith.constant 0 : i32
      %dma_start3A_410 = tpu.memref_slice %arg10[%dma_start3A_408, %dma_start3A_409] : memref<8x128xi32, #tpu.memory_space<vmem>> -> memref<1x128xi32, #tpu.memory_space<vmem>>
      %dma_start3A_411 = tpu.memref_squeeze %dma_start3A_410 : memref<1x128xi32, #tpu.memory_space<vmem>> -> memref<128xi32, #tpu.memory_space<vmem>>
      %dma_start3A_412 = arith.constant 0 : i32
      %dma_start3A_413 = arith.constant 0 : i32
      %dma_start3A_414 = tpu.memref_slice %arg13[%dma_start3A_412, %dma_start3A_413] : memref<10240x128xf32, #tpu.memory_space<vmem_shared>> -> memref<10240x128xf32, #tpu.memory_space<vmem_shared>>
      tpu.enqueue_indirect_dma source(%arg11 : memref<128x128xf32, #tpu.memory_space<vmem>>) target(%dma_start3A_414 : memref<10240x128xf32, #tpu.memory_space<vmem_shared>>) offsets(%dma_start3A_411 : memref<128xi32, #tpu.memory_space<vmem>>) semaphore(%arg18 : memref<!tpu.dma_semaphore, #tpu.memory_space<semaphore_mem>>) {add = true}
      %dma_wait3A_415 = arith.constant 3 : i32
      %dma_wait3A_416 = arith.constant 0 : i32
      %dma_wait3A_417 = tpu.memref_slice %arg8[%dma_wait3A_415, %dma_wait3A_416] : memref<8x128xi32, #tpu.memory_space<vmem>> -> memref<1x128xi32, #tpu.memory_space<vmem>>
      %dma_wait3A_418 = tpu.memref_squeeze %dma_wait3A_417 : memref<1x128xi32, #tpu.memory_space<vmem>> -> memref<128xi32, #tpu.memory_space<vmem>>
      %dma_wait3A_419 = arith.constant 0 : i32
      %dma_wait3A_420 = arith.constant 0 : i32
      %dma_wait3A_421 = tpu.memref_slice %arg2[%dma_wait3A_419, %dma_wait3A_420] : memref<20480x128xf32, #tpu.memory_space<hbm>> -> memref<20480x128xf32, #tpu.memory_space<hbm>>
      tpu.wait_indirect_dma semaphore(%arg15 : memref<!tpu.dma_semaphore, #tpu.memory_space<semaphore_mem>>) src(%dma_wait3A_421 : memref<20480x128xf32, #tpu.memory_space<hbm>>) dst(%arg12 : memref<128x128xf32, #tpu.memory_space<vmem>>)
      %dma_wait3A_422 = arith.constant 2 : i32
      %dma_wait3A_423 = arith.constant 0 : i32
      %dma_wait3A_424 = tpu.memref_slice %arg10[%dma_wait3A_422, %dma_wait3A_423] : memref<8x128xi32, #tpu.memory_space<vmem>> -> memref<1x128xi32, #tpu.memory_space<vmem>>
      %dma_wait3A_425 = tpu.memref_squeeze %dma_wait3A_424 : memref<1x128xi32, #tpu.memory_space<vmem>> -> memref<128xi32, #tpu.memory_space<vmem>>
      %dma_wait3A_426 = arith.constant 0 : i32
      %dma_wait3A_427 = arith.constant 0 : i32
      %dma_wait3A_428 = tpu.memref_slice %arg13[%dma_wait3A_426, %dma_wait3A_427] : memref<10240x128xf32, #tpu.memory_space<vmem_shared>> -> memref<10240x128xf32, #tpu.memory_space<vmem_shared>>
      tpu.wait_indirect_dma semaphore(%arg18 : memref<!tpu.dma_semaphore, #tpu.memory_space<semaphore_mem>>) src(%arg11 : memref<128x128xf32, #tpu.memory_space<vmem>>) dst(%dma_wait3A_428 : memref<10240x128xf32, #tpu.memory_space<vmem_shared>>)
      %dma_start3A_429 = arith.constant 4 : i32
      %dma_start3A_430 = arith.constant 0 : i32
      %dma_start3A_431 = tpu.memref_slice %arg8[%dma_start3A_429, %dma_start3A_430] : memref<8x128xi32, #tpu.memory_space<vmem>> -> memref<1x128xi32, #tpu.memory_space<vmem>>
      %dma_start3A_432 = tpu.memref_squeeze %dma_start3A_431 : memref<1x128xi32, #tpu.memory_space<vmem>> -> memref<128xi32, #tpu.memory_space<vmem>>
      %dma_start3A_433 = arith.constant 0 : i32
      %dma_start3A_434 = arith.constant 0 : i32
      %dma_start3A_435 = tpu.memref_slice %arg2[%dma_start3A_433, %dma_start3A_434] : memref<20480x128xf32, #tpu.memory_space<hbm>> -> memref<20480x128xf32, #tpu.memory_space<hbm>>
      tpu.enqueue_indirect_dma source(%dma_start3A_435 : memref<20480x128xf32, #tpu.memory_space<hbm>>) target(%arg11 : memref<128x128xf32, #tpu.memory_space<vmem>>) offsets(%dma_start3A_432 : memref<128xi32, #tpu.memory_space<vmem>>) semaphore(%arg14 : memref<!tpu.dma_semaphore, #tpu.memory_space<semaphore_mem>>)
      %dma_start3A_436 = arith.constant 3 : i32
      %dma_start3A_437 = arith.constant 0 : i32
      %dma_start3A_438 = tpu.memref_slice %arg10[%dma_start3A_436, %dma_start3A_437] : memref<8x128xi32, #tpu.memory_space<vmem>> -> memref<1x128xi32, #tpu.memory_space<vmem>>
      %dma_start3A_439 = tpu.memref_squeeze %dma_start3A_438 : memref<1x128xi32, #tpu.memory_space<vmem>> -> memref<128xi32, #tpu.memory_space<vmem>>
      %dma_start3A_440 = arith.constant 0 : i32
      %dma_start3A_441 = arith.constant 0 : i32
      %dma_start3A_442 = tpu.memref_slice %arg13[%dma_start3A_440, %dma_start3A_441] : memref<10240x128xf32, #tpu.memory_space<vmem_shared>> -> memref<10240x128xf32, #tpu.memory_space<vmem_shared>>
      tpu.enqueue_indirect_dma source(%arg12 : memref<128x128xf32, #tpu.memory_space<vmem>>) target(%dma_start3A_442 : memref<10240x128xf32, #tpu.memory_space<vmem_shared>>) offsets(%dma_start3A_439 : memref<128xi32, #tpu.memory_space<vmem>>) semaphore(%arg19 : memref<!tpu.dma_semaphore, #tpu.memory_space<semaphore_mem>>) {add = true}
      %dma_wait3A_443 = arith.constant 4 : i32
      %dma_wait3A_444 = arith.constant 0 : i32
      %dma_wait3A_445 = tpu.memref_slice %arg8[%dma_wait3A_443, %dma_wait3A_444] : memref<8x128xi32, #tpu.memory_space<vmem>> -> memref<1x128xi32, #tpu.memory_space<vmem>>
      %dma_wait3A_446 = tpu.memref_squeeze %dma_wait3A_445 : memref<1x128xi32, #tpu.memory_space<vmem>> -> memref<128xi32, #tpu.memory_space<vmem>>
      %dma_wait3A_447 = arith.constant 0 : i32
      %dma_wait3A_448 = arith.constant 0 : i32
      %dma_wait3A_449 = tpu.memref_slice %arg2[%dma_wait3A_447, %dma_wait3A_448] : memref<20480x128xf32, #tpu.memory_space<hbm>> -> memref<20480x128xf32, #tpu.memory_space<hbm>>
      tpu.wait_indirect_dma semaphore(%arg14 : memref<!tpu.dma_semaphore, #tpu.memory_space<semaphore_mem>>) src(%dma_wait3A_449 : memref<20480x128xf32, #tpu.memory_space<hbm>>) dst(%arg11 : memref<128x128xf32, #tpu.memory_space<vmem>>)
      %dma_wait3A_450 = arith.constant 3 : i32
      %dma_wait3A_451 = arith.constant 0 : i32
      %dma_wait3A_452 = tpu.memref_slice %arg10[%dma_wait3A_450, %dma_wait3A_451] : memref<8x128xi32, #tpu.memory_space<vmem>> -> memref<1x128xi32, #tpu.memory_space<vmem>>
      %dma_wait3A_453 = tpu.memref_squeeze %dma_wait3A_452 : memref<1x128xi32, #tpu.memory_space<vmem>> -> memref<128xi32, #tpu.memory_space<vmem>>
      %dma_wait3A_454 = arith.constant 0 : i32
      %dma_wait3A_455 = arith.constant 0 : i32
      %dma_wait3A_456 = tpu.memref_slice %arg13[%dma_wait3A_454, %dma_wait3A_455] : memref<10240x128xf32, #tpu.memory_space<vmem_shared>> -> memref<10240x128xf32, #tpu.memory_space<vmem_shared>>
      tpu.wait_indirect_dma semaphore(%arg19 : memref<!tpu.dma_semaphore, #tpu.memory_space<semaphore_mem>>) src(%arg12 : memref<128x128xf32, #tpu.memory_space<vmem>>) dst(%dma_wait3A_456 : memref<10240x128xf32, #tpu.memory_space<vmem_shared>>)
      %dma_start3A_457 = arith.constant 5 : i32
      %dma_start3A_458 = arith.constant 0 : i32
      %dma_start3A_459 = tpu.memref_slice %arg8[%dma_start3A_457, %dma_start3A_458] : memref<8x128xi32, #tpu.memory_space<vmem>> -> memref<1x128xi32, #tpu.memory_space<vmem>>
      %dma_start3A_460 = tpu.memref_squeeze %dma_start3A_459 : memref<1x128xi32, #tpu.memory_space<vmem>> -> memref<128xi32, #tpu.memory_space<vmem>>
      %dma_start3A_461 = arith.constant 0 : i32
      %dma_start3A_462 = arith.constant 0 : i32
      %dma_start3A_463 = tpu.memref_slice %arg2[%dma_start3A_461, %dma_start3A_462] : memref<20480x128xf32, #tpu.memory_space<hbm>> -> memref<20480x128xf32, #tpu.memory_space<hbm>>
      tpu.enqueue_indirect_dma source(%dma_start3A_463 : memref<20480x128xf32, #tpu.memory_space<hbm>>) target(%arg12 : memref<128x128xf32, #tpu.memory_space<vmem>>) offsets(%dma_start3A_460 : memref<128xi32, #tpu.memory_space<vmem>>) semaphore(%arg15 : memref<!tpu.dma_semaphore, #tpu.memory_space<semaphore_mem>>)
      %dma_start3A_464 = arith.constant 4 : i32
      %dma_start3A_465 = arith.constant 0 : i32
      %dma_start3A_466 = tpu.memref_slice %arg10[%dma_start3A_464, %dma_start3A_465] : memref<8x128xi32, #tpu.memory_space<vmem>> -> memref<1x128xi32, #tpu.memory_space<vmem>>
      %dma_start3A_467 = tpu.memref_squeeze %dma_start3A_466 : memref<1x128xi32, #tpu.memory_space<vmem>> -> memref<128xi32, #tpu.memory_space<vmem>>
      %dma_start3A_468 = arith.constant 0 : i32
      %dma_start3A_469 = arith.constant 0 : i32
      %dma_start3A_470 = tpu.memref_slice %arg13[%dma_start3A_468, %dma_start3A_469] : memref<10240x128xf32, #tpu.memory_space<vmem_shared>> -> memref<10240x128xf32, #tpu.memory_space<vmem_shared>>
      tpu.enqueue_indirect_dma source(%arg11 : memref<128x128xf32, #tpu.memory_space<vmem>>) target(%dma_start3A_470 : memref<10240x128xf32, #tpu.memory_space<vmem_shared>>) offsets(%dma_start3A_467 : memref<128xi32, #tpu.memory_space<vmem>>) semaphore(%arg18 : memref<!tpu.dma_semaphore, #tpu.memory_space<semaphore_mem>>) {add = true}
      %dma_wait3A_471 = arith.constant 5 : i32
      %dma_wait3A_472 = arith.constant 0 : i32
      %dma_wait3A_473 = tpu.memref_slice %arg8[%dma_wait3A_471, %dma_wait3A_472] : memref<8x128xi32, #tpu.memory_space<vmem>> -> memref<1x128xi32, #tpu.memory_space<vmem>>
      %dma_wait3A_474 = tpu.memref_squeeze %dma_wait3A_473 : memref<1x128xi32, #tpu.memory_space<vmem>> -> memref<128xi32, #tpu.memory_space<vmem>>
      %dma_wait3A_475 = arith.constant 0 : i32
      %dma_wait3A_476 = arith.constant 0 : i32
      %dma_wait3A_477 = tpu.memref_slice %arg2[%dma_wait3A_475, %dma_wait3A_476] : memref<20480x128xf32, #tpu.memory_space<hbm>> -> memref<20480x128xf32, #tpu.memory_space<hbm>>
      tpu.wait_indirect_dma semaphore(%arg15 : memref<!tpu.dma_semaphore, #tpu.memory_space<semaphore_mem>>) src(%dma_wait3A_477 : memref<20480x128xf32, #tpu.memory_space<hbm>>) dst(%arg12 : memref<128x128xf32, #tpu.memory_space<vmem>>)
      %dma_wait3A_478 = arith.constant 4 : i32
      %dma_wait3A_479 = arith.constant 0 : i32
      %dma_wait3A_480 = tpu.memref_slice %arg10[%dma_wait3A_478, %dma_wait3A_479] : memref<8x128xi32, #tpu.memory_space<vmem>> -> memref<1x128xi32, #tpu.memory_space<vmem>>
      %dma_wait3A_481 = tpu.memref_squeeze %dma_wait3A_480 : memref<1x128xi32, #tpu.memory_space<vmem>> -> memref<128xi32, #tpu.memory_space<vmem>>
      %dma_wait3A_482 = arith.constant 0 : i32
      %dma_wait3A_483 = arith.constant 0 : i32
      %dma_wait3A_484 = tpu.memref_slice %arg13[%dma_wait3A_482, %dma_wait3A_483] : memref<10240x128xf32, #tpu.memory_space<vmem_shared>> -> memref<10240x128xf32, #tpu.memory_space<vmem_shared>>
      tpu.wait_indirect_dma semaphore(%arg18 : memref<!tpu.dma_semaphore, #tpu.memory_space<semaphore_mem>>) src(%arg11 : memref<128x128xf32, #tpu.memory_space<vmem>>) dst(%dma_wait3A_484 : memref<10240x128xf32, #tpu.memory_space<vmem_shared>>)
      %dma_start3A_485 = arith.constant 6 : i32
      %dma_start3A_486 = arith.constant 0 : i32
      %dma_start3A_487 = tpu.memref_slice %arg8[%dma_start3A_485, %dma_start3A_486] : memref<8x128xi32, #tpu.memory_space<vmem>> -> memref<1x128xi32, #tpu.memory_space<vmem>>
      %dma_start3A_488 = tpu.memref_squeeze %dma_start3A_487 : memref<1x128xi32, #tpu.memory_space<vmem>> -> memref<128xi32, #tpu.memory_space<vmem>>
      %dma_start3A_489 = arith.constant 0 : i32
      %dma_start3A_490 = arith.constant 0 : i32
      %dma_start3A_491 = tpu.memref_slice %arg2[%dma_start3A_489, %dma_start3A_490] : memref<20480x128xf32, #tpu.memory_space<hbm>> -> memref<20480x128xf32, #tpu.memory_space<hbm>>
      tpu.enqueue_indirect_dma source(%dma_start3A_491 : memref<20480x128xf32, #tpu.memory_space<hbm>>) target(%arg11 : memref<128x128xf32, #tpu.memory_space<vmem>>) offsets(%dma_start3A_488 : memref<128xi32, #tpu.memory_space<vmem>>) semaphore(%arg14 : memref<!tpu.dma_semaphore, #tpu.memory_space<semaphore_mem>>)
      %dma_start3A_492 = arith.constant 5 : i32
      %dma_start3A_493 = arith.constant 0 : i32
      %dma_start3A_494 = tpu.memref_slice %arg10[%dma_start3A_492, %dma_start3A_493] : memref<8x128xi32, #tpu.memory_space<vmem>> -> memref<1x128xi32, #tpu.memory_space<vmem>>
      %dma_start3A_495 = tpu.memref_squeeze %dma_start3A_494 : memref<1x128xi32, #tpu.memory_space<vmem>> -> memref<128xi32, #tpu.memory_space<vmem>>
      %dma_start3A_496 = arith.constant 0 : i32
      %dma_start3A_497 = arith.constant 0 : i32
      %dma_start3A_498 = tpu.memref_slice %arg13[%dma_start3A_496, %dma_start3A_497] : memref<10240x128xf32, #tpu.memory_space<vmem_shared>> -> memref<10240x128xf32, #tpu.memory_space<vmem_shared>>
      tpu.enqueue_indirect_dma source(%arg12 : memref<128x128xf32, #tpu.memory_space<vmem>>) target(%dma_start3A_498 : memref<10240x128xf32, #tpu.memory_space<vmem_shared>>) offsets(%dma_start3A_495 : memref<128xi32, #tpu.memory_space<vmem>>) semaphore(%arg19 : memref<!tpu.dma_semaphore, #tpu.memory_space<semaphore_mem>>) {add = true}
      %dma_wait3A_499 = arith.constant 6 : i32
      %dma_wait3A_500 = arith.constant 0 : i32
      %dma_wait3A_501 = tpu.memref_slice %arg8[%dma_wait3A_499, %dma_wait3A_500] : memref<8x128xi32, #tpu.memory_space<vmem>> -> memref<1x128xi32, #tpu.memory_space<vmem>>
      %dma_wait3A_502 = tpu.memref_squeeze %dma_wait3A_501 : memref<1x128xi32, #tpu.memory_space<vmem>> -> memref<128xi32, #tpu.memory_space<vmem>>
      %dma_wait3A_503 = arith.constant 0 : i32
      %dma_wait3A_504 = arith.constant 0 : i32
      %dma_wait3A_505 = tpu.memref_slice %arg2[%dma_wait3A_503, %dma_wait3A_504] : memref<20480x128xf32, #tpu.memory_space<hbm>> -> memref<20480x128xf32, #tpu.memory_space<hbm>>
      tpu.wait_indirect_dma semaphore(%arg14 : memref<!tpu.dma_semaphore, #tpu.memory_space<semaphore_mem>>) src(%dma_wait3A_505 : memref<20480x128xf32, #tpu.memory_space<hbm>>) dst(%arg11 : memref<128x128xf32, #tpu.memory_space<vmem>>)
      %dma_wait3A_506 = arith.constant 5 : i32
      %dma_wait3A_507 = arith.constant 0 : i32
      %dma_wait3A_508 = tpu.memref_slice %arg10[%dma_wait3A_506, %dma_wait3A_507] : memref<8x128xi32, #tpu.memory_space<vmem>> -> memref<1x128xi32, #tpu.memory_space<vmem>>
      %dma_wait3A_509 = tpu.memref_squeeze %dma_wait3A_508 : memref<1x128xi32, #tpu.memory_space<vmem>> -> memref<128xi32, #tpu.memory_space<vmem>>
      %dma_wait3A_510 = arith.constant 0 : i32
      %dma_wait3A_511 = arith.constant 0 : i32
      %dma_wait3A_512 = tpu.memref_slice %arg13[%dma_wait3A_510, %dma_wait3A_511] : memref<10240x128xf32, #tpu.memory_space<vmem_shared>> -> memref<10240x128xf32, #tpu.memory_space<vmem_shared>>
      tpu.wait_indirect_dma semaphore(%arg19 : memref<!tpu.dma_semaphore, #tpu.memory_space<semaphore_mem>>) src(%arg12 : memref<128x128xf32, #tpu.memory_space<vmem>>) dst(%dma_wait3A_512 : memref<10240x128xf32, #tpu.memory_space<vmem_shared>>)
      %dma_start3A_513 = arith.constant 7 : i32
      %dma_start3A_514 = arith.constant 0 : i32
      %dma_start3A_515 = tpu.memref_slice %arg8[%dma_start3A_513, %dma_start3A_514] : memref<8x128xi32, #tpu.memory_space<vmem>> -> memref<1x128xi32, #tpu.memory_space<vmem>>
      %dma_start3A_516 = tpu.memref_squeeze %dma_start3A_515 : memref<1x128xi32, #tpu.memory_space<vmem>> -> memref<128xi32, #tpu.memory_space<vmem>>
      %dma_start3A_517 = arith.constant 0 : i32
      %dma_start3A_518 = arith.constant 0 : i32
      %dma_start3A_519 = tpu.memref_slice %arg2[%dma_start3A_517, %dma_start3A_518] : memref<20480x128xf32, #tpu.memory_space<hbm>> -> memref<20480x128xf32, #tpu.memory_space<hbm>>
      tpu.enqueue_indirect_dma source(%dma_start3A_519 : memref<20480x128xf32, #tpu.memory_space<hbm>>) target(%arg12 : memref<128x128xf32, #tpu.memory_space<vmem>>) offsets(%dma_start3A_516 : memref<128xi32, #tpu.memory_space<vmem>>) semaphore(%arg15 : memref<!tpu.dma_semaphore, #tpu.memory_space<semaphore_mem>>)
      %dma_start3A_520 = arith.constant 6 : i32
      %dma_start3A_521 = arith.constant 0 : i32
      %dma_start3A_522 = tpu.memref_slice %arg10[%dma_start3A_520, %dma_start3A_521] : memref<8x128xi32, #tpu.memory_space<vmem>> -> memref<1x128xi32, #tpu.memory_space<vmem>>
      %dma_start3A_523 = tpu.memref_squeeze %dma_start3A_522 : memref<1x128xi32, #tpu.memory_space<vmem>> -> memref<128xi32, #tpu.memory_space<vmem>>
      %dma_start3A_524 = arith.constant 0 : i32
      %dma_start3A_525 = arith.constant 0 : i32
      %dma_start3A_526 = tpu.memref_slice %arg13[%dma_start3A_524, %dma_start3A_525] : memref<10240x128xf32, #tpu.memory_space<vmem_shared>> -> memref<10240x128xf32, #tpu.memory_space<vmem_shared>>
      tpu.enqueue_indirect_dma source(%arg11 : memref<128x128xf32, #tpu.memory_space<vmem>>) target(%dma_start3A_526 : memref<10240x128xf32, #tpu.memory_space<vmem_shared>>) offsets(%dma_start3A_523 : memref<128xi32, #tpu.memory_space<vmem>>) semaphore(%arg18 : memref<!tpu.dma_semaphore, #tpu.memory_space<semaphore_mem>>) {add = true}
      %dma_wait3A_527 = arith.constant 7 : i32
      %dma_wait3A_528 = arith.constant 0 : i32
      %dma_wait3A_529 = tpu.memref_slice %arg8[%dma_wait3A_527, %dma_wait3A_528] : memref<8x128xi32, #tpu.memory_space<vmem>> -> memref<1x128xi32, #tpu.memory_space<vmem>>
      %dma_wait3A_530 = tpu.memref_squeeze %dma_wait3A_529 : memref<1x128xi32, #tpu.memory_space<vmem>> -> memref<128xi32, #tpu.memory_space<vmem>>
      %dma_wait3A_531 = arith.constant 0 : i32
      %dma_wait3A_532 = arith.constant 0 : i32
      %dma_wait3A_533 = tpu.memref_slice %arg2[%dma_wait3A_531, %dma_wait3A_532] : memref<20480x128xf32, #tpu.memory_space<hbm>> -> memref<20480x128xf32, #tpu.memory_space<hbm>>
      tpu.wait_indirect_dma semaphore(%arg15 : memref<!tpu.dma_semaphore, #tpu.memory_space<semaphore_mem>>) src(%dma_wait3A_533 : memref<20480x128xf32, #tpu.memory_space<hbm>>) dst(%arg12 : memref<128x128xf32, #tpu.memory_space<vmem>>)
      %dma_wait3A_534 = arith.constant 6 : i32
      %dma_wait3A_535 = arith.constant 0 : i32
      %dma_wait3A_536 = tpu.memref_slice %arg10[%dma_wait3A_534, %dma_wait3A_535] : memref<8x128xi32, #tpu.memory_space<vmem>> -> memref<1x128xi32, #tpu.memory_space<vmem>>
      %dma_wait3A_537 = tpu.memref_squeeze %dma_wait3A_536 : memref<1x128xi32, #tpu.memory_space<vmem>> -> memref<128xi32, #tpu.memory_space<vmem>>
      %dma_wait3A_538 = arith.constant 0 : i32
      %dma_wait3A_539 = arith.constant 0 : i32
      %dma_wait3A_540 = tpu.memref_slice %arg13[%dma_wait3A_538, %dma_wait3A_539] : memref<10240x128xf32, #tpu.memory_space<vmem_shared>> -> memref<10240x128xf32, #tpu.memory_space<vmem_shared>>
      tpu.wait_indirect_dma semaphore(%arg18 : memref<!tpu.dma_semaphore, #tpu.memory_space<semaphore_mem>>) src(%arg11 : memref<128x128xf32, #tpu.memory_space<vmem>>) dst(%dma_wait3A_540 : memref<10240x128xf32, #tpu.memory_space<vmem_shared>>)
      %lt3A_541 = arith.constant 9 : i32
      %lt3A_542 = arith.cmpi slt, %scan3A_63, %lt3A_541 : i32
      %convert_element_type3A_543 = arith.extui %lt3A_542 : i1 to i32
      %cond3A_544 = arith.constant 0 : i32
      %cond3A_545 = arith.cmpi ne, %convert_element_type3A_543, %cond3A_544 : i32
      scf.if %cond3A_545 {
        %add3A_553 = arith.constant 1 : i32
        %add3A_554 = arith.addi %add3A_326, %add3A_553 : i32
        %mul3A_555 = arith.constant 8 : i32
        %mul3A_556 = arith.muli %add3A_554, %mul3A_555 : i32
        %dma_wait3A_557 = arith.constant 0 : i32
        %dma_wait3A_558 = tpu.memref_slice %arg3[%add3A, %mul3A_556, %dma_wait3A_557] : memref<32x160x128xi32, #tpu.memory_space<hbm>> -> memref<1x8x128xi32, #tpu.memory_space<hbm>>
        %dma_wait3A_559 = tpu.memref_squeeze %dma_wait3A_558 : memref<1x8x128xi32, #tpu.memory_space<hbm>> -> memref<8x128xi32, #tpu.memory_space<hbm>>
        %dma_wait3A_560 = arith.constant 0 : i32
        %dma_wait3A_561 = tpu.memref_slice %arg3[%add3A, %mul3A_556, %dma_wait3A_560] : memref<32x160x128xi32, #tpu.memory_space<hbm>> -> memref<1x8x128xi32, #tpu.memory_space<hbm>>
        %dma_wait3A_562 = tpu.memref_squeeze %dma_wait3A_561 : memref<1x8x128xi32, #tpu.memory_space<hbm>> -> memref<8x128xi32, #tpu.memory_space<hbm>>
        tpu.wait_dma2 semaphore(%arg16 : memref<!tpu.dma_semaphore, #tpu.memory_space<semaphore_mem>>) src(%dma_wait3A_562 : memref<8x128xi32, #tpu.memory_space<hbm>>) dst(%arg7 : memref<8x128xi32, #tpu.memory_space<vmem>>)
        %mul3A_563 = arith.constant 8 : i32
        %mul3A_564 = arith.muli %add3A_554, %mul3A_563 : i32
        %dma_wait3A_565 = arith.constant 0 : i32
        %dma_wait3A_566 = tpu.memref_slice %arg4[%add3A_3, %mul3A_564, %dma_wait3A_565] : memref<16x160x128xi32, #tpu.memory_space<hbm>> -> memref<1x8x128xi32, #tpu.memory_space<hbm>>
        %dma_wait3A_567 = tpu.memref_squeeze %dma_wait3A_566 : memref<1x8x128xi32, #tpu.memory_space<hbm>> -> memref<8x128xi32, #tpu.memory_space<hbm>>
        %dma_wait3A_568 = arith.constant 0 : i32
        %dma_wait3A_569 = tpu.memref_slice %arg4[%add3A_3, %mul3A_564, %dma_wait3A_568] : memref<16x160x128xi32, #tpu.memory_space<hbm>> -> memref<1x8x128xi32, #tpu.memory_space<hbm>>
        %dma_wait3A_570 = tpu.memref_squeeze %dma_wait3A_569 : memref<1x8x128xi32, #tpu.memory_space<hbm>> -> memref<8x128xi32, #tpu.memory_space<hbm>>
        tpu.wait_dma2 semaphore(%arg16 : memref<!tpu.dma_semaphore, #tpu.memory_space<semaphore_mem>>) src(%dma_wait3A_570 : memref<8x128xi32, #tpu.memory_space<hbm>>) dst(%arg9 : memref<8x128xi32, #tpu.memory_space<vmem>>)
        %dma_start3A_571 = arith.constant 0 : i32
        %dma_start3A_572 = arith.constant 0 : i32
        %dma_start3A_573 = tpu.memref_slice %arg7[%dma_start3A_571, %dma_start3A_572] : memref<8x128xi32, #tpu.memory_space<vmem>> -> memref<1x128xi32, #tpu.memory_space<vmem>>
        %dma_start3A_574 = tpu.memref_squeeze %dma_start3A_573 : memref<1x128xi32, #tpu.memory_space<vmem>> -> memref<128xi32, #tpu.memory_space<vmem>>
        %dma_start3A_575 = arith.constant 0 : i32
        %dma_start3A_576 = arith.constant 0 : i32
        %dma_start3A_577 = tpu.memref_slice %arg2[%dma_start3A_575, %dma_start3A_576] : memref<20480x128xf32, #tpu.memory_space<hbm>> -> memref<20480x128xf32, #tpu.memory_space<hbm>>
        tpu.enqueue_indirect_dma source(%dma_start3A_577 : memref<20480x128xf32, #tpu.memory_space<hbm>>) target(%arg11 : memref<128x128xf32, #tpu.memory_space<vmem>>) offsets(%dma_start3A_574 : memref<128xi32, #tpu.memory_space<vmem>>) semaphore(%arg14 : memref<!tpu.dma_semaphore, #tpu.memory_space<semaphore_mem>>)
      } else {
      }
      %dma_start3A_546 = arith.constant 7 : i32
      %dma_start3A_547 = arith.constant 0 : i32
      %dma_start3A_548 = tpu.memref_slice %arg10[%dma_start3A_546, %dma_start3A_547] : memref<8x128xi32, #tpu.memory_space<vmem>> -> memref<1x128xi32, #tpu.memory_space<vmem>>
      %dma_start3A_549 = tpu.memref_squeeze %dma_start3A_548 : memref<1x128xi32, #tpu.memory_space<vmem>> -> memref<128xi32, #tpu.memory_space<vmem>>
      %dma_start3A_550 = arith.constant 0 : i32
      %dma_start3A_551 = arith.constant 0 : i32
      %dma_start3A_552 = tpu.memref_slice %arg13[%dma_start3A_550, %dma_start3A_551] : memref<10240x128xf32, #tpu.memory_space<vmem_shared>> -> memref<10240x128xf32, #tpu.memory_space<vmem_shared>>
      tpu.enqueue_indirect_dma source(%arg12 : memref<128x128xf32, #tpu.memory_space<vmem>>) target(%dma_start3A_552 : memref<10240x128xf32, #tpu.memory_space<vmem_shared>>) offsets(%dma_start3A_549 : memref<128xi32, #tpu.memory_space<vmem>>) semaphore(%arg19 : memref<!tpu.dma_semaphore, #tpu.memory_space<semaphore_mem>>) {add = true}
    }
    %scan3A_47 = arith.constant 10 : i32
    %dma_wait3A_48 = arith.constant 7 : i32
    %dma_wait3A_49 = arith.constant 0 : i32
    %dma_wait3A_50 = tpu.memref_slice %arg10[%dma_wait3A_48, %dma_wait3A_49] : memref<8x128xi32, #tpu.memory_space<vmem>> -> memref<1x128xi32, #tpu.memory_space<vmem>>
    %dma_wait3A_51 = tpu.memref_squeeze %dma_wait3A_50 : memref<1x128xi32, #tpu.memory_space<vmem>> -> memref<128xi32, #tpu.memory_space<vmem>>
    %dma_wait3A_52 = arith.constant 0 : i32
    %dma_wait3A_53 = arith.constant 0 : i32
    %dma_wait3A_54 = tpu.memref_slice %arg13[%dma_wait3A_52, %dma_wait3A_53] : memref<10240x128xf32, #tpu.memory_space<vmem_shared>> -> memref<10240x128xf32, #tpu.memory_space<vmem_shared>>
    tpu.wait_indirect_dma semaphore(%arg19 : memref<!tpu.dma_semaphore, #tpu.memory_space<semaphore_mem>>) src(%arg12 : memref<128x128xf32, #tpu.memory_space<vmem>>) dst(%dma_wait3A_54 : memref<10240x128xf32, #tpu.memory_space<vmem_shared>>)
    %barrier3A_55 = arith.constant 0 : index
    tpu.barrier barrier_id(%barrier3A_55)
    %mul3A_56 = arith.constant 640 : i32
    %mul3A_57 = arith.muli %arg1, %mul3A_56 : i32
    %mul3A_58 = arith.constant 10240 : i32
    %mul3A_59 = arith.muli %arg0, %mul3A_58 : i32
    %mul3A_60 = arith.constant 640 : i32
    %mul3A_61 = arith.muli %arg1, %mul3A_60 : i32
    %add3A_62 = arith.addi %mul3A_59, %mul3A_61 : i32
    "tpu.region"() ({
      %run_scoped3A = tpu.sem_alloc : memref<!tpu.dma_semaphore, #tpu.memory_space<semaphore_mem>>
      %dma_start3A_63 = arith.constant 0 : i32
      %dma_start3A_64 = tpu.memref_slice %arg6[%add3A_62, %dma_start3A_63] : memref<20480x128xf32, #tpu.memory_space<hbm>> -> memref<640x128xf32, #tpu.memory_space<hbm>>
      %dma_start3A_65 = arith.constant 0 : i32
      %dma_start3A_66 = tpu.memref_slice %arg13[%mul3A_57, %dma_start3A_65] : memref<10240x128xf32, #tpu.memory_space<vmem_shared>> -> memref<640x128xf32, #tpu.memory_space<vmem_shared>>
      tpu.enqueue_dma source(%dma_start3A_66 : memref<640x128xf32, #tpu.memory_space<vmem_shared>>) target(%dma_start3A_64 : memref<640x128xf32, #tpu.memory_space<hbm>>) target_semaphore(%run_scoped3A : memref<!tpu.dma_semaphore, #tpu.memory_space<semaphore_mem>>)
      %dma_wait3A_67 = arith.constant 0 : i32
      %dma_wait3A_68 = tpu.memref_slice %arg6[%add3A_62, %dma_wait3A_67] : memref<20480x128xf32, #tpu.memory_space<hbm>> -> memref<640x128xf32, #tpu.memory_space<hbm>>
      %dma_wait3A_69 = arith.constant 0 : i32
      %dma_wait3A_70 = tpu.memref_slice %arg13[%mul3A_57, %dma_wait3A_69] : memref<10240x128xf32, #tpu.memory_space<vmem_shared>> -> memref<640x128xf32, #tpu.memory_space<vmem_shared>>
      tpu.wait_dma2 semaphore(%run_scoped3A : memref<!tpu.dma_semaphore, #tpu.memory_space<semaphore_mem>>) src(%dma_wait3A_70 : memref<640x128xf32, #tpu.memory_space<vmem_shared>>) dst(%dma_wait3A_68 : memref<640x128xf32, #tpu.memory_space<hbm>>)
      tpu.yield
    }) : () -> ()
    return
  }
}

module attributes {stable_mosaic.version = 14 : i64} {
  func.func @_tc1_body(%arg0: i32, %arg1: memref<2x1024x128xf32, #tpu.memory_space<vmem>>, %arg2: memref<1024x128xf32, #tpu.memory_space<vmem>>, %arg3: memref<128x256xf32, #tpu.memory_space<vmem>>, %arg4: memref<2x1024x128xf32, #tpu.memory_space<vmem>>, %arg5: memref<1024x1xf32, #tpu.memory_space<vmem>>) attributes {dimension_semantics = [#tpu.dimension_semantics<arbitrary>], iteration_bounds = array<i64: 10>, scalar_prefetch = 0 : i64, scratch_operands = 0 : i64, tpu.core_type = #tpu.core_type<tc>, window_params = [{transform_indices = @transform_0, window_bounds = array<i64: 2, 1024, 128>}, {transform_indices = @transform_1, window_bounds = array<i64: 1024, 128>}, {pipeline_mode = #tpu.pipeline_mode<synchronous>, transform_indices = @transform_2, window_bounds = array<i64: 128, 256>}, {transform_indices = @transform_3, window_bounds = array<i64: 2, 1024, 128>}, {transform_indices = @transform_4, window_bounds = array<i64: 1024, 1>}]} {
    %get3A = arith.constant 0 : index
    %get3A_0 = arith.constant 0 : index
    %get3A_1 = arith.constant 0 : index
    %get3A_2 = vector.load %arg1[%get3A, %get3A_0, %get3A_1] : memref<2x1024x128xf32, #tpu.memory_space<vmem>>, vector<1x1024x1xf32>
    %get3A_3 = vector.shape_cast %get3A_2 : vector<1x1024x1xf32> to vector<1024x1xf32>
    %get3A_4 = arith.constant 1 : index
    %get3A_5 = arith.constant 0 : index
    %get3A_6 = arith.constant 0 : index
    %get3A_7 = vector.load %arg1[%get3A_4, %get3A_5, %get3A_6] : memref<2x1024x128xf32, #tpu.memory_space<vmem>>, vector<1x1024x1xf32>
    %get3A_8 = vector.shape_cast %get3A_7 : vector<1x1024x1xf32> to vector<1024x1xf32>
    %add3A = arith.addf %get3A_3, %get3A_8 : vector<1024x1xf32>
    %add3A_9 = arith.constant 1.000000e+00 : f32
    %add3A_10 = vector.broadcast %add3A_9 : f32 to vector<1024x1xf32>
    %add3A_11 = arith.addf %add3A, %add3A_10 : vector<1024x1xf32>
    %rsqrt3A = math.rsqrt %add3A_11 : vector<1024x1xf32>
    %get3A_12 = arith.constant 0 : index
    %get3A_13 = arith.constant 0 : index
    %get3A_14 = vector.load %arg2[%get3A_12, %get3A_13] : memref<1024x128xf32, #tpu.memory_space<vmem>>, vector<1024x128xf32>
    %get3A_15 = arith.constant 0 : index
    %get3A_16 = arith.constant 0 : index
    %get3A_17 = vector.load %arg3[%get3A_15, %get3A_16] : memref<128x256xf32, #tpu.memory_space<vmem>>, vector<128x256xf32>
    %dot_general3A = arith.constant dense<0.000000e+00> : vector<1024x256xf32>
    %dot_general3A_18 = tpu.matmul %get3A_14, %get3A_17, %dot_general3A {dimension_numbers = #tpu.dot_dimension_numbers<[1], [0], [0], [1], [0, 0, 1, 1], [], []>, transpose_lhs_hint = false} : vector<1024x128xf32>, vector<128x256xf32>, vector<1024x256xf32> -> vector<1024x256xf32>
    %mul3A = vector.broadcast %rsqrt3A : vector<1024x1xf32> to vector<1024x256xf32>
    %mul3A_19 = arith.mulf %dot_general3A_18, %mul3A : vector<1024x256xf32>
    %slice3A = vector.extract_strided_slice %mul3A_19 {offsets = [0, 0], sizes = [1024, 128], strides = [1, 1]} : vector<1024x256xf32> to vector<1024x128xf32>
    %swap3A = arith.constant 0 : index
    %swap3A_20 = arith.constant 0 : index
    %swap3A_21 = arith.constant 0 : index
    %swap3A_22 = vector.load %arg4[%swap3A, %swap3A_20, %swap3A_21] : memref<2x1024x128xf32, #tpu.memory_space<vmem>>, vector<1x1024x128xf32>
    %swap3A_23 = vector.shape_cast %swap3A_22 : vector<1x1024x128xf32> to vector<1024x128xf32>
    %swap3A_24 = vector.shape_cast %slice3A : vector<1024x128xf32> to vector<1x1024x128xf32>
    tpu.vector_store %arg4[%swap3A, %swap3A_20, %swap3A_21], %swap3A_24 {strides = array<i32>} : memref<2x1024x128xf32, #tpu.memory_space<vmem>>, vector<1x1024x128xf32>,
    %slice3A_25 = vector.extract_strided_slice %mul3A_19 {offsets = [0, 128], sizes = [1024, 128], strides = [1, 1]} : vector<1024x256xf32> to vector<1024x128xf32>
    %swap3A_26 = arith.constant 1 : index
    %swap3A_27 = arith.constant 0 : index
    %swap3A_28 = arith.constant 0 : index
    %swap3A_29 = vector.load %arg4[%swap3A_26, %swap3A_27, %swap3A_28] : memref<2x1024x128xf32, #tpu.memory_space<vmem>>, vector<1x1024x128xf32>
    %swap3A_30 = vector.shape_cast %swap3A_29 : vector<1x1024x128xf32> to vector<1024x128xf32>
    %swap3A_31 = vector.shape_cast %slice3A_25 : vector<1024x128xf32> to vector<1x1024x128xf32>
    tpu.vector_store %arg4[%swap3A_26, %swap3A_27, %swap3A_28], %swap3A_31 {strides = array<i32>} : memref<2x1024x128xf32, #tpu.memory_space<vmem>>, vector<1x1024x128xf32>,
    %swap3A_32 = arith.constant 0 : index
    %swap3A_33 = arith.constant 0 : index
    %swap3A_34 = vector.load %arg5[%swap3A_32, %swap3A_33] : memref<1024x1xf32, #tpu.memory_space<vmem>>, vector<1024x1xf32>
    tpu.vector_store %arg5[%swap3A_32, %swap3A_33], %rsqrt3A {strides = array<i32>} : memref<1024x1xf32, #tpu.memory_space<vmem>>, vector<1024x1xf32>,
    return
  }
  func.func @transform_0(%arg0: i32) -> (i32, i32, i32) {
    %c0_i32 = arith.constant 0 : i32
    %c0_i32_0 = arith.constant 0 : i32
    %c0_i32_1 = arith.constant 0 : i32
    return %c0_i32, %arg0, %c0_i32_0 : i32, i32, i32
  }
  func.func @transform_1(%arg0: i32) -> (i32, i32) {
    %c0_i32 = arith.constant 0 : i32
    %c0_i32_0 = arith.constant 0 : i32
    return %arg0, %c0_i32 : i32, i32
  }
  func.func @transform_2(%arg0: i32) -> (i32, i32) {
    %c0_i32 = arith.constant 0 : i32
    %c0_i32_0 = arith.constant 0 : i32
    %c0_i32_1 = arith.constant 0 : i32
    return %c0_i32, %c0_i32_0 : i32, i32
  }
  func.func @transform_3(%arg0: i32) -> (i32, i32, i32) {
    %c0_i32 = arith.constant 0 : i32
    %c0_i32_0 = arith.constant 0 : i32
    %c0_i32_1 = arith.constant 0 : i32
    return %c0_i32, %arg0, %c0_i32_0 : i32, i32, i32
  }
  func.func @transform_4(%arg0: i32) -> (i32, i32) {
    %c0_i32 = arith.constant 0 : i32
    %c0_i32_0 = arith.constant 0 : i32
    return %arg0, %c0_i32 : i32, i32
  }
}

module attributes {stable_mosaic.version = 14 : i64} {
  func.func @_tc2_body(%arg0: i32, %arg1: memref<1x1xf32, #tpu.memory_space<smem>>, %arg2: memref<2x1024x128xf32, #tpu.memory_space<vmem>>, %arg3: memref<2x1024x128xf32, #tpu.memory_space<vmem>>, %arg4: memref<1024x1xf32, #tpu.memory_space<vmem>>, %arg5: memref<1x256xf32, #tpu.memory_space<vmem>>, %arg6: memref<256x128xf32, #tpu.memory_space<vmem>>, %arg7: memref<1024x128xf32, #tpu.memory_space<vmem>>) attributes {dimension_semantics = [#tpu.dimension_semantics<arbitrary>], iteration_bounds = array<i64: 10>, scalar_prefetch = 0 : i64, scratch_operands = 0 : i64, tpu.core_type = #tpu.core_type<tc>, window_params = [{transform_indices = @transform_0, window_bounds = array<i64: 1, 1>}, {transform_indices = @transform_1, window_bounds = array<i64: 2, 1024, 128>}, {transform_indices = @transform_2, window_bounds = array<i64: 2, 1024, 128>}, {transform_indices = @transform_3, window_bounds = array<i64: 1024, 1>}, {pipeline_mode = #tpu.pipeline_mode<synchronous>, transform_indices = @transform_4, window_bounds = array<i64: 1, 256>}, {pipeline_mode = #tpu.pipeline_mode<synchronous>, transform_indices = @transform_5, window_bounds = array<i64: 256, 128>}, {transform_indices = @transform_6, window_bounds = array<i64: 1024, 128>}]} {
    %get3A = arith.constant 0 : index
    %get3A_0 = arith.constant 0 : index
    %get3A_1 = memref.load %arg1[%get3A, %get3A_0] : memref<1x1xf32, #tpu.memory_space<smem>>
    %get3A_2 = arith.constant 0 : index
    %get3A_3 = arith.constant 0 : index
    %get3A_4 = vector.load %arg4[%get3A_2, %get3A_3] : memref<1024x1xf32, #tpu.memory_space<vmem>>, vector<1024x1xf32>
    %get3A_5 = arith.constant 0 : index
    %get3A_6 = arith.constant 0 : index
    %get3A_7 = arith.constant 0 : index
    %get3A_8 = vector.load %arg2[%get3A_5, %get3A_6, %get3A_7] : memref<2x1024x128xf32, #tpu.memory_space<vmem>>, vector<1x1024x128xf32>
    %get3A_9 = vector.shape_cast %get3A_8 : vector<1x1024x128xf32> to vector<1024x128xf32>
    %get3A_10 = arith.constant 0 : index
    %get3A_11 = arith.constant 0 : index
    %get3A_12 = arith.constant 0 : index
    %get3A_13 = vector.load %arg3[%get3A_10, %get3A_11, %get3A_12] : memref<2x1024x128xf32, #tpu.memory_space<vmem>>, vector<1x1024x128xf32>
    %get3A_14 = vector.shape_cast %get3A_13 : vector<1x1024x128xf32> to vector<1024x128xf32>
    %add3A = arith.addf %get3A_9, %get3A_14 : vector<1024x128xf32>
    %mul3A = vector.broadcast %get3A_4 : vector<1024x1xf32> to vector<1024x128xf32>
    %mul3A_15 = arith.mulf %mul3A, %add3A : vector<1024x128xf32>
    %get3A_16 = arith.constant 0 : index
    %get3A_17 = arith.constant 0 : index
    %get3A_18 = vector.load %arg5[%get3A_16, %get3A_17] : memref<1x256xf32, #tpu.memory_space<vmem>>, vector<1x128xf32>
    %add3A_19 = vector.broadcast %get3A_18 : vector<1x128xf32> to vector<1024x128xf32>
    %add3A_20 = arith.addf %mul3A_15, %add3A_19 : vector<1024x128xf32>
    %get3A_21 = arith.constant 1 : index
    %get3A_22 = arith.constant 0 : index
    %get3A_23 = arith.constant 0 : index
    %get3A_24 = vector.load %arg2[%get3A_21, %get3A_22, %get3A_23] : memref<2x1024x128xf32, #tpu.memory_space<vmem>>, vector<1x1024x128xf32>
    %get3A_25 = vector.shape_cast %get3A_24 : vector<1x1024x128xf32> to vector<1024x128xf32>
    %get3A_26 = arith.constant 1 : index
    %get3A_27 = arith.constant 0 : index
    %get3A_28 = arith.constant 0 : index
    %get3A_29 = vector.load %arg3[%get3A_26, %get3A_27, %get3A_28] : memref<2x1024x128xf32, #tpu.memory_space<vmem>>, vector<1x1024x128xf32>
    %get3A_30 = vector.shape_cast %get3A_29 : vector<1x1024x128xf32> to vector<1024x128xf32>
    %add3A_31 = arith.addf %get3A_25, %get3A_30 : vector<1024x128xf32>
    %mul3A_32 = vector.broadcast %get3A_4 : vector<1024x1xf32> to vector<1024x128xf32>
    %mul3A_33 = arith.mulf %mul3A_32, %add3A_31 : vector<1024x128xf32>
    %get3A_34 = arith.constant 0 : index
    %get3A_35 = arith.constant 128 : index
    %get3A_36 = vector.load %arg5[%get3A_34, %get3A_35] : memref<1x256xf32, #tpu.memory_space<vmem>>, vector<1x128xf32>
    %add3A_37 = vector.broadcast %get3A_36 : vector<1x128xf32> to vector<1024x128xf32>
    %add3A_38 = arith.addf %mul3A_33, %add3A_37 : vector<1024x128xf32>
    %ge3A = arith.constant 0.000000e+00 : f32
    %ge3A_39 = vector.broadcast %ge3A : f32 to vector<1024x128xf32>
    %ge3A_40 = arith.cmpf oge, %add3A_20, %ge3A_39 : vector<1024x128xf32>
    %mul3A_41 = vector.broadcast %get3A_1 : f32 to vector<1024x128xf32>
    %mul3A_42 = arith.mulf %mul3A_41, %add3A_20 : vector<1024x128xf32>
    %select_n3A = arith.select %ge3A_40, %add3A_20, %mul3A_42 : vector<1024x128xi1>, vector<1024x128xf32>
    %ge3A_43 = arith.constant 0.000000e+00 : f32
    %ge3A_44 = vector.broadcast %ge3A_43 : f32 to vector<1024x128xf32>
    %ge3A_45 = arith.cmpf oge, %add3A_38, %ge3A_44 : vector<1024x128xf32>
    %mul3A_46 = vector.broadcast %get3A_1 : f32 to vector<1024x128xf32>
    %mul3A_47 = arith.mulf %mul3A_46, %add3A_38 : vector<1024x128xf32>
    %select_n3A_48 = arith.select %ge3A_45, %add3A_38, %mul3A_47 : vector<1024x128xi1>, vector<1024x128xf32>
    %get3A_49 = arith.constant 0 : index
    %get3A_50 = arith.constant 0 : index
    %get3A_51 = vector.load %arg6[%get3A_49, %get3A_50] : memref<256x128xf32, #tpu.memory_space<vmem>>, vector<128x128xf32>
    %dot_general3A = arith.constant dense<0.000000e+00> : vector<1024x128xf32>
    %dot_general3A_52 = tpu.matmul %select_n3A, %get3A_51, %dot_general3A {dimension_numbers = #tpu.dot_dimension_numbers<[1], [0], [0], [1], [0, 0, 1, 1], [], []>, transpose_lhs_hint = false} : vector<1024x128xf32>, vector<128x128xf32>, vector<1024x128xf32> -> vector<1024x128xf32>
    %get3A_53 = arith.constant 128 : index
    %get3A_54 = arith.constant 0 : index
    %get3A_55 = vector.load %arg6[%get3A_53, %get3A_54] : memref<256x128xf32, #tpu.memory_space<vmem>>, vector<128x128xf32>
    %dot_general3A_56 = arith.constant dense<0.000000e+00> : vector<1024x128xf32>
    %dot_general3A_57 = tpu.matmul %select_n3A_48, %get3A_55, %dot_general3A_56 {dimension_numbers = #tpu.dot_dimension_numbers<[1], [0], [0], [1], [0, 0, 1, 1], [], []>, transpose_lhs_hint = false} : vector<1024x128xf32>, vector<128x128xf32>, vector<1024x128xf32> -> vector<1024x128xf32>
    %add3A_58 = arith.addf %dot_general3A_52, %dot_general3A_57 : vector<1024x128xf32>
    %mul3A_59 = vector.broadcast %get3A_4 : vector<1024x1xf32> to vector<1024x128xf32>
    %mul3A_60 = arith.mulf %add3A_58, %mul3A_59 : vector<1024x128xf32>
    %swap3A = arith.constant 0 : index
    %swap3A_61 = arith.constant 0 : index
    %swap3A_62 = vector.load %arg7[%swap3A, %swap3A_61] : memref<1024x128xf32, #tpu.memory_space<vmem>>, vector<1024x128xf32>
    tpu.vector_store %arg7[%swap3A, %swap3A_61], %mul3A_60 {strides = array<i32>} : memref<1024x128xf32, #tpu.memory_space<vmem>>, vector<1024x128xf32>,
    return
  }
  func.func @transform_0(%arg0: i32) -> (i32, i32) {
    %c0_i32 = arith.constant 0 : i32
    %c0_i32_0 = arith.constant 0 : i32
    %c0_i32_1 = arith.constant 0 : i32
    return %c0_i32, %c0_i32_0 : i32, i32
  }
  func.func @transform_1(%arg0: i32) -> (i32, i32, i32) {
    %c0_i32 = arith.constant 0 : i32
    %c0_i32_0 = arith.constant 0 : i32
    %c0_i32_1 = arith.constant 0 : i32
    return %c0_i32, %arg0, %c0_i32_0 : i32, i32, i32
  }
  func.func @transform_2(%arg0: i32) -> (i32, i32, i32) {
    %c0_i32 = arith.constant 0 : i32
    %c0_i32_0 = arith.constant 0 : i32
    %c0_i32_1 = arith.constant 0 : i32
    return %c0_i32, %arg0, %c0_i32_0 : i32, i32, i32
  }
  func.func @transform_3(%arg0: i32) -> (i32, i32) {
    %c0_i32 = arith.constant 0 : i32
    %c0_i32_0 = arith.constant 0 : i32
    return %arg0, %c0_i32 : i32, i32
  }
  func.func @transform_4(%arg0: i32) -> (i32, i32) {
    %c0_i32 = arith.constant 0 : i32
    %c0_i32_0 = arith.constant 0 : i32
    %c0_i32_1 = arith.constant 0 : i32
    return %c0_i32, %c0_i32_0 : i32, i32
  }
  func.func @transform_5(%arg0: i32) -> (i32, i32) {
    %c0_i32 = arith.constant 0 : i32
    %c0_i32_0 = arith.constant 0 : i32
    %c0_i32_1 = arith.constant 0 : i32
    return %c0_i32, %c0_i32_0 : i32, i32
  }
  func.func @transform_6(%arg0: i32) -> (i32, i32) {
    %c0_i32 = arith.constant 0 : i32
    %c0_i32_0 = arith.constant 0 : i32
    return %arg0, %c0_i32 : i32, i32
  }
}

module attributes {stable_mosaic.version = 14 : i64} {
  func.func @_tc3_body(%arg0: i32, %arg1: memref<1x1xf32, #tpu.memory_space<smem>>, %arg2: memref<2x1024x128xf32, #tpu.memory_space<vmem>>, %arg3: memref<1024x128xf32, #tpu.memory_space<vmem>>, %arg4: memref<1024x1xf32, #tpu.memory_space<vmem>>, %arg5: memref<1x128xf32, #tpu.memory_space<vmem>>, %arg6: memref<128x128xf32, #tpu.memory_space<vmem>>, %arg7: memref<1x128xf32, #tpu.memory_space<vmem>>, %arg8: memref<128x128xf32, #tpu.memory_space<vmem>>, %arg9: memref<1x128xf32, #tpu.memory_space<vmem>>, %arg10: memref<1024x128xf32, #tpu.memory_space<vmem>>, %arg11: memref<1024x128xf32, #tpu.memory_space<vmem>>) attributes {dimension_semantics = [#tpu.dimension_semantics<arbitrary>], iteration_bounds = array<i64: 10>, scalar_prefetch = 0 : i64, scratch_operands = 0 : i64, tpu.core_type = #tpu.core_type<tc>, window_params = [{transform_indices = @transform_0, window_bounds = array<i64: 1, 1>}, {transform_indices = @transform_1, window_bounds = array<i64: 2, 1024, 128>}, {transform_indices = @transform_2, window_bounds = array<i64: 1024, 128>}, {transform_indices = @transform_3, window_bounds = array<i64: 1024, 1>}, {pipeline_mode = #tpu.pipeline_mode<synchronous>, transform_indices = @transform_4, window_bounds = array<i64: 1, 128>}, {pipeline_mode = #tpu.pipeline_mode<synchronous>, transform_indices = @transform_5, window_bounds = array<i64: 128, 128>}, {pipeline_mode = #tpu.pipeline_mode<synchronous>, transform_indices = @transform_6, window_bounds = array<i64: 1, 128>}, {pipeline_mode = #tpu.pipeline_mode<synchronous>, transform_indices = @transform_7, window_bounds = array<i64: 128, 128>}, {pipeline_mode = #tpu.pipeline_mode<synchronous>, transform_indices = @transform_8, window_bounds = array<i64: 1, 128>}, {transform_indices = @transform_9, window_bounds = array<i64: 1024, 128>}, {transform_indices = @transform_10, window_bounds = array<i64: 1024, 128>}]} {
    %get3A = arith.constant 0 : index
    %get3A_0 = arith.constant 0 : index
    %get3A_1 = memref.load %arg1[%get3A, %get3A_0] : memref<1x1xf32, #tpu.memory_space<smem>>
    %get3A_2 = arith.constant 0 : index
    %get3A_3 = arith.constant 0 : index
    %get3A_4 = vector.load %arg4[%get3A_2, %get3A_3] : memref<1024x1xf32, #tpu.memory_space<vmem>>, vector<1024x1xf32>
    %get3A_5 = arith.constant 0 : index
    %get3A_6 = arith.constant 0 : index
    %get3A_7 = arith.constant 0 : index
    %get3A_8 = vector.load %arg2[%get3A_5, %get3A_6, %get3A_7] : memref<2x1024x128xf32, #tpu.memory_space<vmem>>, vector<1x1024x128xf32>
    %get3A_9 = vector.shape_cast %get3A_8 : vector<1x1024x128xf32> to vector<1024x128xf32>
    %get3A_10 = arith.constant 1 : index
    %get3A_11 = arith.constant 0 : index
    %get3A_12 = arith.constant 0 : index
    %get3A_13 = vector.load %arg2[%get3A_10, %get3A_11, %get3A_12] : memref<2x1024x128xf32, #tpu.memory_space<vmem>>, vector<1x1024x128xf32>
    %get3A_14 = vector.shape_cast %get3A_13 : vector<1x1024x128xf32> to vector<1024x128xf32>
    %add3A = arith.addf %get3A_9, %get3A_14 : vector<1024x128xf32>
    %get3A_15 = arith.constant 0 : index
    %get3A_16 = arith.constant 0 : index
    %get3A_17 = vector.load %arg3[%get3A_15, %get3A_16] : memref<1024x128xf32, #tpu.memory_space<vmem>>, vector<1024x128xf32>
    %add3A_18 = arith.addf %add3A, %get3A_17 : vector<1024x128xf32>
    %mul3A = vector.broadcast %get3A_4 : vector<1024x1xf32> to vector<1024x128xf32>
    %mul3A_19 = arith.mulf %mul3A, %add3A_18 : vector<1024x128xf32>
    %get3A_20 = arith.constant 0 : index
    %get3A_21 = arith.constant 0 : index
    %get3A_22 = vector.load %arg5[%get3A_20, %get3A_21] : memref<1x128xf32, #tpu.memory_space<vmem>>, vector<1x128xf32>
    %add3A_23 = vector.broadcast %get3A_22 : vector<1x128xf32> to vector<1024x128xf32>
    %add3A_24 = arith.addf %mul3A_19, %add3A_23 : vector<1024x128xf32>
    %ge3A = arith.constant 0.000000e+00 : f32
    %ge3A_25 = vector.broadcast %ge3A : f32 to vector<1024x128xf32>
    %ge3A_26 = arith.cmpf oge, %add3A_24, %ge3A_25 : vector<1024x128xf32>
    %mul3A_27 = vector.broadcast %get3A_1 : f32 to vector<1024x128xf32>
    %mul3A_28 = arith.mulf %mul3A_27, %add3A_24 : vector<1024x128xf32>
    %select_n3A = arith.select %ge3A_26, %add3A_24, %mul3A_28 : vector<1024x128xi1>, vector<1024x128xf32>
    %swap3A = arith.constant 0 : index
    %swap3A_29 = arith.constant 0 : index
    %swap3A_30 = vector.load %arg10[%swap3A, %swap3A_29] : memref<1024x128xf32, #tpu.memory_space<vmem>>, vector<1024x128xf32>
    tpu.vector_store %arg10[%swap3A, %swap3A_29], %select_n3A {strides = array<i32>} : memref<1024x128xf32, #tpu.memory_space<vmem>>, vector<1024x128xf32>,
    %get3A_31 = arith.constant 0 : index
    %get3A_32 = arith.constant 0 : index
    %get3A_33 = vector.load %arg6[%get3A_31, %get3A_32] : memref<128x128xf32, #tpu.memory_space<vmem>>, vector<128x128xf32>
    %dot_general3A = arith.constant dense<0.000000e+00> : vector<1024x128xf32>
    %dot_general3A_34 = tpu.matmul %select_n3A, %get3A_33, %dot_general3A {dimension_numbers = #tpu.dot_dimension_numbers<[1], [0], [0], [1], [0, 0, 1, 1], [], []>, transpose_lhs_hint = false} : vector<1024x128xf32>, vector<128x128xf32>, vector<1024x128xf32> -> vector<1024x128xf32>
    %get3A_35 = arith.constant 0 : index
    %get3A_36 = arith.constant 0 : index
    %get3A_37 = vector.load %arg7[%get3A_35, %get3A_36] : memref<1x128xf32, #tpu.memory_space<vmem>>, vector<1x128xf32>
    %add3A_38 = vector.broadcast %get3A_37 : vector<1x128xf32> to vector<1024x128xf32>
    %add3A_39 = arith.addf %dot_general3A_34, %add3A_38 : vector<1024x128xf32>
    %max3A = arith.constant 0.000000e+00 : f32
    %max3A_40 = vector.broadcast %max3A : f32 to vector<1024x128xf32>
    %max3A_41 = arith.maximumf %add3A_39, %max3A_40 : vector<1024x128xf32>
    %get3A_42 = arith.constant 0 : index
    %get3A_43 = arith.constant 0 : index
    %get3A_44 = vector.load %arg8[%get3A_42, %get3A_43] : memref<128x128xf32, #tpu.memory_space<vmem>>, vector<128x128xf32>
    %dot_general3A_45 = arith.constant dense<0.000000e+00> : vector<1024x128xf32>
    %dot_general3A_46 = tpu.matmul %max3A_41, %get3A_44, %dot_general3A_45 {dimension_numbers = #tpu.dot_dimension_numbers<[1], [0], [0], [1], [0, 0, 1, 1], [], []>, transpose_lhs_hint = false} : vector<1024x128xf32>, vector<128x128xf32>, vector<1024x128xf32> -> vector<1024x128xf32>
    %get3A_47 = arith.constant 0 : index
    %get3A_48 = arith.constant 0 : index
    %get3A_49 = vector.load %arg9[%get3A_47, %get3A_48] : memref<1x128xf32, #tpu.memory_space<vmem>>, vector<1x128xf32>
    %add3A_50 = vector.broadcast %get3A_49 : vector<1x128xf32> to vector<1024x128xf32>
    %add3A_51 = arith.addf %dot_general3A_46, %add3A_50 : vector<1024x128xf32>
    %swap3A_52 = arith.constant 0 : index
    %swap3A_53 = arith.constant 0 : index
    %swap3A_54 = vector.load %arg11[%swap3A_52, %swap3A_53] : memref<1024x128xf32, #tpu.memory_space<vmem>>, vector<1024x128xf32>
    tpu.vector_store %arg11[%swap3A_52, %swap3A_53], %add3A_51 {strides = array<i32>} : memref<1024x128xf32, #tpu.memory_space<vmem>>, vector<1024x128xf32>,
    return
  }
  func.func @transform_0(%arg0: i32) -> (i32, i32) {
    %c0_i32 = arith.constant 0 : i32
    %c0_i32_0 = arith.constant 0 : i32
    %c0_i32_1 = arith.constant 0 : i32
    return %c0_i32, %c0_i32_0 : i32, i32
  }
  func.func @transform_1(%arg0: i32) -> (i32, i32, i32) {
    %c0_i32 = arith.constant 0 : i32
    %c0_i32_0 = arith.constant 0 : i32
    %c0_i32_1 = arith.constant 0 : i32
    return %c0_i32, %arg0, %c0_i32_0 : i32, i32, i32
  }
  func.func @transform_2(%arg0: i32) -> (i32, i32) {
    %c0_i32 = arith.constant 0 : i32
    %c0_i32_0 = arith.constant 0 : i32
    return %arg0, %c0_i32 : i32, i32
  }
  func.func @transform_3(%arg0: i32) -> (i32, i32) {
    %c0_i32 = arith.constant 0 : i32
    %c0_i32_0 = arith.constant 0 : i32
    return %arg0, %c0_i32 : i32, i32
  }
  func.func @transform_4(%arg0: i32) -> (i32, i32) {
    %c0_i32 = arith.constant 0 : i32
    %c0_i32_0 = arith.constant 0 : i32
    %c0_i32_1 = arith.constant 0 : i32
    return %c0_i32, %c0_i32_0 : i32, i32
  }
  func.func @transform_5(%arg0: i32) -> (i32, i32) {
    %c0_i32 = arith.constant 0 : i32
    %c0_i32_0 = arith.constant 0 : i32
    %c0_i32_1 = arith.constant 0 : i32
    return %c0_i32, %c0_i32_0 : i32, i32
  }
  func.func @transform_6(%arg0: i32) -> (i32, i32) {
    %c0_i32 = arith.constant 0 : i32
    %c0_i32_0 = arith.constant 0 : i32
    %c0_i32_1 = arith.constant 0 : i32
    return %c0_i32, %c0_i32_0 : i32, i32
  }
  func.func @transform_7(%arg0: i32) -> (i32, i32) {
    %c0_i32 = arith.constant 0 : i32
    %c0_i32_0 = arith.constant 0 : i32
    %c0_i32_1 = arith.constant 0 : i32
    return %c0_i32, %c0_i32_0 : i32, i32
  }
  func.func @transform_8(%arg0: i32) -> (i32, i32) {
    %c0_i32 = arith.constant 0 : i32
    %c0_i32_0 = arith.constant 0 : i32
    %c0_i32_1 = arith.constant 0 : i32
    return %c0_i32, %c0_i32_0 : i32, i32
  }
  func.func @transform_9(%arg0: i32) -> (i32, i32) {
    %c0_i32 = arith.constant 0 : i32
    %c0_i32_0 = arith.constant 0 : i32
    return %arg0, %c0_i32 : i32, i32
  }
  func.func @transform_10(%arg0: i32) -> (i32, i32) {
    %c0_i32 = arith.constant 0 : i32
    %c0_i32_0 = arith.constant 0 : i32
    return %arg0, %c0_i32 : i32, i32
  }
}

</mosaic_0001>

<sc_bundles>
// kernel: kernel.11.cloned.1.call-start
scs
__scs_entry_jumppad:
0x0: {  	(pc) =	sbr.rel $0x88, $3  }
0x1: {  	(tag) =	ssettag $0x0;
	lr =	simm.s32 $0x1  }
0x2: {  	[smem:$0x3F96] =	sst lr;
	_ =	strace $0xD0000000  }
0x3: {  	_ = 	snop  }
0x4: {  	_ = 	snop  }
0x5: {  	_ = 	snop  }
0x6: {  	_ = 	snop  }
0x7: {  	_ = 	snop  }
__scs_overlays_trampoline_lowered:
0x8: {  	[smem:$0x3FA5] =	sst s0  }
0x9: {  	[smem:$0x3FA6] =	sst s1  }
0xa: {  	[smem:$0x3FA7] =	sst s2  }
0xb: {  	[smem:$0x3FA8] =	sst s3  }
0xc: {  	[smem:$0x3FA9] =	sst s4  }
0xd: {  	[smem:$0x3FAA] =	sst s5  }
0xe: {  	[smem:$0x3FAB] =	sst s6  }
0xf: {  	[smem:$0x3FAC] =	sst s7  }
0x10: {  	[smem:$0x3FAD] =	sst s8  }
0x11: {  	[smem:$0x3FAE] =	sst s9;
	s0 =	simm.s32 @!p0 $0x0  }
0x12: {  	s1 =	sld [smem:$0x3F94];
	s0 =	simm.s32 @p0 $0x1  }
0x13: {  	[smem:$0x3FAF] =	sst s0;
	s0 =	simm.s32 @!p1 $0x0  }
0x14: {  	s2 =	sld [smem:$0x3F93];
	s0 =	simm.s32 @p1 $0x1  }
0x15: {  	[smem:$0x3FB0] =	sst s0;
	s0 =	simm.s32 @!p2 $0x0  }
0x16: {  	s3 =	sld [smem:$0x3FDB];
	s0 =	simm.s32 @p2 $0x1  }
0x17: {  	s4 =	simm.s32 $0x1BF5;
	[smem:$0x3FB2] =	sst s0  }
0x18: {  	s0 =	sld [smem:$0x3F95];
	_ =	swait.ge [sflag:s4], $0x0  }
0x19: {  	s7 =	sld [smem:$0x3F96]  }
0x1a: {  	s8 =	sadd.s32 $0xFFFFE003, lr  }
0x1b: {  	s9 =	sadd.s32 $0xFFFFFEF7, lr;
	s5 =	simm.s32 $0xFFFFFFFF;
	p2 =	slt.u32 s8, $0xFFFFF086  }
0x1c: {  	p1 =	slt.u32 s9, $0xF7A;
	s5 =	simm.s32 @!p2 $0x0  }
0x1d: {  	s5 =	simm.s32 @p1 $0x1;
	p0 =	seq.s32 s7, s2  }
0x1e: {  	s7 =	smul.u32 @!p0 $0xF7A, s2;
	p2 =	seq.s32 @!p0 s5, $0x0  }
0x1f: {  	s9 =	smul.u32 $0xF7A, s1;
	s8 =	simm.s32 @!p0 $0x1BF5;
	p2 =	por !p2, p0  }
0x20: {  	[sflag:s8] =	ssyncset.s32 @!p0 $0xFFFFF086;
	s6 =	sadd.s32 @!p0 s3, s7;
	s7 =	simm.s32 @!p0 $0x108  }
0x21: {  	s3 =	sadd.s32 s3, s9;
	s6 =	sadd.s32 @!p0 $0x88, s6;
	s7 =	simm.s32 @p2 $0x1082  }
0x22: {  	[simem:s7], [sflag:s8] =	dma.local @!p0 [hbm:s6], $0xF7A  }
0x23: {  	s9 =	sor.u32 $0xD0000000, s2;
	s6 =	simm.s32 $0x108;
	_ =	swait.ge @!p0 [sflag:s8], $0x0  }
0x24: {  	s3 =	sadd.s32 $0x88, s3;
	s6 =	simm.s32 @!p1 $0x1082;
	[sflag:s4] =	ssyncset.s32 $0xFFFFF086  }
0x25: {  	[simem:s6], [sflag:s4] =	dma.local [hbm:s3], $0xF7A  }
0x26: {  	[smem:$0x3F96] =	sst s1;
	(tag) =	ssettag s2;
	_ =	strace s9  }
0x27: {  	s1 =	sld [smem:$0x3FA6]  }
0x28: {  	s2 =	sld [smem:$0x3FA7]  }
0x29: {  	s4 =	sld [smem:$0x3FA9]  }
0x2a: {  	p0 =	seq.s32 s5, $0x0;
	s5 =	sld [smem:$0x3FAA]  }
0x2b: {  	s6 =	sld [smem:$0x3FAB]  }
0x2c: {  	s7 =	sld [smem:$0x3FAC]  }
0x2d: {  	s3 =	simm.s32 $0x108;
	s8 =	sld [smem:$0x3FAD]  }
0x2e: {  	s3 =	simm.s32 @!p0 $0x1082;
	s9 =	sld [smem:$0x3FAE]  }
0x2f: {  	lr =	sadd.s32 s0, s3;
	s0 =	sld [smem:$0x3FA5]  }
0x30: {  	s3 =	sld [smem:$0x3FA8]  }
0x31: {  	[smem:$0x3FB1] =	sst s10  }
0x32: {  	s10 =	sld [smem:$0x3FAF];
	_ =	sdelay $0x3  }
0x33: {  	p0 =	seq.s32 s10, $0x1;
	s10 =	sld [smem:$0x3FB1];
	_ =	sdelay $0x3  }
0x34: {  	[smem:$0x3FB1] =	sst s10  }
0x35: {  	s10 =	sld [smem:$0x3FB0];
	_ =	sdelay $0x3  }
0x36: {  	p1 =	seq.s32 s10, $0x1;
	s10 =	sld [smem:$0x3FB1];
	_ =	sdelay $0x3  }
0x37: {  	[smem:$0x3FB1] =	sst s10  }
0x38: {  	s10 =	sld [smem:$0x3FB2]  }
0x39: {  	_ = 	snop;
	(pc) =	sbr.ind lr, $3  }
0x3a: {  	_ = 	snop  }
0x3b: {  	_ = 	snop  }
0x3c: {  	p2 =	seq.s32 s10, $0x1;
	s10 =	sld [smem:$0x3FB1]  }
0x3d: {  	_ =	shalt  }
0x3e: {  	_ =	shalt  }
0x3f: {  	_ =	shalt  }
0x40: {  	_ =	shalt  }
0x41: {  	_ =	shalt  }
0x42: {  	_ =	shalt  }
0x43: {  	_ =	shalt  }
0x44: {  	_ =	shalt  }
0x45: {  	_ =	shalt  }
0x46: {  	_ =	shalt  }
0x47: {  	_ =	shalt  }
0x48: {  	_ =	shalt  }
0x49: {  	_ =	shalt  }
0x4a: {  	_ =	shalt  }
0x4b: {  	_ =	shalt  }
0x4c: {  	_ =	shalt  }
0x4d: {  	_ =	shalt  }
0x4e: {  	_ =	shalt  }
0x4f: {  	_ =	shalt  }
0x50: {  	_ =	shalt  }
0x51: {  	_ =	shalt  }
0x52: {  	_ =	shalt  }
0x53: {  	_ =	shalt  }
0x54: {  	_ =	shalt  }
0x55: {  	_ =	shalt  }
0x56: {  	_ =	shalt  }
0x57: {  	_ =	shalt  }
0x58: {  	_ =	shalt  }
0x59: {  	_ =	shalt  }
0x5a: {  	_ =	shalt  }
0x5b: {  	_ =	shalt  }
0x5c: {  	_ =	shalt  }
0x5d: {  	_ =	shalt  }
0x5e: {  	_ =	shalt  }
0x5f: {  	_ =	shalt  }
0x60: {  	_ =	shalt  }
0x61: {  	_ =	shalt  }
0x62: {  	_ =	shalt  }
0x63: {  	_ =	shalt  }
0x64: {  	_ =	shalt  }
0x65: {  	_ =	shalt  }
0x66: {  	_ =	shalt  }
0x67: {  	_ =	shalt  }
0x68: {  	_ =	shalt  }
0x69: {  	_ =	shalt  }
0x6a: {  	_ =	shalt  }
0x6b: {  	_ =	shalt  }
0x6c: {  	_ =	shalt  }
0x6d: {  	_ =	shalt  }
0x6e: {  	_ =	shalt  }
0x6f: {  	_ =	shalt  }
0x70: {  	_ =	shalt  }
0x71: {  	_ =	shalt  }
0x72: {  	_ =	shalt  }
0x73: {  	_ =	shalt  }
0x74: {  	_ =	shalt  }
0x75: {  	_ =	shalt  }
0x76: {  	_ =	shalt  }
0x77: {  	_ =	shalt  }
0x78: {  	_ =	shalt  }
0x79: {  	_ =	shalt  }
0x7a: {  	_ =	shalt  }
0x7b: {  	_ =	shalt  }
0x7c: {  	_ =	shalt  }
0x7d: {  	_ =	shalt  }
0x7e: {  	_ =	shalt  }
0x7f: {  	_ =	shalt  }
0x80: {  	_ =	shalt  }
0x81: {  	_ =	shalt  }
0x82: {  	_ =	shalt  }
0x83: {  	_ =	shalt  }
0x84: {  	_ =	shalt  }
0x85: {  	_ =	shalt  }
0x86: {  	_ =	shalt  }
0x87: {  	_ =	shalt  }
.Lfunc_end0:
.L_simem_size_0:
called_computation.1_lowered:
.L_overlay_start_0:
0x88: {  	s2 =	sld [smem:$0x3FD9]  }
0x89: {  	s3 =	sld [smem:$0x3FFE];
	_ =	sdelay $0x1  }
0x8a: {  	s1 =	srdreg.scid  }
0x8b: {  	s0 =	sand.u32 $0x1, s1  }
0x8c: {  	s14 =	sshll.u32 s0, $0xA;
	s2 =	sadd.s32 s3, s2  }
0x8d: {  	s2 =	sadd.s32 s2, s14  }
0x8e: {  	[smem:$0x3FBD] =	sst s2  }
0x8f: {  	_ = 	snop  }
0x90: {  	s2 =	sld [smem:$0x3FD0];
	_ =	sdelay $0x2  }
0x91: {  	s15 =	simm.s32 $0xA;
	s4 =	simm.s32 $0x10  }
0x92: {  	[smem:s4], [sflag:s15] =	dma.local [hbm:s2], $0x1  }
0x93: {  	_ =	swait.eq [sflag:s15], $0x1  }
0x94: {  	[sflag:s15] =	ssyncset.done $0x0  }
0x95: {  	[sflag:s15] =	ssyncadd.s32 $0xFFFFFFFF  }
0x96: {  	s16 =	sld [smem:$0x11];
	(tm) =	ssettm $0x1  }
0x97: {  	s17 =	sld [smem:$0x3FFB];
	_ =	sdelay $0x3  }
0x98: {  	_ =	strace s17  }
0x99: {  	s3 =	sld [smem:$0x3FFC];
	_ =	sdelay $0x3  }
0x9a: {  	_ =	strace s3  }
0x9b: {  	s3 =	sld [smem:$0x3FFD];
	_ =	sdelay $0x3  }
0x9c: {  	_ =	strace s3  }
0x9d: {  	_ =	strace $0x8FFFFFFF  }
0x9e: {  	s18 =	sld [smem:$0x3FDB];
	_ =	sdelay $0x1  }
0x9f: {  	s19 =	simm.s32 $_scs_section_size  }
0xa0: {  	s5 =	simm.s32 $_size__tile_overlayer_lowered;
	s6 =	simm.s32 $_tile_overlayer_lowered  }
0xa1: {  	s22 =	simm.s32 $0x1BFF;
	s21 =	sshll.u32 s6, $0x1;
	s3 =	sadd.s32 s19, s18  }
0xa2: {  	s7 =	simm.s32 $0x0;
	s20 =	sshll.u32 s5, $0x1;
	s5 =	sadd.s32 s21, s3  }
0xa3: {  	[timem:s7], [sflag:s22] =	dma.local [hbm:s5], s20  }
0xa4: {  	_ =	swait.ge [sflag:s22], s20  }
0xa5: {  	s4 =	ssub.s32 $0x0, s20;
	[sflag:s22] =	ssyncset.done $0x0  }
0xa6: {  	[sflag:s22] =	ssyncadd.s32 s4;
	_ =	sdelay $0x1  }
0xa7: {  	s23 =	simm.s32 $0x1B8B  }
0xa8: {  	_ =	swait.ge [sflag:s23], $0x1  }
0xa9: {  	[sflag:s23] =	ssyncset.done $0x0  }
0xaa: {  	s25 =	simm.s32 $0x1B8E;
	s24 =	sld [smem:$0x3FFE];
	[sflag:s23] =	ssyncadd.s32 $0xFFFFFFFF  }
0xab: {  	s26 =	simm.s32 $execute0_lowered;
	[smem:$0x3FD2] =	sst s25  }
0xac: {  	s5 =	sshll.u32 s26, $0x1;
	_ =	strace $0x80000049;
	[dreg:$0x1] =	wrdreg $0xFFFFFFFF  }
0xad: {  	s28 =	simm.s32 $_size_execute0_lowered;
	s3 =	sadd.s32 s3, s5;
	[dreg:$0x0] =	wrdreg $0x0  }
0xae: {  	s5 =	sshll.u32 s28, $0x1;
	[dreg:$0x2] =	wrdreg s3  }
0xaf: {  	[dreg:$0x3] =	wrdreg s5  }
0xb0: {  	[dreg:$0x4] =	wrdreg $0xC0  }
0xb1: {  	_ =	task [dreg:s7], $0x5FFFF  }
0xb2: {  	[dreg:$0x1] =	wrdreg $0xFFFFFFFF  }
0xb3: {  	[dreg:$0x0] =	wrdreg $0x60  }
0xb4: {  	[dreg:$0x2] =	wrdreg s24  }
0xb5: {  	[dreg:$0x3] =	wrdreg s16  }
0xb6: {  	[dreg:$0x4] =	wrdreg $0x90000  }
0xb7: {  	[dreg:$0x5] =	wrdreg $0x9  }
0xb8: {  	_ =	task.clear_ibuf [dreg:s7], $0x6FFFF;
	_ =	strace $0x90000049  }
0xb9: {  	s29 =	simm.s32 $0x9;
	_ =	strace $0x8000004B  }
0xba: {  	_ =	swait.ge [sflag:s29], $0x1  }
0xbb: {  	[sflag:s29] =	ssyncadd.s32 $0xFFFFFFFF  }
0xbc: {  	_ =	strace $0x9000004B  }
0xbd: {  	_ =	sfence  }
0xbe: {  	s30 =	sld [smem:$0x0];
	_ =	sdelay $0x2  }
0xbf: {  	s31 =	sshll.u32 s1, $0xD;
	s1 =	sshrl.u32 s1, $0x2  }
0xc0: {  	s3 =	sand.u32 $0x4000, s31;
	s1 =	sadd.s32 s1, s30  }
0xc1: {  	s0 =	sor.u32 s3, s0;
	s1 =	sshll.u32 s1, $0x11  }
0xc2: {  	s0 =	sor.u32 s1, s0  }
0xc3: {  	s0 =	sadd.s32 $0x8F2B, s0  }
0xc4: {  	[sflag:s0] =	ssyncadd.remote.s32 $0x1  }
0xc5: {  	_ =	sfence.sel $0xFFFF  }
0xc6: {  	[dreg:$0x0] =	wrdreg $0xFFFFFFFF;
	(pc) =	sbr.abs _section_cstart, $3  }
0xc7: {  	[dreg:$0x1] =	wrdreg $0xFFFFFFFF  }
0xc8: {  	_ =	task.clear_ibuf [dreg:s7], $0x2FFFF;
	_ =	strace $0x9FFFFFFF  }
0xc9: {  	(tm) =	ssettm $0x7FFFFFFF  }
tec
execute0_lowered:
.L_overlay_start_1:
0x0: {  	(tag) =	ssettag $0x1  }
0x1: {  	s0 =	rddreg [dreg:$0x0]  }
0x2: {  	s1 =	rddreg [dreg:$0x1]  }
0x3: {  	s2 =	rddreg [dreg:$0x2];
	s3 =	simm.s32 $0x0;
	s4 =	srdreg.scid  }
0x4: {  	s12 =	stileid.u32;
	s30 =	simm.s32 $0x7;
	s29 =	simm.s32 $0x6  }
0x5: {  	s14 =	simm.s32 $0x4;
	s31 =	simm.s32 $0xD00;
	s15 =	simm.s32 $0xF80  }
0x6: {  	s16 =	simm.s32 $0x0;
	[smem:$0x7FF] =	sst s3;
	s6 =	smul.u32 $0x2800, s12  }
0x7: {  	s5 =	sand.u32 $0x1, s4;
	s4 =	sadd.s32 $0x10000, s0;
	s18 =	smul.u32 $0x50000, s12  }
0x8: {  	s8 =	sadd.s32 $0x3000, s0;
	s9 =	sadd.s32 $0xD800, s0;
	s20 =	smul.u32 $0x5000, s12  }
0x9: {  	s11 =	sshll.u32 s12, $0x6;
	s23 =	smul.u32 $0xA00, s12;
	_ =	strace $0x8000004A  }
0xa: {  	s7 =	smul.u32 $0x28000, s5;
	[dreg:$0x4] =	wrdreg s9;
	s17 =	sshll.u32 s5, $0x4  }
0xb: {  	s19 =	ssub.s32 $0x2, s5;
	s5 =	smul.u32 $0x50000, s5;
	s26 =	sor.u32 $0x1C07, s11  }
0xc: {  	[dreg:$0xb] =	wrdreg s16;
	s10 =	sshrl.u32 s19, $0x1;
	s9 =	sshrl.u32 s18, $0x2  }
0xd: {  	s21 =	sshrl.u32 s20, $0x3;
	s11 =	sadd.s32 s23, s8;
	s18 =	simm.s32 $0x80  }
0xe: {  	s23 =	simm.s32 $0x5000;
	[dreg:$0x5] =	wrdreg s26;
	s6 =	sadd.s32 s6, s7  }
0xf: {  	s7 =	sor.u32 s12, s17;
	s9 =	sadd.s32 s9, s2;
	s22 =	sadd.s32 s20, s5  }
0x10: {  	s17 =	simm.s32 $0x3;
	s20 =	simm.s32 $0x400;
	s5 =	simm.s32 $0x680  }
0x11: {  	s0 =	sadd.s32 s6, s0;
	s7 =	smul.u32 $0x5000, s7;
	s6 =	ssub.s32 s19, s10  }
0x12: {  	s24 =	sor.u32 $0x400, s22;
	s28 =	sshrl.u32 s9, $0x3;
	s19 =	simm.s32 $0x1000  }
0x13: {  	s9 =	simm.s32 $0xE80;
	s10 =	simm.s32 $0x780;
	s0 =	sadd.s32 $0x60000, s0  }
0x14: {  	s6 =	smax.u32 s6, $0x1;
	s25 =	sshrl.u32 s24, $0x3;
	[dreg:$0xa] =	wrdreg s28  }
0x15: {  	s24 =	simm.s32 $0x2;
	s7 =	sshrl.u32 s7, $0x3;
	[dreg:$0x8] =	wrdreg s0  }
0x16: {  	s0 =	sor.u32 $0x800, s22;
	[dreg:$0x9] =	wrdreg s6;
	s12 =	sadd.s32 s25, s1  }
.Ltmp0:
0x17: {  	s22 =	simm.s32 $0x1;
	s25 =	simm.s32 $0x5;
	(pc) =	sbr.rel .LBB2_1-.Ltmp0, $4  }
0x18: {  	s6 =	simm.s32 $0xF00;
	s7 =	sadd.s32 s1, s7;
	s0 =	sshrl.u32 s0, $0x3  }
0x19: {  	[dreg:$0x6] =	wrdreg s7;
	s7 =	sadd.s32 s8, s21;
	s13 =	sadd.s32 s0, s1  }
0x1a: {  	s21 =	simm.s32 $0xC00;
	s0 =	simm.s32 $0x600;
	s1 =	simm.s32 $0xD80  }
0x1b: {  	s8 =	simm.s32 $0x700;
	[dreg:$0x7] =	wrdreg s7;
	s7 =	simm.s32 $0xE00  }
.LBB2_4:
0x1c: {  	[spmem:s2] =	stream.indirect.scatter.add.f32 [tilespmem:s23], [sflag:$0x6], $0x80, s15, s18, $0xb8;
	[tilespmem:$0x1D000] =	vst v63  }
0x1d: {  	_ =	swait.ge [sflag:s29], $0x4000  }
0x1e: {  	[sflag:s29] =	ssyncset.done $0x0  }
0x1f: {  	[sflag:s29] =	ssyncadd.s32 $0xFFFFC000  }
0x20: {  	[bflag:$0x0] =	sbarrier.arrive $0xFFFF  }
0x21: {  	s31 =	rddreg [dreg:$0x5]  }
0x22: {  	s16 =	rddreg [dreg:$0x8]  }
0x23: {  	s30 =	simm.s32 $0x7;
	s28 =	rddreg [dreg:$0xa]  }
0x24: {  	[hbm:s16], [sflag:s31] =	dma.local [spmem:s28], $0x2800  }
0x25: {  	_ =	swait.ge [sflag:s30], $0x2800  }
0x26: {  	s26 =	rddreg [dreg:$0xb]  }
0x27: {  	s16 =	rddreg [dreg:$0x9];
	s26 =	sadd.s32 $0x1, s26  }
0x28: {  	p0 =	sne.s32 s26, s16  }
.Ltmp1:
0x29: {  	_ = 	snop;
	(pc) =	sbr.rel @!p0 .LBB2_5-.Ltmp1, $4  }
0x2a: {  	_ = 	snop  }
0x2b: {  	[sflag:s30] =	ssyncset.done $0x0  }
0x2c: {  	[sflag:s30] =	ssyncadd.s32 $0xFFFFD800  }
0x2d: {  	[dreg:$0xb] =	wrdreg s26;
	s26 =	smov.u32 s31;
	s31 =	simm.s32 $0xD00  }
.LBB2_1:
0x2e: {  	s16 =	rddreg [dreg:$0x4]  }
0x2f: {  	[spmem:s28], [sflag:s26] =	dma.local [hbm:s16], $0x2800  }
0x30: {  	_ =	swait.ge [sflag:s30], $0x2800  }
0x31: {  	[sflag:s30] =	ssyncset.done $0x0  }
0x32: {  	[sflag:s30] =	ssyncadd.s32 $0xFFFFD800  }
0x33: {  	[bflag:$0x0] =	sbarrier.arrive $0xFFFF  }
0x34: {  	s26 =	rddreg [dreg:$0x6]  }
0x35: {  	[tilespmem:s3], [sflag:$0x3] =	stream.linear.gather [hbm4b:s26+s3], $0x400, $0x38;
	[tilespmem:$0x1D000] =	vst v63  }
0x36: {  	s30 =	simm.s32 $0x800;
	s28 =	rddreg [dreg:$0x7]  }
0x37: {  	[tilespmem:s30], [sflag:$0x3] =	stream.linear.gather [hbm4b:s28+s3], $0x400, $0x38;
	[tilespmem:$0x1D000] =	vst v63  }
0x38: {  	_ =	swait.ge [sflag:s17], $0x400  }
0x39: {  	[sflag:s17] =	ssyncset.done $0x0  }
0x3a: {  	[sflag:s17] =	ssyncadd.s32 $0xFFFFFC00  }
0x3b: {  	_ =	swait.ge [sflag:s17], $0x400  }
0x3c: {  	[sflag:s17] =	ssyncset.done $0x0  }
0x3d: {  	s16 =	simm.s32 $0x0;
	[sflag:s17] =	ssyncadd.s32 $0xFFFFFC00  }
0x3e: {  	[tilespmem:s19], [sflag:$0x1] =	stream.indirect.gather [hbm4b:s4+s18], $0x80, s3, s18, $0xb8;
	[tilespmem:$0x1D000] =	vst v63  }
.LBB2_2:
0x3f: {  	p0 =	seq.s32 s16, $0x0  }
0x40: {  	s26 =	simm.s32 @!p0 $0x6  }
0x41: {  	_ =	swait.ge @!p0 [sflag:s26], $0x4000  }
0x42: {  	[sflag:s26] =	ssyncset.done @!p0 $0x0  }
0x43: {  	s28 =	sadd.s32 s16, s12;
	s30 =	sadd.s32 s16, s11;
	[sflag:s26] =	ssyncadd.s32 @!p0 $0xFFFFC000  }
0x44: {  	[tilespmem:s20], [sflag:$0x4] =	stream.linear.gather [hbm4b:s28+s3], $0x400, $0x38;
	[tilespmem:$0x1D000] =	vst v63  }
0x45: {  	s26 =	sadd.s32 $0x80, s30  }
0x46: {  	[tilespmem:s21], [sflag:$0x4] =	stream.linear.gather [hbm4b:s26+s3], $0x400, $0x38;
	[tilespmem:$0x1D000] =	vst v63  }
0x47: {  	_ =	swait.ge [sflag:s22], $0x4000  }
0x48: {  	[sflag:s22] =	ssyncset.done $0x0  }
0x49: {  	[sflag:s22] =	ssyncadd.s32 $0xFFFFC000  }
0x4a: {  	[tilespmem:s23], [sflag:$0x2] =	stream.indirect.gather [hbm4b:s4+s18], $0x80, s18, s18, $0xb8;
	[tilespmem:$0x1D000] =	vst v63  }
0x4b: {  	s28 =	simm.s32 $0x800  }
0x4c: {  	[spmem:s2] =	stream.indirect.scatter.add.f32 [tilespmem:s19], [sflag:$0x5], $0x80, s28, s18, $0xb8;
	[tilespmem:$0x1D000] =	vst v63  }
0x4d: {  	_ =	swait.ge [sflag:s24], $0x4000  }
0x4e: {  	[sflag:s24] =	ssyncset.done $0x0  }
0x4f: {  	[sflag:s24] =	ssyncadd.s32 $0xFFFFC000  }
0x50: {  	_ =	swait.ge [sflag:s25], $0x4000  }
0x51: {  	[sflag:s25] =	ssyncset.done $0x0  }
0x52: {  	s30 =	simm.s32 $0x100;
	[sflag:s25] =	ssyncadd.s32 $0xFFFFC000  }
0x53: {  	[tilespmem:s19], [sflag:$0x1] =	stream.indirect.gather [hbm4b:s4+s18], $0x80, s30, s18, $0xb8;
	[tilespmem:$0x1D000] =	vst v63  }
0x54: {  	s28 =	simm.s32 $0x880  }
0x55: {  	[spmem:s2] =	stream.indirect.scatter.add.f32 [tilespmem:s23], [sflag:$0x6], $0x80, s28, s18, $0xb8;
	[tilespmem:$0x1D000] =	vst v63  }
0x56: {  	_ =	swait.ge [sflag:s22], $0x4000  }
0x57: {  	[sflag:s22] =	ssyncset.done $0x0  }
0x58: {  	[sflag:s22] =	ssyncadd.s32 $0xFFFFC000  }
0x59: {  	_ =	swait.ge [sflag:s29], $0x4000  }
0x5a: {  	[sflag:s29] =	ssyncset.done $0x0  }
0x5b: {  	s30 =	simm.s32 $0x180;
	[sflag:s29] =	ssyncadd.s32 $0xFFFFC000  }
0x5c: {  	[tilespmem:s23], [sflag:$0x2] =	stream.indirect.gather [hbm4b:s4+s18], $0x80, s30, s18, $0xb8;
	[tilespmem:$0x1D000] =	vst v63  }
0x5d: {  	s28 =	simm.s32 $0x900  }
0x5e: {  	[spmem:s2] =	stream.indirect.scatter.add.f32 [tilespmem:s19], [sflag:$0x5], $0x80, s28, s18, $0xb8;
	[tilespmem:$0x1D000] =	vst v63  }
0x5f: {  	_ =	swait.ge [sflag:s24], $0x4000  }
0x60: {  	[sflag:s24] =	ssyncset.done $0x0  }
0x61: {  	[sflag:s24] =	ssyncadd.s32 $0xFFFFC000  }
0x62: {  	_ =	swait.ge [sflag:s25], $0x4000  }
0x63: {  	[sflag:s25] =	ssyncset.done $0x0  }
0x64: {  	s30 =	simm.s32 $0x200;
	[sflag:s25] =	ssyncadd.s32 $0xFFFFC000  }
0x65: {  	[tilespmem:s19], [sflag:$0x1] =	stream.indirect.gather [hbm4b:s4+s18], $0x80, s30, s18, $0xb8;
	[tilespmem:$0x1D000] =	vst v63  }
0x66: {  	s28 =	simm.s32 $0x980  }
0x67: {  	[spmem:s2] =	stream.indirect.scatter.add.f32 [tilespmem:s23], [sflag:$0x6], $0x80, s28, s18, $0xb8;
	[tilespmem:$0x1D000] =	vst v63  }
0x68: {  	_ =	swait.ge [sflag:s22], $0x4000  }
0x69: {  	[sflag:s22] =	ssyncset.done $0x0  }
0x6a: {  	[sflag:s22] =	ssyncadd.s32 $0xFFFFC000  }
0x6b: {  	_ =	swait.ge [sflag:s29], $0x4000  }
0x6c: {  	[sflag:s29] =	ssyncset.done $0x0  }
0x6d: {  	s30 =	simm.s32 $0x280;
	[sflag:s29] =	ssyncadd.s32 $0xFFFFC000  }
0x6e: {  	[tilespmem:s23], [sflag:$0x2] =	stream.indirect.gather [hbm4b:s4+s18], $0x80, s30, s18, $0xb8;
	[tilespmem:$0x1D000] =	vst v63  }
0x6f: {  	s28 =	simm.s32 $0xA00  }
0x70: {  	[spmem:s2] =	stream.indirect.scatter.add.f32 [tilespmem:s19], [sflag:$0x5], $0x80, s28, s18, $0xb8;
	[tilespmem:$0x1D000] =	vst v63  }
0x71: {  	_ =	swait.ge [sflag:s24], $0x4000  }
0x72: {  	[sflag:s24] =	ssyncset.done $0x0  }
0x73: {  	[sflag:s24] =	ssyncadd.s32 $0xFFFFC000  }
0x74: {  	_ =	swait.ge [sflag:s25], $0x4000  }
0x75: {  	[sflag:s25] =	ssyncset.done $0x0  }
0x76: {  	s30 =	simm.s32 $0x300;
	[sflag:s25] =	ssyncadd.s32 $0xFFFFC000  }
0x77: {  	[tilespmem:s19], [sflag:$0x1] =	stream.indirect.gather [hbm4b:s4+s18], $0x80, s30, s18, $0xb8;
	[tilespmem:$0x1D000] =	vst v63  }
0x78: {  	s28 =	simm.s32 $0xA80  }
0x79: {  	[spmem:s2] =	stream.indirect.scatter.add.f32 [tilespmem:s23], [sflag:$0x6], $0x80, s28, s18, $0xb8;
	[tilespmem:$0x1D000] =	vst v63  }
0x7a: {  	_ =	swait.ge [sflag:s22], $0x4000  }
0x7b: {  	[sflag:s22] =	ssyncset.done $0x0  }
0x7c: {  	[sflag:s22] =	ssyncadd.s32 $0xFFFFC000  }
0x7d: {  	_ =	swait.ge [sflag:s29], $0x4000  }
0x7e: {  	[sflag:s29] =	ssyncset.done $0x0  }
0x7f: {  	s30 =	simm.s32 $0x380;
	[sflag:s29] =	ssyncadd.s32 $0xFFFFC000  }
0x80: {  	[tilespmem:s23], [sflag:$0x2] =	stream.indirect.gather [hbm4b:s4+s18], $0x80, s30, s18, $0xb8;
	[tilespmem:$0x1D000] =	vst v63  }
0x81: {  	s28 =	simm.s32 $0xB00  }
0x82: {  	[spmem:s2] =	stream.indirect.scatter.add.f32 [tilespmem:s19], [sflag:$0x5], $0x80, s28, s18, $0xb8;
	[tilespmem:$0x1D000] =	vst v63  }
0x83: {  	_ =	swait.ge [sflag:s24], $0x4000  }
0x84: {  	[sflag:s24] =	ssyncset.done $0x0  }
0x85: {  	[sflag:s24] =	ssyncadd.s32 $0xFFFFC000  }
0x86: {  	_ =	swait.ge [sflag:s25], $0x4000  }
0x87: {  	[sflag:s25] =	ssyncset.done $0x0  }
0x88: {  	[sflag:s25] =	ssyncadd.s32 $0xFFFFC000  }
0x89: {  	_ =	swait.ge [sflag:s14], $0x400  }
0x8a: {  	[sflag:s14] =	ssyncset.done $0x0  }
0x8b: {  	[sflag:s14] =	ssyncadd.s32 $0xFFFFFC00  }
0x8c: {  	_ =	swait.ge [sflag:s14], $0x400  }
0x8d: {  	[sflag:s14] =	ssyncset.done $0x0  }
0x8e: {  	[sflag:s14] =	ssyncadd.s32 $0xFFFFFC00  }
0x8f: {  	[tilespmem:s19], [sflag:$0x1] =	stream.indirect.gather [hbm4b:s4+s18], $0x80, s20, s18, $0xb8;
	[tilespmem:$0x1D000] =	vst v63  }
0x90: {  	s30 =	simm.s32 $0xB80  }
0x91: {  	[spmem:s2] =	stream.indirect.scatter.add.f32 [tilespmem:s23], [sflag:$0x6], $0x80, s30, s18, $0xb8;
	[tilespmem:$0x1D000] =	vst v63  }
0x92: {  	_ =	swait.ge [sflag:s29], $0x4000  }
0x93: {  	p0 =	seq.s32 s16, $0x900;
	[sflag:s29] =	ssyncset.done $0x0  }
0x94: {  	s26 =	sadd.s32 @!p0 s16, s13;
	s28 =	simm.s32 @!p0 $0x0;
	[sflag:s29] =	ssyncadd.s32 $0xFFFFC000  }
0x95: {  	[tilespmem:s28], [sflag:$0x3] =	stream.linear.gather @!p0 [hbm4b:s26+s28], $0x400, $0x38;
	[tilespmem:$0x1D000] =	vst v63  }
0x96: {  	s26 =	sadd.s32 @!p0 s16, s11  }
0x97: {  	s30 =	simm.s32 @!p0 $0x800;
	s26 =	sadd.s32 @!p0 $0x100, s26  }
0x98: {  	[tilespmem:s30], [sflag:$0x3] =	stream.linear.gather @!p0 [hbm4b:s26+s28], $0x400, $0x38;
	[tilespmem:$0x1D000] =	vst v63  }
0x99: {  	_ =	swait.ge [sflag:s22], $0x4000  }
0x9a: {  	[sflag:s22] =	ssyncset.done $0x0  }
0x9b: {  	s28 =	simm.s32 $0x480;
	[sflag:s22] =	ssyncadd.s32 $0xFFFFC000  }
0x9c: {  	[tilespmem:s23], [sflag:$0x2] =	stream.indirect.gather [hbm4b:s4+s18], $0x80, s28, s18, $0xb8;
	[tilespmem:$0x1D000] =	vst v63  }
0x9d: {  	_ = 	snop  }
0x9e: {  	[spmem:s2] =	stream.indirect.scatter.add.f32 [tilespmem:s19], [sflag:$0x5], $0x80, s21, s18, $0xb8;
	[tilespmem:$0x1D000] =	vst v63  }
0x9f: {  	_ =	swait.ge [sflag:s24], $0x4000  }
0xa0: {  	[sflag:s24] =	ssyncset.done $0x0  }
0xa1: {  	[sflag:s24] =	ssyncadd.s32 $0xFFFFC000  }
0xa2: {  	_ =	swait.ge [sflag:s25], $0x4000  }
0xa3: {  	[sflag:s25] =	ssyncset.done $0x0  }
0xa4: {  	s30 =	simm.s32 $0x500;
	[sflag:s25] =	ssyncadd.s32 $0xFFFFC000  }
0xa5: {  	[tilespmem:s19], [sflag:$0x1] =	stream.indirect.gather [hbm4b:s4+s18], $0x80, s30, s18, $0xb8;
	[tilespmem:$0x1D000] =	vst v63  }
0xa6: {  	s28 =	simm.s32 $0xC80  }
0xa7: {  	[spmem:s2] =	stream.indirect.scatter.add.f32 [tilespmem:s23], [sflag:$0x6], $0x80, s28, s18, $0xb8;
	[tilespmem:$0x1D000] =	vst v63  }
0xa8: {  	_ =	swait.ge [sflag:s22], $0x4000  }
0xa9: {  	[sflag:s22] =	ssyncset.done $0x0  }
0xaa: {  	[sflag:s22] =	ssyncadd.s32 $0xFFFFC000  }
0xab: {  	_ =	swait.ge [sflag:s29], $0x4000  }
0xac: {  	[sflag:s29] =	ssyncset.done $0x0  }
0xad: {  	s30 =	simm.s32 $0x580;
	[sflag:s29] =	ssyncadd.s32 $0xFFFFC000  }
0xae: {  	[tilespmem:s23], [sflag:$0x2] =	stream.indirect.gather [hbm4b:s4+s18], $0x80, s30, s18, $0xb8;
	[tilespmem:$0x1D000] =	vst v63  }
0xaf: {  	_ = 	snop  }
0xb0: {  	[spmem:s2] =	stream.indirect.scatter.add.f32 [tilespmem:s19], [sflag:$0x5], $0x80, s31, s18, $0xb8;
	[tilespmem:$0x1D000] =	vst v63  }
0xb1: {  	_ =	swait.ge [sflag:s24], $0x4000  }
0xb2: {  	[sflag:s24] =	ssyncset.done $0x0  }
0xb3: {  	[sflag:s24] =	ssyncadd.s32 $0xFFFFC000  }
0xb4: {  	_ =	swait.ge [sflag:s25], $0x4000  }
0xb5: {  	[sflag:s25] =	ssyncset.done $0x0  }
0xb6: {  	[sflag:s25] =	ssyncadd.s32 $0xFFFFC000  }
0xb7: {  	[tilespmem:s19], [sflag:$0x1] =	stream.indirect.gather [hbm4b:s4+s18], $0x80, s0, s18, $0xb8;
	[tilespmem:$0x1D000] =	vst v63  }
0xb8: {  	_ = 	snop  }
0xb9: {  	[spmem:s2] =	stream.indirect.scatter.add.f32 [tilespmem:s23], [sflag:$0x6], $0x80, s1, s18, $0xb8;
	[tilespmem:$0x1D000] =	vst v63  }
0xba: {  	_ =	swait.ge [sflag:s22], $0x4000  }
0xbb: {  	[sflag:s22] =	ssyncset.done $0x0  }
0xbc: {  	[sflag:s22] =	ssyncadd.s32 $0xFFFFC000  }
0xbd: {  	_ =	swait.ge [sflag:s29], $0x4000  }
0xbe: {  	[sflag:s29] =	ssyncset.done $0x0  }
0xbf: {  	[sflag:s29] =	ssyncadd.s32 $0xFFFFC000  }
0xc0: {  	[tilespmem:s23], [sflag:$0x2] =	stream.indirect.gather [hbm4b:s4+s18], $0x80, s5, s18, $0xb8;
	[tilespmem:$0x1D000] =	vst v63  }
0xc1: {  	_ = 	snop  }
0xc2: {  	[spmem:s2] =	stream.indirect.scatter.add.f32 [tilespmem:s19], [sflag:$0x5], $0x80, s7, s18, $0xb8;
	[tilespmem:$0x1D000] =	vst v63  }
0xc3: {  	_ =	swait.ge [sflag:s24], $0x4000  }
0xc4: {  	[sflag:s24] =	ssyncset.done $0x0  }
0xc5: {  	[sflag:s24] =	ssyncadd.s32 $0xFFFFC000  }
0xc6: {  	_ =	swait.ge [sflag:s25], $0x4000  }
0xc7: {  	[sflag:s25] =	ssyncset.done $0x0  }
0xc8: {  	[sflag:s25] =	ssyncadd.s32 $0xFFFFC000  }
0xc9: {  	[tilespmem:s19], [sflag:$0x1] =	stream.indirect.gather [hbm4b:s4+s18], $0x80, s8, s18, $0xb8;
	[tilespmem:$0x1D000] =	vst v63  }
0xca: {  	_ = 	snop  }
0xcb: {  	[spmem:s2] =	stream.indirect.scatter.add.f32 [tilespmem:s23], [sflag:$0x6], $0x80, s9, s18, $0xb8;
	[tilespmem:$0x1D000] =	vst v63  }
0xcc: {  	_ =	swait.ge [sflag:s22], $0x4000  }
0xcd: {  	[sflag:s22] =	ssyncset.done $0x0  }
0xce: {  	[sflag:s22] =	ssyncadd.s32 $0xFFFFC000  }
0xcf: {  	_ =	swait.ge [sflag:s29], $0x4000  }
0xd0: {  	[sflag:s29] =	ssyncset.done $0x0  }
0xd1: {  	[sflag:s29] =	ssyncadd.s32 $0xFFFFC000  }
0xd2: {  	[tilespmem:s23], [sflag:$0x2] =	stream.indirect.gather [hbm4b:s4+s18], $0x80, s10, s18, $0xb8;
	[tilespmem:$0x1D000] =	vst v63  }
0xd3: {  	_ = 	snop  }
0xd4: {  	[spmem:s2] =	stream.indirect.scatter.add.f32 [tilespmem:s19], [sflag:$0x5], $0x80, s6, s18, $0xb8;
	[tilespmem:$0x1D000] =	vst v63  }
0xd5: {  	_ =	swait.ge [sflag:s24], $0x4000  }
.Ltmp2:
0xd6: {  	[sflag:s24] =	ssyncset.done $0x0;
	(pc) =	sbr.rel @p0 .LBB2_4-.Ltmp2, $4  }
0xd7: {  	[sflag:s24] =	ssyncadd.s32 $0xFFFFC000  }
0xd8: {  	_ =	swait.ge [sflag:s25], $0x4000  }
0xd9: {  	[sflag:s25] =	ssyncset.done $0x0  }
0xda: {  	[sflag:s25] =	ssyncadd.s32 $0xFFFFC000  }
0xdb: {  	_ =	swait.ge [sflag:s17], $0x400  }
0xdc: {  	[sflag:s17] =	ssyncset.done $0x0  }
0xdd: {  	[sflag:s17] =	ssyncadd.s32 $0xFFFFFC00  }
0xde: {  	_ =	swait.ge [sflag:s17], $0x400  }
.Ltmp3:
0xdf: {  	[sflag:s17] =	ssyncset.done $0x0;
	(pc) =	sbr.rel .LBB2_2-.Ltmp3, $4  }
0xe0: {  	[sflag:s17] =	ssyncadd.s32 $0xFFFFFC00  }
0xe1: {  	[tilespmem:s19], [sflag:$0x1] =	stream.indirect.gather [hbm4b:s4+s18], $0x80, s3, s18, $0xb8;
	[tilespmem:$0x1D000] =	vst v63  }
0xe2: {  	s16 =	sadd.s32 $0x100, s16  }
0xe3: {  	[spmem:s2] =	stream.indirect.scatter.add.f32 [tilespmem:s23], [sflag:$0x6], $0x80, s15, s18, $0xb8;
	[tilespmem:$0x1D000] =	vst v63  }
.LBB2_5:
0xe4: {  	_ =	sfence.sel $0x180000  }
0xe5: {  	[bflag:$0x0] =	sbarrier.arrive $0xFFFF  }
0xe6: {  	_ =	strace $0x9000004A  }
0xe7: {  	s0 =	stileid.u32;
	[bflag:$0x2] =	sbarrier.arrive $0xFFFF  }
0xe8: {  	p0 =	sne.s32 s0, $0x0;
	s0 =	rddreg [dreg:$0x3]  }
0xe9: {  	s0 =	sadd.s32 @!p0 $0x100000, s0  }
0xea: {  	[sflag:s0] =	ssyncadd.tile.s32 @!p0 $0x1;
	_ =	shalt  }
.Lfunc_end2:
_tile_overlayer_lowered:
.L_overlay_start_2:
0xeb: {  	(tag) =	ssettag $0x2  }
0xec: {  	s0 =	rddreg [dreg:$0x0];
	s2 =	stileid.u32  }
0xed: {  	s1 =	rddreg [dreg:$0x1];
	p0 =	sne.s32 s2, $0x0  }
0xee: {  	s3 =	rddreg [dreg:$0x2];
	[bflag:$0x3] =	sbarrier.arrive $0xFFFF;
	s2 =	simm.s32 @!p0 $0x1C07  }
0xef: {  	[timem:s3], [sflag:s2] =	dma.local @!p0 [hbm:s0], s1  }
0xf0: {  	s0 =	simm.s32 @!p0 $0x7  }
0xf1: {  	_ =	swait.ge @!p0 [sflag:s0], s1  }
0xf2: {  	s1 =	ssub.s32 @!p0 $0x0, s1;
	[sflag:s0] =	ssyncset.done @!p0 $0x0  }
0xf3: {  	[sflag:s0] =	ssyncadd.s32 @!p0 s1  }
0xf4: {  	[bflag:$0x3] =	sbarrier.arrive $0xFFFF  }
0xf5: {  	_ =	shalt  }

// kernel: kernel.14.cloned.1.call-start
scs
__scs_entry_jumppad:
0x0: {  	(pc) =	sbr.rel $0x88, $3  }
0x1: {  	(tag) =	ssettag $0x0;
	lr =	simm.s32 $0x1  }
0x2: {  	[smem:$0x3F96] =	sst lr;
	_ =	strace $0xD0000000  }
0x3: {  	_ = 	snop  }
0x4: {  	_ = 	snop  }
0x5: {  	_ = 	snop  }
0x6: {  	_ = 	snop  }
0x7: {  	_ = 	snop  }
__scs_overlays_trampoline_lowered:
0x8: {  	[smem:$0x3FA5] =	sst s0  }
0x9: {  	[smem:$0x3FA6] =	sst s1  }
0xa: {  	[smem:$0x3FA7] =	sst s2  }
0xb: {  	[smem:$0x3FA8] =	sst s3  }
0xc: {  	[smem:$0x3FA9] =	sst s4  }
0xd: {  	[smem:$0x3FAA] =	sst s5  }
0xe: {  	[smem:$0x3FAB] =	sst s6  }
0xf: {  	[smem:$0x3FAC] =	sst s7  }
0x10: {  	[smem:$0x3FAD] =	sst s8  }
0x11: {  	[smem:$0x3FAE] =	sst s9;
	s0 =	simm.s32 @!p0 $0x0  }
0x12: {  	s1 =	sld [smem:$0x3F94];
	s0 =	simm.s32 @p0 $0x1  }
0x13: {  	[smem:$0x3FAF] =	sst s0;
	s0 =	simm.s32 @!p1 $0x0  }
0x14: {  	s2 =	sld [smem:$0x3F93];
	s0 =	simm.s32 @p1 $0x1  }
0x15: {  	[smem:$0x3FB0] =	sst s0;
	s0 =	simm.s32 @!p2 $0x0  }
0x16: {  	s3 =	sld [smem:$0x3FDB];
	s0 =	simm.s32 @p2 $0x1  }
0x17: {  	s4 =	simm.s32 $0x1BF5;
	[smem:$0x3FB2] =	sst s0  }
0x18: {  	s0 =	sld [smem:$0x3F95];
	_ =	swait.ge [sflag:s4], $0x0  }
0x19: {  	s7 =	sld [smem:$0x3F96]  }
0x1a: {  	s8 =	sadd.s32 $0xFFFFE003, lr  }
0x1b: {  	s9 =	sadd.s32 $0xFFFFFEF7, lr;
	s5 =	simm.s32 $0xFFFFFFFF;
	p2 =	slt.u32 s8, $0xFFFFF086  }
0x1c: {  	p1 =	slt.u32 s9, $0xF7A;
	s5 =	simm.s32 @!p2 $0x0  }
0x1d: {  	s5 =	simm.s32 @p1 $0x1;
	p0 =	seq.s32 s7, s2  }
0x1e: {  	s7 =	smul.u32 @!p0 $0xF7A, s2;
	p2 =	seq.s32 @!p0 s5, $0x0  }
0x1f: {  	s9 =	smul.u32 $0xF7A, s1;
	s8 =	simm.s32 @!p0 $0x1BF5;
	p2 =	por !p2, p0  }
0x20: {  	[sflag:s8] =	ssyncset.s32 @!p0 $0xFFFFF086;
	s6 =	sadd.s32 @!p0 s3, s7;
	s7 =	simm.s32 @!p0 $0x108  }
0x21: {  	s3 =	sadd.s32 s3, s9;
	s6 =	sadd.s32 @!p0 $0x88, s6;
	s7 =	simm.s32 @p2 $0x1082  }
0x22: {  	[simem:s7], [sflag:s8] =	dma.local @!p0 [hbm:s6], $0xF7A  }
0x23: {  	s9 =	sor.u32 $0xD0000000, s2;
	s6 =	simm.s32 $0x108;
	_ =	swait.ge @!p0 [sflag:s8], $0x0  }
0x24: {  	s3 =	sadd.s32 $0x88, s3;
	s6 =	simm.s32 @!p1 $0x1082;
	[sflag:s4] =	ssyncset.s32 $0xFFFFF086  }
0x25: {  	[simem:s6], [sflag:s4] =	dma.local [hbm:s3], $0xF7A  }
0x26: {  	[smem:$0x3F96] =	sst s1;
	(tag) =	ssettag s2;
	_ =	strace s9  }
0x27: {  	s1 =	sld [smem:$0x3FA6]  }
0x28: {  	s2 =	sld [smem:$0x3FA7]  }
0x29: {  	s4 =	sld [smem:$0x3FA9]  }
0x2a: {  	p0 =	seq.s32 s5, $0x0;
	s5 =	sld [smem:$0x3FAA]  }
0x2b: {  	s6 =	sld [smem:$0x3FAB]  }
0x2c: {  	s7 =	sld [smem:$0x3FAC]  }
0x2d: {  	s3 =	simm.s32 $0x108;
	s8 =	sld [smem:$0x3FAD]  }
0x2e: {  	s3 =	simm.s32 @!p0 $0x1082;
	s9 =	sld [smem:$0x3FAE]  }
0x2f: {  	lr =	sadd.s32 s0, s3;
	s0 =	sld [smem:$0x3FA5]  }
0x30: {  	s3 =	sld [smem:$0x3FA8]  }
0x31: {  	[smem:$0x3FB1] =	sst s10  }
0x32: {  	s10 =	sld [smem:$0x3FAF];
	_ =	sdelay $0x3  }
0x33: {  	p0 =	seq.s32 s10, $0x1;
	s10 =	sld [smem:$0x3FB1];
	_ =	sdelay $0x3  }
0x34: {  	[smem:$0x3FB1] =	sst s10  }
0x35: {  	s10 =	sld [smem:$0x3FB0];
	_ =	sdelay $0x3  }
0x36: {  	p1 =	seq.s32 s10, $0x1;
	s10 =	sld [smem:$0x3FB1];
	_ =	sdelay $0x3  }
0x37: {  	[smem:$0x3FB1] =	sst s10  }
0x38: {  	s10 =	sld [smem:$0x3FB2]  }
0x39: {  	_ = 	snop;
	(pc) =	sbr.ind lr, $3  }
0x3a: {  	_ = 	snop  }
0x3b: {  	_ = 	snop  }
0x3c: {  	p2 =	seq.s32 s10, $0x1;
	s10 =	sld [smem:$0x3FB1]  }
0x3d: {  	_ =	shalt  }
0x3e: {  	_ =	shalt  }
0x3f: {  	_ =	shalt  }
0x40: {  	_ =	shalt  }
0x41: {  	_ =	shalt  }
0x42: {  	_ =	shalt  }
0x43: {  	_ =	shalt  }
0x44: {  	_ =	shalt  }
0x45: {  	_ =	shalt  }
0x46: {  	_ =	shalt  }
0x47: {  	_ =	shalt  }
0x48: {  	_ =	shalt  }
0x49: {  	_ =	shalt  }
0x4a: {  	_ =	shalt  }
0x4b: {  	_ =	shalt  }
0x4c: {  	_ =	shalt  }
0x4d: {  	_ =	shalt  }
0x4e: {  	_ =	shalt  }
0x4f: {  	_ =	shalt  }
0x50: {  	_ =	shalt  }
0x51: {  	_ =	shalt  }
0x52: {  	_ =	shalt  }
0x53: {  	_ =	shalt  }
0x54: {  	_ =	shalt  }
0x55: {  	_ =	shalt  }
0x56: {  	_ =	shalt  }
0x57: {  	_ =	shalt  }
0x58: {  	_ =	shalt  }
0x59: {  	_ =	shalt  }
0x5a: {  	_ =	shalt  }
0x5b: {  	_ =	shalt  }
0x5c: {  	_ =	shalt  }
0x5d: {  	_ =	shalt  }
0x5e: {  	_ =	shalt  }
0x5f: {  	_ =	shalt  }
0x60: {  	_ =	shalt  }
0x61: {  	_ =	shalt  }
0x62: {  	_ =	shalt  }
0x63: {  	_ =	shalt  }
0x64: {  	_ =	shalt  }
0x65: {  	_ =	shalt  }
0x66: {  	_ =	shalt  }
0x67: {  	_ =	shalt  }
0x68: {  	_ =	shalt  }
0x69: {  	_ =	shalt  }
0x6a: {  	_ =	shalt  }
0x6b: {  	_ =	shalt  }
0x6c: {  	_ =	shalt  }
0x6d: {  	_ =	shalt  }
0x6e: {  	_ =	shalt  }
0x6f: {  	_ =	shalt  }
0x70: {  	_ =	shalt  }
0x71: {  	_ =	shalt  }
0x72: {  	_ =	shalt  }
0x73: {  	_ =	shalt  }
0x74: {  	_ =	shalt  }
0x75: {  	_ =	shalt  }
0x76: {  	_ =	shalt  }
0x77: {  	_ =	shalt  }
0x78: {  	_ =	shalt  }
0x79: {  	_ =	shalt  }
0x7a: {  	_ =	shalt  }
0x7b: {  	_ =	shalt  }
0x7c: {  	_ =	shalt  }
0x7d: {  	_ =	shalt  }
0x7e: {  	_ =	shalt  }
0x7f: {  	_ =	shalt  }
0x80: {  	_ =	shalt  }
0x81: {  	_ =	shalt  }
0x82: {  	_ =	shalt  }
0x83: {  	_ =	shalt  }
0x84: {  	_ =	shalt  }
0x85: {  	_ =	shalt  }
0x86: {  	_ =	shalt  }
0x87: {  	_ =	shalt  }
.Lfunc_end0:
.L_simem_size_0:
called_computation.2_lowered:
.L_overlay_start_0:
0x88: {  	s2 =	sld [smem:$0x3FD9]  }
0x89: {  	s3 =	sld [smem:$0x3FFE];
	_ =	sdelay $0x1  }
0x8a: {  	s1 =	srdreg.scid  }
0x8b: {  	s0 =	sand.u32 $0x1, s1  }
0x8c: {  	s14 =	sshll.u32 s0, $0xA;
	s2 =	sadd.s32 s3, s2  }
0x8d: {  	s2 =	sadd.s32 s2, s14  }
0x8e: {  	[smem:$0x3FBD] =	sst s2  }
0x8f: {  	_ = 	snop  }
0x90: {  	s2 =	sld [smem:$0x3FD0];
	_ =	sdelay $0x2  }
0x91: {  	s15 =	simm.s32 $0xA;
	s4 =	simm.s32 $0x10  }
0x92: {  	[smem:s4], [sflag:s15] =	dma.local [hbm:s2], $0x1  }
0x93: {  	_ =	swait.eq [sflag:s15], $0x1  }
0x94: {  	[sflag:s15] =	ssyncset.done $0x0  }
0x95: {  	[sflag:s15] =	ssyncadd.s32 $0xFFFFFFFF  }
0x96: {  	s16 =	sld [smem:$0x10];
	(tm) =	ssettm $0x1  }
0x97: {  	s17 =	sld [smem:$0x3FFB];
	_ =	sdelay $0x3  }
0x98: {  	_ =	strace s17  }
0x99: {  	s3 =	sld [smem:$0x3FFC];
	_ =	sdelay $0x3  }
0x9a: {  	_ =	strace s3  }
0x9b: {  	s3 =	sld [smem:$0x3FFD];
	_ =	sdelay $0x3  }
0x9c: {  	_ =	strace s3  }
0x9d: {  	_ =	strace $0x8FFFFFFF  }
0x9e: {  	s18 =	sld [smem:$0x3FDB];
	_ =	sdelay $0x1  }
0x9f: {  	s19 =	simm.s32 $_scs_section_size  }
0xa0: {  	s5 =	simm.s32 $_size__tile_overlayer_lowered;
	s6 =	simm.s32 $_tile_overlayer_lowered  }
0xa1: {  	s22 =	simm.s32 $0x1BFF;
	s21 =	sshll.u32 s6, $0x1;
	s3 =	sadd.s32 s19, s18  }
0xa2: {  	s7 =	simm.s32 $0x0;
	s20 =	sshll.u32 s5, $0x1;
	s5 =	sadd.s32 s21, s3  }
0xa3: {  	[timem:s7], [sflag:s22] =	dma.local [hbm:s5], s20  }
0xa4: {  	_ =	swait.ge [sflag:s22], s20  }
0xa5: {  	s4 =	ssub.s32 $0x0, s20;
	[sflag:s22] =	ssyncset.done $0x0  }
0xa6: {  	[sflag:s22] =	ssyncadd.s32 s4;
	_ =	sdelay $0x1  }
0xa7: {  	s23 =	simm.s32 $0x1B8B  }
0xa8: {  	_ =	swait.ge [sflag:s23], $0x1  }
0xa9: {  	[sflag:s23] =	ssyncset.done $0x0  }
0xaa: {  	s25 =	simm.s32 $0x1B8E;
	s24 =	sld [smem:$0x3FFE];
	[sflag:s23] =	ssyncadd.s32 $0xFFFFFFFF  }
0xab: {  	s26 =	simm.s32 $execute0_lowered;
	[smem:$0x3FD2] =	sst s25  }
0xac: {  	s5 =	sshll.u32 s26, $0x1;
	_ =	strace $0x8000004C;
	[dreg:$0x1] =	wrdreg $0xFFFFFFFF  }
0xad: {  	s28 =	simm.s32 $_size_execute0_lowered;
	s3 =	sadd.s32 s3, s5;
	[dreg:$0x0] =	wrdreg $0x0  }
0xae: {  	s5 =	sshll.u32 s28, $0x1;
	[dreg:$0x2] =	wrdreg s3  }
0xaf: {  	[dreg:$0x3] =	wrdreg s5  }
0xb0: {  	[dreg:$0x4] =	wrdreg $0xC0  }
0xb1: {  	_ =	task [dreg:s7], $0x5FFFF  }
0xb2: {  	[dreg:$0x1] =	wrdreg $0xFFFFFFFF  }
0xb3: {  	[dreg:$0x0] =	wrdreg $0x60  }
0xb4: {  	[dreg:$0x2] =	wrdreg s24  }
0xb5: {  	[dreg:$0x3] =	wrdreg s16  }
0xb6: {  	[dreg:$0x4] =	wrdreg $0x90000  }
0xb7: {  	[dreg:$0x5] =	wrdreg $0x9  }
0xb8: {  	_ =	task.clear_ibuf [dreg:s7], $0x6FFFF;
	_ =	strace $0x9000004C  }
0xb9: {  	s29 =	simm.s32 $0x9;
	_ =	strace $0x8000004E  }
0xba: {  	_ =	swait.ge [sflag:s29], $0x1  }
0xbb: {  	[sflag:s29] =	ssyncadd.s32 $0xFFFFFFFF  }
0xbc: {  	_ =	strace $0x9000004E  }
0xbd: {  	_ =	sfence  }
0xbe: {  	s30 =	sld [smem:$0x0];
	_ =	sdelay $0x2  }
0xbf: {  	s31 =	sshll.u32 s1, $0xD;
	s1 =	sshrl.u32 s1, $0x2  }
0xc0: {  	s3 =	sand.u32 $0x4000, s31;
	s1 =	sadd.s32 s1, s30  }
0xc1: {  	s0 =	sor.u32 s3, s0;
	s1 =	sshll.u32 s1, $0x11  }
0xc2: {  	s0 =	sor.u32 s1, s0  }
0xc3: {  	s0 =	sadd.s32 $0x8F2B, s0  }
0xc4: {  	[sflag:s0] =	ssyncadd.remote.s32 $0x1  }
0xc5: {  	_ =	sfence.sel $0xFFFF  }
0xc6: {  	[dreg:$0x0] =	wrdreg $0xFFFFFFFF;
	(pc) =	sbr.abs _section_cstart, $3  }
0xc7: {  	[dreg:$0x1] =	wrdreg $0xFFFFFFFF  }
0xc8: {  	_ =	task.clear_ibuf [dreg:s7], $0x2FFFF;
	_ =	strace $0x9FFFFFFF  }
0xc9: {  	(tm) =	ssettm $0x7FFFFFFF  }
tec
execute0_lowered:
.L_overlay_start_1:
0x0: {  	(tag) =	ssettag $0x1  }
0x1: {  	s0 =	rddreg [dreg:$0x0]  }
0x2: {  	s11 =	rddreg [dreg:$0x1]  }
0x3: {  	s3 =	rddreg [dreg:$0x2]  }
0x4: {  	s1 =	srdreg.scid;
	s10 =	stileid.u32;
	s4 =	simm.s32 $0x0  }
0x5: {  	s29 =	simm.s32 $0x7;
	s28 =	simm.s32 $0x5;
	s31 =	simm.s32 $0x6  }
0x6: {  	s17 =	simm.s32 $0x4;
	s12 =	simm.s32 $0x700;
	s13 =	simm.s32 $0xE80  }
0x7: {  	s16 =	simm.s32 $0xF00;
	s30 =	simm.s32 $0x0;
	s1 =	sand.u32 $0x1, s1  }
0x8: {  	s2 =	smul.u32 $0x2800, s10;
	[smem:$0x7FF] =	sst s4;
	s5 =	sadd.s32 $0x10000, s0  }
0x9: {  	s6 =	sadd.s32 $0x3000, s0;
	s8 =	sadd.s32 $0xD800, s0;
	s20 =	smul.u32 $0x50000, s10  }
0xa: {  	s21 =	sshll.u32 s10, $0x6;
	s7 =	smul.u32 $0x28000, s1;
	_ =	strace $0x8000004D  }
0xb: {  	[dreg:$0x4] =	wrdreg s8;
	s19 =	sshll.u32 s1, $0x4;
	s1 =	ssub.s32 $0x2, s1  }
0xc: {  	s18 =	sor.u32 $0x1C07, s21;
	s21 =	simm.s32 $0x1000;
	s9 =	sshrl.u32 s1, $0x1  }
0xd: {  	s8 =	sshrl.u32 s20, $0x2;
	s20 =	simm.s32 $0x80;
	[dreg:$0x5] =	wrdreg s18  }
0xe: {  	s2 =	sadd.s32 s2, s7;
	s7 =	sor.u32 s10, s19;
	s1 =	ssub.s32 s1, s9  }
0xf: {  	s8 =	sadd.s32 s8, s3;
	s19 =	simm.s32 $0x3;
	s9 =	simm.s32 $0xD80  }
0x10: {  	s10 =	simm.s32 $0x680;
	s0 =	sadd.s32 s2, s0;
	s7 =	smul.u32 $0x2800, s7  }
0x11: {  	s23 =	sor.u32 $0x400, s2;
	s24 =	smax.u32 s1, $0x1;
	s26 =	sadd.s32 $0x800, s2  }
0x12: {  	s1 =	sshrl.u32 s8, $0x3;
	s8 =	simm.s32 $0x780;
	s2 =	simm.s32 $0xF80  }
0x13: {  	s0 =	sadd.s32 $0x38000, s0;
	[dreg:$0x9] =	wrdreg s24;
	s25 =	sshrl.u32 s23, $0x3  }
0x14: {  	[dreg:$0xa] =	wrdreg s26;
	s23 =	simm.s32 $0xC00;
	s24 =	simm.s32 $0x1  }
.Ltmp0:
0x15: {  	s26 =	simm.s32 $0x2;
	[dreg:$0xb] =	wrdreg s1;
	(pc) =	sbr.rel .LBB2_1-.Ltmp0, $4  }
0x16: {  	s7 =	sshrl.u32 s7, $0x3;
	[dreg:$0x8] =	wrdreg s0;
	s14 =	sadd.s32 s25, s6  }
0x17: {  	s15 =	sadd.s32 s25, s11;
	s25 =	simm.s32 $0x5000;
	s22 =	sadd.s32 s11, s7  }
0x18: {  	s7 =	sadd.s32 s6, s7;
	s11 =	simm.s32 $0xE00;
	[dreg:$0x6] =	wrdreg s22  }
0x19: {  	[dreg:$0x7] =	wrdreg s7;
	s22 =	simm.s32 $0x400;
	s7 =	simm.s32 $0x600  }
.LBB2_4:
0x1a: {  	[spmem:s3] =	stream.indirect.scatter.add.f32 [tilespmem:s25], [sflag:$0x6], $0x80, s2, s20, $0xb8;
	[tilespmem:$0x1D000] =	vst v63  }
0x1b: {  	_ =	swait.ge [sflag:s31], $0x4000  }
0x1c: {  	[sflag:s31] =	ssyncset.done $0x0  }
0x1d: {  	[sflag:s31] =	ssyncadd.s32 $0xFFFFC000  }
0x1e: {  	[bflag:$0x0] =	sbarrier.arrive $0xFFFF  }
0x1f: {  	s18 =	rddreg [dreg:$0x5]  }
0x20: {  	s0 =	rddreg [dreg:$0x8]  }
0x21: {  	s29 =	simm.s32 $0x7;
	s1 =	rddreg [dreg:$0xb]  }
0x22: {  	[hbm:s0], [sflag:s18] =	dma.local [spmem:s1], $0x2800  }
0x23: {  	_ =	swait.ge [sflag:s29], $0x2800  }
0x24: {  	s30 =	rddreg [dreg:$0xc]  }
0x25: {  	s0 =	rddreg [dreg:$0x9];
	s30 =	sadd.s32 $0x1, s30  }
0x26: {  	p0 =	sne.s32 s30, s0  }
.Ltmp1:
0x27: {  	_ = 	snop;
	(pc) =	sbr.rel @!p0 .LBB2_5-.Ltmp1, $3  }
0x28: {  	_ =	sdelay $0x1  }
0x29: {  	[sflag:s29] =	ssyncset.done $0x0  }
0x2a: {  	[sflag:s29] =	ssyncadd.s32 $0xFFFFD800  }
.LBB2_1:
0x2b: {  	[dreg:$0xc] =	wrdreg s30  }
0x2c: {  	s0 =	rddreg [dreg:$0x4]  }
0x2d: {  	[spmem:s1], [sflag:s18] =	dma.local [hbm:s0], $0x2800  }
0x2e: {  	_ =	swait.ge [sflag:s29], $0x2800  }
0x2f: {  	[sflag:s29] =	ssyncset.done $0x0  }
0x30: {  	[sflag:s29] =	ssyncadd.s32 $0xFFFFD800  }
0x31: {  	[bflag:$0x0] =	sbarrier.arrive $0xFFFF  }
0x32: {  	s1 =	rddreg [dreg:$0x6]  }
0x33: {  	[tilespmem:s4], [sflag:$0x3] =	stream.linear.gather [hbm4b:s1+s4], $0x400, $0x38;
	[tilespmem:$0x1D000] =	vst v63  }
0x34: {  	s30 =	simm.s32 $0x800;
	s18 =	rddreg [dreg:$0x7]  }
0x35: {  	[tilespmem:s30], [sflag:$0x3] =	stream.linear.gather [hbm4b:s18+s4], $0x400, $0x38;
	[tilespmem:$0x1D000] =	vst v63  }
0x36: {  	_ =	swait.ge [sflag:s19], $0x400  }
0x37: {  	[sflag:s19] =	ssyncset.done $0x0  }
0x38: {  	[sflag:s19] =	ssyncadd.s32 $0xFFFFFC00  }
0x39: {  	_ =	swait.ge [sflag:s19], $0x400  }
0x3a: {  	[sflag:s19] =	ssyncset.done $0x0  }
0x3b: {  	s29 =	simm.s32 $0x0;
	s18 =	rddreg [dreg:$0xa];
	[sflag:s19] =	ssyncadd.s32 $0xFFFFFC00  }
0x3c: {  	[tilespmem:s21], [sflag:$0x1] =	stream.indirect.gather [hbm4b:s5+s20], $0x80, s4, s20, $0xb8;
	[tilespmem:$0x1D000] =	vst v63  }
.LBB2_2:
0x3d: {  	p0 =	seq.s32 s29, $0x0  }
0x3e: {  	s30 =	simm.s32 @!p0 $0x6  }
0x3f: {  	_ =	swait.ge @!p0 [sflag:s30], $0x4000  }
0x40: {  	[sflag:s30] =	ssyncset.done @!p0 $0x0  }
0x41: {  	s1 =	sadd.s32 s29, s15;
	[sflag:s30] =	ssyncadd.s32 @!p0 $0xFFFFC000  }
0x42: {  	[tilespmem:s22], [sflag:$0x4] =	stream.linear.gather [hbm4b:s1+s4], $0x400, $0x38;
	[tilespmem:$0x1D000] =	vst v63  }
0x43: {  	s0 =	sadd.s32 s29, s14  }
0x44: {  	[tilespmem:s23], [sflag:$0x4] =	stream.linear.gather [hbm4b:s0+s4], $0x400, $0x38;
	[tilespmem:$0x1D000] =	vst v63  }
0x45: {  	_ =	swait.ge [sflag:s24], $0x4000  }
0x46: {  	[sflag:s24] =	ssyncset.done $0x0  }
0x47: {  	[sflag:s24] =	ssyncadd.s32 $0xFFFFC000  }
0x48: {  	[tilespmem:s25], [sflag:$0x2] =	stream.indirect.gather [hbm4b:s5+s20], $0x80, s20, s20, $0xb8;
	[tilespmem:$0x1D000] =	vst v63  }
0x49: {  	s0 =	simm.s32 $0x800  }
0x4a: {  	[spmem:s3] =	stream.indirect.scatter.add.f32 [tilespmem:s21], [sflag:$0x5], $0x80, s0, s20, $0xb8;
	[tilespmem:$0x1D000] =	vst v63  }
0x4b: {  	_ =	swait.ge [sflag:s26], $0x4000  }
0x4c: {  	[sflag:s26] =	ssyncset.done $0x0  }
0x4d: {  	[sflag:s26] =	ssyncadd.s32 $0xFFFFC000  }
0x4e: {  	_ =	swait.ge [sflag:s28], $0x4000  }
0x4f: {  	[sflag:s28] =	ssyncset.done $0x0  }
0x50: {  	s1 =	simm.s32 $0x100;
	[sflag:s28] =	ssyncadd.s32 $0xFFFFC000  }
0x51: {  	[tilespmem:s21], [sflag:$0x1] =	stream.indirect.gather [hbm4b:s5+s20], $0x80, s1, s20, $0xb8;
	[tilespmem:$0x1D000] =	vst v63  }
0x52: {  	s30 =	simm.s32 $0x880  }
0x53: {  	[spmem:s3] =	stream.indirect.scatter.add.f32 [tilespmem:s25], [sflag:$0x6], $0x80, s30, s20, $0xb8;
	[tilespmem:$0x1D000] =	vst v63  }
0x54: {  	_ =	swait.ge [sflag:s24], $0x4000  }
0x55: {  	[sflag:s24] =	ssyncset.done $0x0  }
0x56: {  	[sflag:s24] =	ssyncadd.s32 $0xFFFFC000  }
0x57: {  	_ =	swait.ge [sflag:s31], $0x4000  }
0x58: {  	[sflag:s31] =	ssyncset.done $0x0  }
0x59: {  	s1 =	simm.s32 $0x180;
	[sflag:s31] =	ssyncadd.s32 $0xFFFFC000  }
0x5a: {  	[tilespmem:s25], [sflag:$0x2] =	stream.indirect.gather [hbm4b:s5+s20], $0x80, s1, s20, $0xb8;
	[tilespmem:$0x1D000] =	vst v63  }
0x5b: {  	s30 =	simm.s32 $0x900  }
0x5c: {  	[spmem:s3] =	stream.indirect.scatter.add.f32 [tilespmem:s21], [sflag:$0x5], $0x80, s30, s20, $0xb8;
	[tilespmem:$0x1D000] =	vst v63  }
0x5d: {  	_ =	swait.ge [sflag:s26], $0x4000  }
0x5e: {  	[sflag:s26] =	ssyncset.done $0x0  }
0x5f: {  	[sflag:s26] =	ssyncadd.s32 $0xFFFFC000  }
0x60: {  	_ =	swait.ge [sflag:s28], $0x4000  }
0x61: {  	[sflag:s28] =	ssyncset.done $0x0  }
0x62: {  	s1 =	simm.s32 $0x200;
	[sflag:s28] =	ssyncadd.s32 $0xFFFFC000  }
0x63: {  	[tilespmem:s21], [sflag:$0x1] =	stream.indirect.gather [hbm4b:s5+s20], $0x80, s1, s20, $0xb8;
	[tilespmem:$0x1D000] =	vst v63  }
0x64: {  	s30 =	simm.s32 $0x980  }
0x65: {  	[spmem:s3] =	stream.indirect.scatter.add.f32 [tilespmem:s25], [sflag:$0x6], $0x80, s30, s20, $0xb8;
	[tilespmem:$0x1D000] =	vst v63  }
0x66: {  	_ =	swait.ge [sflag:s24], $0x4000  }
0x67: {  	[sflag:s24] =	ssyncset.done $0x0  }
0x68: {  	[sflag:s24] =	ssyncadd.s32 $0xFFFFC000  }
0x69: {  	_ =	swait.ge [sflag:s31], $0x4000  }
0x6a: {  	[sflag:s31] =	ssyncset.done $0x0  }
0x6b: {  	s1 =	simm.s32 $0x280;
	[sflag:s31] =	ssyncadd.s32 $0xFFFFC000  }
0x6c: {  	[tilespmem:s25], [sflag:$0x2] =	stream.indirect.gather [hbm4b:s5+s20], $0x80, s1, s20, $0xb8;
	[tilespmem:$0x1D000] =	vst v63  }
0x6d: {  	s30 =	simm.s32 $0xA00  }
0x6e: {  	[spmem:s3] =	stream.indirect.scatter.add.f32 [tilespmem:s21], [sflag:$0x5], $0x80, s30, s20, $0xb8;
	[tilespmem:$0x1D000] =	vst v63  }
0x6f: {  	_ =	swait.ge [sflag:s26], $0x4000  }
0x70: {  	[sflag:s26] =	ssyncset.done $0x0  }
0x71: {  	[sflag:s26] =	ssyncadd.s32 $0xFFFFC000  }
0x72: {  	_ =	swait.ge [sflag:s28], $0x4000  }
0x73: {  	[sflag:s28] =	ssyncset.done $0x0  }
0x74: {  	s1 =	simm.s32 $0x300;
	[sflag:s28] =	ssyncadd.s32 $0xFFFFC000  }
0x75: {  	[tilespmem:s21], [sflag:$0x1] =	stream.indirect.gather [hbm4b:s5+s20], $0x80, s1, s20, $0xb8;
	[tilespmem:$0x1D000] =	vst v63  }
0x76: {  	s30 =	simm.s32 $0xA80  }
0x77: {  	[spmem:s3] =	stream.indirect.scatter.add.f32 [tilespmem:s25], [sflag:$0x6], $0x80, s30, s20, $0xb8;
	[tilespmem:$0x1D000] =	vst v63  }
0x78: {  	_ =	swait.ge [sflag:s24], $0x4000  }
0x79: {  	[sflag:s24] =	ssyncset.done $0x0  }
0x7a: {  	[sflag:s24] =	ssyncadd.s32 $0xFFFFC000  }
0x7b: {  	_ =	swait.ge [sflag:s31], $0x4000  }
0x7c: {  	[sflag:s31] =	ssyncset.done $0x0  }
0x7d: {  	s1 =	simm.s32 $0x380;
	[sflag:s31] =	ssyncadd.s32 $0xFFFFC000  }
0x7e: {  	[tilespmem:s25], [sflag:$0x2] =	stream.indirect.gather [hbm4b:s5+s20], $0x80, s1, s20, $0xb8;
	[tilespmem:$0x1D000] =	vst v63  }
0x7f: {  	s30 =	simm.s32 $0xB00  }
0x80: {  	[spmem:s3] =	stream.indirect.scatter.add.f32 [tilespmem:s21], [sflag:$0x5], $0x80, s30, s20, $0xb8;
	[tilespmem:$0x1D000] =	vst v63  }
0x81: {  	_ =	swait.ge [sflag:s26], $0x4000  }
0x82: {  	[sflag:s26] =	ssyncset.done $0x0  }
0x83: {  	[sflag:s26] =	ssyncadd.s32 $0xFFFFC000  }
0x84: {  	_ =	swait.ge [sflag:s28], $0x4000  }
0x85: {  	[sflag:s28] =	ssyncset.done $0x0  }
0x86: {  	[sflag:s28] =	ssyncadd.s32 $0xFFFFC000  }
0x87: {  	_ =	swait.ge [sflag:s17], $0x400  }
0x88: {  	[sflag:s17] =	ssyncset.done $0x0  }
0x89: {  	[sflag:s17] =	ssyncadd.s32 $0xFFFFFC00  }
0x8a: {  	_ =	swait.ge [sflag:s17], $0x400  }
0x8b: {  	[sflag:s17] =	ssyncset.done $0x0  }
0x8c: {  	[sflag:s17] =	ssyncadd.s32 $0xFFFFFC00  }
0x8d: {  	[tilespmem:s21], [sflag:$0x1] =	stream.indirect.gather [hbm4b:s5+s20], $0x80, s22, s20, $0xb8;
	[tilespmem:$0x1D000] =	vst v63  }
0x8e: {  	s1 =	simm.s32 $0xB80  }
0x8f: {  	[spmem:s3] =	stream.indirect.scatter.add.f32 [tilespmem:s25], [sflag:$0x6], $0x80, s1, s20, $0xb8;
	[tilespmem:$0x1D000] =	vst v63  }
0x90: {  	_ =	swait.ge [sflag:s31], $0x4000  }
0x91: {  	[sflag:s31] =	ssyncset.done $0x0  }
0x92: {  	p0 =	seq.s32 s29, $0x400;
	[sflag:s31] =	ssyncadd.s32 $0xFFFFC000  }
0x93: {  	s30 =	sshrl.u32 @!p0 s18, $0x3;
	s0 =	rddreg [dreg:$0x1]  }
0x94: {  	s1 =	simm.s32 @!p0 $0x0;
	s0 =	sadd.s32 @!p0 s0, s30  }
0x95: {  	[tilespmem:s1], [sflag:$0x3] =	stream.linear.gather @!p0 [hbm4b:s0+s1], $0x400, $0x38;
	[tilespmem:$0x1D000] =	vst v63  }
0x96: {  	s0 =	sadd.s32 @!p0 s6, s30;
	s30 =	simm.s32 @!p0 $0x800  }
0x97: {  	[tilespmem:s30], [sflag:$0x3] =	stream.linear.gather @!p0 [hbm4b:s0+s1], $0x400, $0x38;
	[tilespmem:$0x1D000] =	vst v63  }
0x98: {  	_ =	swait.ge [sflag:s24], $0x4000  }
0x99: {  	[sflag:s24] =	ssyncset.done $0x0  }
0x9a: {  	s30 =	simm.s32 $0x480;
	[sflag:s24] =	ssyncadd.s32 $0xFFFFC000  }
0x9b: {  	[tilespmem:s25], [sflag:$0x2] =	stream.indirect.gather [hbm4b:s5+s20], $0x80, s30, s20, $0xb8;
	[tilespmem:$0x1D000] =	vst v63  }
0x9c: {  	_ = 	snop  }
0x9d: {  	[spmem:s3] =	stream.indirect.scatter.add.f32 [tilespmem:s21], [sflag:$0x5], $0x80, s23, s20, $0xb8;
	[tilespmem:$0x1D000] =	vst v63  }
0x9e: {  	_ =	swait.ge [sflag:s26], $0x4000  }
0x9f: {  	[sflag:s26] =	ssyncset.done $0x0  }
0xa0: {  	[sflag:s26] =	ssyncadd.s32 $0xFFFFC000  }
0xa1: {  	_ =	swait.ge [sflag:s28], $0x4000  }
0xa2: {  	[sflag:s28] =	ssyncset.done $0x0  }
0xa3: {  	s1 =	simm.s32 $0x500;
	[sflag:s28] =	ssyncadd.s32 $0xFFFFC000  }
0xa4: {  	[tilespmem:s21], [sflag:$0x1] =	stream.indirect.gather [hbm4b:s5+s20], $0x80, s1, s20, $0xb8;
	[tilespmem:$0x1D000] =	vst v63  }
0xa5: {  	s30 =	simm.s32 $0xC80  }
0xa6: {  	[spmem:s3] =	stream.indirect.scatter.add.f32 [tilespmem:s25], [sflag:$0x6], $0x80, s30, s20, $0xb8;
	[tilespmem:$0x1D000] =	vst v63  }
0xa7: {  	_ =	swait.ge [sflag:s24], $0x4000  }
0xa8: {  	[sflag:s24] =	ssyncset.done $0x0  }
0xa9: {  	[sflag:s24] =	ssyncadd.s32 $0xFFFFC000  }
0xaa: {  	_ =	swait.ge [sflag:s31], $0x4000  }
0xab: {  	[sflag:s31] =	ssyncset.done $0x0  }
0xac: {  	s1 =	simm.s32 $0x580;
	[sflag:s31] =	ssyncadd.s32 $0xFFFFC000  }
0xad: {  	[tilespmem:s25], [sflag:$0x2] =	stream.indirect.gather [hbm4b:s5+s20], $0x80, s1, s20, $0xb8;
	[tilespmem:$0x1D000] =	vst v63  }
0xae: {  	s30 =	simm.s32 $0xD00  }
0xaf: {  	[spmem:s3] =	stream.indirect.scatter.add.f32 [tilespmem:s21], [sflag:$0x5], $0x80, s30, s20, $0xb8;
	[tilespmem:$0x1D000] =	vst v63  }
0xb0: {  	_ =	swait.ge [sflag:s26], $0x4000  }
0xb1: {  	[sflag:s26] =	ssyncset.done $0x0  }
0xb2: {  	[sflag:s26] =	ssyncadd.s32 $0xFFFFC000  }
0xb3: {  	_ =	swait.ge [sflag:s28], $0x4000  }
0xb4: {  	[sflag:s28] =	ssyncset.done $0x0  }
0xb5: {  	[sflag:s28] =	ssyncadd.s32 $0xFFFFC000  }
0xb6: {  	[tilespmem:s21], [sflag:$0x1] =	stream.indirect.gather [hbm4b:s5+s20], $0x80, s7, s20, $0xb8;
	[tilespmem:$0x1D000] =	vst v63  }
0xb7: {  	_ = 	snop  }
0xb8: {  	[spmem:s3] =	stream.indirect.scatter.add.f32 [tilespmem:s25], [sflag:$0x6], $0x80, s9, s20, $0xb8;
	[tilespmem:$0x1D000] =	vst v63  }
0xb9: {  	_ =	swait.ge [sflag:s24], $0x4000  }
0xba: {  	[sflag:s24] =	ssyncset.done $0x0  }
0xbb: {  	[sflag:s24] =	ssyncadd.s32 $0xFFFFC000  }
0xbc: {  	_ =	swait.ge [sflag:s31], $0x4000  }
0xbd: {  	[sflag:s31] =	ssyncset.done $0x0  }
0xbe: {  	[sflag:s31] =	ssyncadd.s32 $0xFFFFC000  }
0xbf: {  	[tilespmem:s25], [sflag:$0x2] =	stream.indirect.gather [hbm4b:s5+s20], $0x80, s10, s20, $0xb8;
	[tilespmem:$0x1D000] =	vst v63  }
0xc0: {  	_ = 	snop  }
0xc1: {  	[spmem:s3] =	stream.indirect.scatter.add.f32 [tilespmem:s21], [sflag:$0x5], $0x80, s11, s20, $0xb8;
	[tilespmem:$0x1D000] =	vst v63  }
0xc2: {  	_ =	swait.ge [sflag:s26], $0x4000  }
0xc3: {  	[sflag:s26] =	ssyncset.done $0x0  }
0xc4: {  	[sflag:s26] =	ssyncadd.s32 $0xFFFFC000  }
0xc5: {  	_ =	swait.ge [sflag:s28], $0x4000  }
0xc6: {  	[sflag:s28] =	ssyncset.done $0x0  }
0xc7: {  	[sflag:s28] =	ssyncadd.s32 $0xFFFFC000  }
0xc8: {  	[tilespmem:s21], [sflag:$0x1] =	stream.indirect.gather [hbm4b:s5+s20], $0x80, s12, s20, $0xb8;
	[tilespmem:$0x1D000] =	vst v63  }
0xc9: {  	_ = 	snop  }
0xca: {  	[spmem:s3] =	stream.indirect.scatter.add.f32 [tilespmem:s25], [sflag:$0x6], $0x80, s13, s20, $0xb8;
	[tilespmem:$0x1D000] =	vst v63  }
0xcb: {  	_ =	swait.ge [sflag:s24], $0x4000  }
0xcc: {  	[sflag:s24] =	ssyncset.done $0x0  }
0xcd: {  	[sflag:s24] =	ssyncadd.s32 $0xFFFFC000  }
0xce: {  	_ =	swait.ge [sflag:s31], $0x4000  }
0xcf: {  	[sflag:s31] =	ssyncset.done $0x0  }
0xd0: {  	[sflag:s31] =	ssyncadd.s32 $0xFFFFC000  }
0xd1: {  	[tilespmem:s25], [sflag:$0x2] =	stream.indirect.gather [hbm4b:s5+s20], $0x80, s8, s20, $0xb8;
	[tilespmem:$0x1D000] =	vst v63  }
0xd2: {  	_ = 	snop  }
0xd3: {  	[spmem:s3] =	stream.indirect.scatter.add.f32 [tilespmem:s21], [sflag:$0x5], $0x80, s16, s20, $0xb8;
	[tilespmem:$0x1D000] =	vst v63  }
0xd4: {  	_ =	swait.ge [sflag:s26], $0x4000  }
.Ltmp2:
0xd5: {  	[sflag:s26] =	ssyncset.done $0x0;
	(pc) =	sbr.rel @p0 .LBB2_4-.Ltmp2, $4  }
0xd6: {  	[sflag:s26] =	ssyncadd.s32 $0xFFFFC000  }
0xd7: {  	_ =	swait.ge [sflag:s28], $0x4000  }
0xd8: {  	[sflag:s28] =	ssyncset.done $0x0  }
0xd9: {  	[sflag:s28] =	ssyncadd.s32 $0xFFFFC000  }
0xda: {  	_ =	swait.ge [sflag:s19], $0x400  }
0xdb: {  	[sflag:s19] =	ssyncset.done $0x0  }
0xdc: {  	[sflag:s19] =	ssyncadd.s32 $0xFFFFFC00  }
0xdd: {  	_ =	swait.ge [sflag:s19], $0x400  }
.Ltmp3:
0xde: {  	[sflag:s19] =	ssyncset.done $0x0;
	(pc) =	sbr.rel .LBB2_2-.Ltmp3, $4  }
0xdf: {  	[sflag:s19] =	ssyncadd.s32 $0xFFFFFC00  }
0xe0: {  	[tilespmem:s21], [sflag:$0x1] =	stream.indirect.gather [hbm4b:s5+s20], $0x80, s4, s20, $0xb8;
	[tilespmem:$0x1D000] =	vst v63  }
0xe1: {  	s29 =	sadd.s32 $0x100, s29;
	s18 =	sadd.s32 $0x800, s18  }
0xe2: {  	[spmem:s3] =	stream.indirect.scatter.add.f32 [tilespmem:s25], [sflag:$0x6], $0x80, s2, s20, $0xb8;
	[tilespmem:$0x1D000] =	vst v63  }
.LBB2_5:
0xe3: {  	_ =	sfence.sel $0x180000  }
0xe4: {  	[bflag:$0x0] =	sbarrier.arrive $0xFFFF  }
0xe5: {  	_ =	strace $0x9000004D  }
0xe6: {  	s0 =	stileid.u32;
	[bflag:$0x2] =	sbarrier.arrive $0xFFFF  }
0xe7: {  	p0 =	sne.s32 s0, $0x0;
	s0 =	rddreg [dreg:$0x3]  }
0xe8: {  	s0 =	sadd.s32 @!p0 $0x100000, s0  }
0xe9: {  	[sflag:s0] =	ssyncadd.tile.s32 @!p0 $0x1;
	_ =	shalt  }
.Lfunc_end2:
_tile_overlayer_lowered:
.L_overlay_start_2:
0xea: {  	(tag) =	ssettag $0x2  }
0xeb: {  	s0 =	rddreg [dreg:$0x0];
	s2 =	stileid.u32  }
0xec: {  	s1 =	rddreg [dreg:$0x1];
	p0 =	sne.s32 s2, $0x0  }
0xed: {  	s3 =	rddreg [dreg:$0x2];
	[bflag:$0x3] =	sbarrier.arrive $0xFFFF;
	s2 =	simm.s32 @!p0 $0x1C07  }
0xee: {  	[timem:s3], [sflag:s2] =	dma.local @!p0 [hbm:s0], s1  }
0xef: {  	s0 =	simm.s32 @!p0 $0x7  }
0xf0: {  	_ =	swait.ge @!p0 [sflag:s0], s1  }
0xf1: {  	s1 =	ssub.s32 @!p0 $0x0, s1;
	[sflag:s0] =	ssyncset.done @!p0 $0x0  }
0xf2: {  	[sflag:s0] =	ssyncadd.s32 @!p0 s1  }
0xf3: {  	[bflag:$0x3] =	sbarrier.arrive $0xFFFF  }
0xf4: {  	_ =	shalt  }

// kernel: kernel.8.cloned.1.call-start
scs
__scs_entry_jumppad:
0x0: {  	(pc) =	sbr.rel $0x88, $3  }
0x1: {  	(tag) =	ssettag $0x0;
	lr =	simm.s32 $0x1  }
0x2: {  	[smem:$0x3F96] =	sst lr;
	_ =	strace $0xD0000000  }
0x3: {  	_ = 	snop  }
0x4: {  	_ = 	snop  }
0x5: {  	_ = 	snop  }
0x6: {  	_ = 	snop  }
0x7: {  	_ = 	snop  }
__scs_overlays_trampoline_lowered:
0x8: {  	[smem:$0x3FA5] =	sst s0  }
0x9: {  	[smem:$0x3FA6] =	sst s1  }
0xa: {  	[smem:$0x3FA7] =	sst s2  }
0xb: {  	[smem:$0x3FA8] =	sst s3  }
0xc: {  	[smem:$0x3FA9] =	sst s4  }
0xd: {  	[smem:$0x3FAA] =	sst s5  }
0xe: {  	[smem:$0x3FAB] =	sst s6  }
0xf: {  	[smem:$0x3FAC] =	sst s7  }
0x10: {  	[smem:$0x3FAD] =	sst s8  }
0x11: {  	[smem:$0x3FAE] =	sst s9;
	s0 =	simm.s32 @!p0 $0x0  }
0x12: {  	s1 =	sld [smem:$0x3F94];
	s0 =	simm.s32 @p0 $0x1  }
0x13: {  	[smem:$0x3FAF] =	sst s0;
	s0 =	simm.s32 @!p1 $0x0  }
0x14: {  	s2 =	sld [smem:$0x3F93];
	s0 =	simm.s32 @p1 $0x1  }
0x15: {  	[smem:$0x3FB0] =	sst s0;
	s0 =	simm.s32 @!p2 $0x0  }
0x16: {  	s3 =	sld [smem:$0x3FDB];
	s0 =	simm.s32 @p2 $0x1  }
0x17: {  	s4 =	simm.s32 $0x1BF5;
	[smem:$0x3FB2] =	sst s0  }
0x18: {  	s0 =	sld [smem:$0x3F95];
	_ =	swait.ge [sflag:s4], $0x0  }
0x19: {  	s7 =	sld [smem:$0x3F96]  }
0x1a: {  	s8 =	sadd.s32 $0xFFFFE003, lr  }
0x1b: {  	s9 =	sadd.s32 $0xFFFFFEF7, lr;
	s5 =	simm.s32 $0xFFFFFFFF;
	p2 =	slt.u32 s8, $0xFFFFF086  }
0x1c: {  	p1 =	slt.u32 s9, $0xF7A;
	s5 =	simm.s32 @!p2 $0x0  }
0x1d: {  	s5 =	simm.s32 @p1 $0x1;
	p0 =	seq.s32 s7, s2  }
0x1e: {  	s7 =	smul.u32 @!p0 $0xF7A, s2;
	p2 =	seq.s32 @!p0 s5, $0x0  }
0x1f: {  	s9 =	smul.u32 $0xF7A, s1;
	s8 =	simm.s32 @!p0 $0x1BF5;
	p2 =	por !p2, p0  }
0x20: {  	[sflag:s8] =	ssyncset.s32 @!p0 $0xFFFFF086;
	s6 =	sadd.s32 @!p0 s3, s7;
	s7 =	simm.s32 @!p0 $0x108  }
0x21: {  	s3 =	sadd.s32 s3, s9;
	s6 =	sadd.s32 @!p0 $0x88, s6;
	s7 =	simm.s32 @p2 $0x1082  }
0x22: {  	[simem:s7], [sflag:s8] =	dma.local @!p0 [hbm:s6], $0xF7A  }
0x23: {  	s9 =	sor.u32 $0xD0000000, s2;
	s6 =	simm.s32 $0x108;
	_ =	swait.ge @!p0 [sflag:s8], $0x0  }
0x24: {  	s3 =	sadd.s32 $0x88, s3;
	s6 =	simm.s32 @!p1 $0x1082;
	[sflag:s4] =	ssyncset.s32 $0xFFFFF086  }
0x25: {  	[simem:s6], [sflag:s4] =	dma.local [hbm:s3], $0xF7A  }
0x26: {  	[smem:$0x3F96] =	sst s1;
	(tag) =	ssettag s2;
	_ =	strace s9  }
0x27: {  	s1 =	sld [smem:$0x3FA6]  }
0x28: {  	s2 =	sld [smem:$0x3FA7]  }
0x29: {  	s4 =	sld [smem:$0x3FA9]  }
0x2a: {  	p0 =	seq.s32 s5, $0x0;
	s5 =	sld [smem:$0x3FAA]  }
0x2b: {  	s6 =	sld [smem:$0x3FAB]  }
0x2c: {  	s7 =	sld [smem:$0x3FAC]  }
0x2d: {  	s3 =	simm.s32 $0x108;
	s8 =	sld [smem:$0x3FAD]  }
0x2e: {  	s3 =	simm.s32 @!p0 $0x1082;
	s9 =	sld [smem:$0x3FAE]  }
0x2f: {  	lr =	sadd.s32 s0, s3;
	s0 =	sld [smem:$0x3FA5]  }
0x30: {  	s3 =	sld [smem:$0x3FA8]  }
0x31: {  	[smem:$0x3FB1] =	sst s10  }
0x32: {  	s10 =	sld [smem:$0x3FAF];
	_ =	sdelay $0x3  }
0x33: {  	p0 =	seq.s32 s10, $0x1;
	s10 =	sld [smem:$0x3FB1];
	_ =	sdelay $0x3  }
0x34: {  	[smem:$0x3FB1] =	sst s10  }
0x35: {  	s10 =	sld [smem:$0x3FB0];
	_ =	sdelay $0x3  }
0x36: {  	p1 =	seq.s32 s10, $0x1;
	s10 =	sld [smem:$0x3FB1];
	_ =	sdelay $0x3  }
0x37: {  	[smem:$0x3FB1] =	sst s10  }
0x38: {  	s10 =	sld [smem:$0x3FB2]  }
0x39: {  	_ = 	snop;
	(pc) =	sbr.ind lr, $3  }
0x3a: {  	_ = 	snop  }
0x3b: {  	_ = 	snop  }
0x3c: {  	p2 =	seq.s32 s10, $0x1;
	s10 =	sld [smem:$0x3FB1]  }
0x3d: {  	_ =	shalt  }
0x3e: {  	_ =	shalt  }
0x3f: {  	_ =	shalt  }
0x40: {  	_ =	shalt  }
0x41: {  	_ =	shalt  }
0x42: {  	_ =	shalt  }
0x43: {  	_ =	shalt  }
0x44: {  	_ =	shalt  }
0x45: {  	_ =	shalt  }
0x46: {  	_ =	shalt  }
0x47: {  	_ =	shalt  }
0x48: {  	_ =	shalt  }
0x49: {  	_ =	shalt  }
0x4a: {  	_ =	shalt  }
0x4b: {  	_ =	shalt  }
0x4c: {  	_ =	shalt  }
0x4d: {  	_ =	shalt  }
0x4e: {  	_ =	shalt  }
0x4f: {  	_ =	shalt  }
0x50: {  	_ =	shalt  }
0x51: {  	_ =	shalt  }
0x52: {  	_ =	shalt  }
0x53: {  	_ =	shalt  }
0x54: {  	_ =	shalt  }
0x55: {  	_ =	shalt  }
0x56: {  	_ =	shalt  }
0x57: {  	_ =	shalt  }
0x58: {  	_ =	shalt  }
0x59: {  	_ =	shalt  }
0x5a: {  	_ =	shalt  }
0x5b: {  	_ =	shalt  }
0x5c: {  	_ =	shalt  }
0x5d: {  	_ =	shalt  }
0x5e: {  	_ =	shalt  }
0x5f: {  	_ =	shalt  }
0x60: {  	_ =	shalt  }
0x61: {  	_ =	shalt  }
0x62: {  	_ =	shalt  }
0x63: {  	_ =	shalt  }
0x64: {  	_ =	shalt  }
0x65: {  	_ =	shalt  }
0x66: {  	_ =	shalt  }
0x67: {  	_ =	shalt  }
0x68: {  	_ =	shalt  }
0x69: {  	_ =	shalt  }
0x6a: {  	_ =	shalt  }
0x6b: {  	_ =	shalt  }
0x6c: {  	_ =	shalt  }
0x6d: {  	_ =	shalt  }
0x6e: {  	_ =	shalt  }
0x6f: {  	_ =	shalt  }
0x70: {  	_ =	shalt  }
0x71: {  	_ =	shalt  }
0x72: {  	_ =	shalt  }
0x73: {  	_ =	shalt  }
0x74: {  	_ =	shalt  }
0x75: {  	_ =	shalt  }
0x76: {  	_ =	shalt  }
0x77: {  	_ =	shalt  }
0x78: {  	_ =	shalt  }
0x79: {  	_ =	shalt  }
0x7a: {  	_ =	shalt  }
0x7b: {  	_ =	shalt  }
0x7c: {  	_ =	shalt  }
0x7d: {  	_ =	shalt  }
0x7e: {  	_ =	shalt  }
0x7f: {  	_ =	shalt  }
0x80: {  	_ =	shalt  }
0x81: {  	_ =	shalt  }
0x82: {  	_ =	shalt  }
0x83: {  	_ =	shalt  }
0x84: {  	_ =	shalt  }
0x85: {  	_ =	shalt  }
0x86: {  	_ =	shalt  }
0x87: {  	_ =	shalt  }
.Lfunc_end0:
.L_simem_size_0:
called_computation_lowered:
.L_overlay_start_0:
0x88: {  	s2 =	sld [smem:$0x3FD9]  }
0x89: {  	s3 =	sld [smem:$0x3FFE];
	_ =	sdelay $0x1  }
0x8a: {  	s1 =	srdreg.scid  }
0x8b: {  	s0 =	sand.u32 $0x1, s1  }
0x8c: {  	s16 =	sshll.u32 s0, $0xA;
	s2 =	sadd.s32 s3, s2  }
0x8d: {  	s2 =	sadd.s32 s2, s16  }
0x8e: {  	[smem:$0x3FBD] =	sst s2  }
0x8f: {  	_ = 	snop  }
0x90: {  	(tm) =	ssettm $0x1  }
0x91: {  	s17 =	sld [smem:$0x3FFB];
	_ =	sdelay $0x3  }
0x92: {  	_ =	strace s17  }
0x93: {  	s2 =	sld [smem:$0x3FFC];
	_ =	sdelay $0x3  }
0x94: {  	_ =	strace s2  }
0x95: {  	s2 =	sld [smem:$0x3FFD];
	_ =	sdelay $0x3  }
0x96: {  	_ =	strace s2  }
0x97: {  	_ =	strace $0x8FFFFFFF  }
0x98: {  	s18 =	sld [smem:$0x3FDB];
	_ =	sdelay $0x1  }
0x99: {  	s19 =	simm.s32 $_scs_section_size  }
0x9a: {  	s4 =	simm.s32 $_size__tile_overlayer_lowered;
	s5 =	simm.s32 $_tile_overlayer_lowered  }
0x9b: {  	s22 =	simm.s32 $0x1BFF;
	s21 =	sshll.u32 s5, $0x1;
	s2 =	sadd.s32 s19, s18  }
0x9c: {  	s6 =	simm.s32 $0x0;
	s20 =	sshll.u32 s4, $0x1;
	s4 =	sadd.s32 s21, s2  }
0x9d: {  	[timem:s6], [sflag:s22] =	dma.local [hbm:s4], s20  }
0x9e: {  	_ =	swait.ge [sflag:s22], s20  }
0x9f: {  	s3 =	ssub.s32 $0x0, s20;
	[sflag:s22] =	ssyncset.done $0x0  }
0xa0: {  	[sflag:s22] =	ssyncadd.s32 s3;
	_ =	sdelay $0x1  }
0xa1: {  	s23 =	simm.s32 $0x1B8B  }
0xa2: {  	_ =	swait.ge [sflag:s23], $0x1  }
0xa3: {  	[sflag:s23] =	ssyncset.done $0x0  }
0xa4: {  	s25 =	simm.s32 $0x1B8E;
	s24 =	sld [smem:$0x3FFE];
	[sflag:s23] =	ssyncadd.s32 $0xFFFFFFFF  }
0xa5: {  	s26 =	simm.s32 $execute0_lowered;
	[smem:$0x3FD2] =	sst s25  }
0xa6: {  	s4 =	sshll.u32 s26, $0x1;
	_ =	strace $0x80000046;
	[dreg:$0x1] =	wrdreg $0xFFFFFFFF  }
0xa7: {  	s28 =	simm.s32 $_size_execute0_lowered;
	s2 =	sadd.s32 s2, s4;
	[dreg:$0x0] =	wrdreg $0x0  }
0xa8: {  	s4 =	sshll.u32 s28, $0x1;
	[dreg:$0x2] =	wrdreg s2  }
0xa9: {  	[dreg:$0x3] =	wrdreg s4  }
0xaa: {  	[dreg:$0x4] =	wrdreg $0xC0  }
0xab: {  	_ =	task [dreg:s6], $0x5FFFF  }
0xac: {  	[dreg:$0x1] =	wrdreg $0xFFFFFFFF  }
0xad: {  	[dreg:$0x0] =	wrdreg $0x60  }
0xae: {  	[dreg:$0x2] =	wrdreg s24  }
0xaf: {  	[dreg:$0x3] =	wrdreg $0x44000  }
0xb0: {  	[dreg:$0x4] =	wrdreg $0x9  }
0xb1: {  	_ =	task.clear_ibuf [dreg:s6], $0x5FFFF;
	_ =	strace $0x90000046  }
0xb2: {  	s29 =	simm.s32 $0x9;
	_ =	strace $0x80000048  }
0xb3: {  	_ =	swait.ge [sflag:s29], $0x1  }
0xb4: {  	[sflag:s29] =	ssyncadd.s32 $0xFFFFFFFF  }
0xb5: {  	_ =	strace $0x90000048  }
0xb6: {  	_ =	sfence  }
0xb7: {  	s30 =	sld [smem:$0x0];
	_ =	sdelay $0x2  }
0xb8: {  	s31 =	sshll.u32 s1, $0xD;
	s1 =	sshrl.u32 s1, $0x2  }
0xb9: {  	s3 =	sand.u32 $0x4000, s31;
	s1 =	sadd.s32 s1, s30  }
0xba: {  	s0 =	sor.u32 s3, s0;
	s1 =	sshll.u32 s1, $0x11  }
0xbb: {  	s0 =	sor.u32 s1, s0  }
0xbc: {  	s0 =	sadd.s32 $0x8F2B, s0  }
0xbd: {  	[sflag:s0] =	ssyncadd.remote.s32 $0x1  }
0xbe: {  	_ =	sfence.sel $0xFFFF  }
0xbf: {  	[dreg:$0x0] =	wrdreg $0xFFFFFFFF;
	(pc) =	sbr.abs _section_cstart, $3  }
0xc0: {  	[dreg:$0x1] =	wrdreg $0xFFFFFFFF  }
0xc1: {  	_ =	task.clear_ibuf [dreg:s6], $0x2FFFF;
	_ =	strace $0x9FFFFFFF  }
0xc2: {  	(tm) =	ssettm $0x7FFFFFFF  }
0xc3: {  	_ =	shalt  }
tec
execute0_lowered:
.L_overlay_start_1:
0x0: {  	(tag) =	ssettag $0x1  }
0x1: {  	s1 =	srdreg.scid  }
0x2: {  	s0 =	stileid.u32;
	s7 =	rddreg [dreg:$0x0]  }
0x3: {  	s2 =	rddreg [dreg:$0x1];
	s3 =	simm.s32 $0x0;
	s13 =	simm.s32 $0x80  }
0x4: {  	s14 =	simm.s32 $0x100;
	s15 =	simm.s32 $0x180;
	s16 =	simm.s32 $0x200  }
0x5: {  	s17 =	simm.s32 $0x280;
	s18 =	simm.s32 $0x300;
	s19 =	simm.s32 $0x380  }
0x6: {  	s6 =	sand.u32 $0x1, s1;
	s4 =	smul.u32 $0x2800, s0;
	s1 =	rddreg [dreg:$0x2]  }
0x7: {  	s20 =	simm.s32 $0x0;
	[smem:$0x7FF] =	sst s3;
	s10 =	smul.u32 $0x50000, s0  }
0x8: {  	s11 =	sshll.u32 s0, $0x6;
	s5 =	smul.u32 $0x28000, s6;
	s6 =	ssub.s32 $0x2, s6  }
0x9: {  	_ =	strace $0x80000047;
	s11 =	sor.u32 $0x1C01, s11;
	s31 =	sshrl.u32 s6, $0x1  }
0xa: {  	s10 =	sshrl.u32 s10, $0x2;
	s8 =	sadd.s32 s4, s5;
	s5 =	sadd.s32 $0xD800, s7  }
0xb: {  	s12 =	sadd.s32 s10, s2;
	s10 =	simm.s32 $0x1;
	s4 =	sshrl.u32 s8, $0x3  }
0xc: {  	s9 =	sadd.s32 s4, s7;
	s4 =	sadd.s32 $0xD000, s7;
	s7 =	sadd.s32 s8, s7  }
0xd: {  	s12 =	sshrl.u32 s12, $0x3;
	s8 =	ssub.s32 s6, s31;
	s6 =	sadd.s32 $0x10000, s7  }
0xe: {  	s7 =	smax.u32 s8, $0x1;
	s8 =	sadd.s32 $0x3000, s9;
	s9 =	simm.s32 $0x400  }
.LBB2_1:
0xf: {  	[tilespmem:s9], [sflag:$0x1] =	stream.linear.gather [hbm4b:s4+s3], $0x4000, $0x38;
	[tilespmem:$0x18400] =	vst v63  }
0x10: {  	_ =	swait.ge [sflag:s10], $0x4000  }
0x11: {  	[sflag:s10] =	ssyncset.done $0x0  }
0x12: {  	[sflag:s10] =	ssyncadd.s32 $0xFFFFC000  }
0x13: {  	[spmem:s12], [sflag:s11] =	dma.local [hbm:s5], $0x2800  }
0x14: {  	_ =	swait.ge [sflag:s10], $0x2800  }
0x15: {  	[sflag:s10] =	ssyncset.done $0x0  }
0x16: {  	[sflag:s10] =	ssyncadd.s32 $0xFFFFD800  }
0x17: {  	s21 =	sadd.s32 $0x0, s8;
	[bflag:$0x0] =	sbarrier.arrive $0xFFFF  }
0x18: {  	[tilespmem:s3], [sflag:$0x1] =	stream.linear.gather [hbm4b:s21+s3], $0x400, $0x38;
	[tilespmem:$0x18400] =	vst v63  }
0x19: {  	_ =	swait.ge [sflag:s10], $0x400  }
0x1a: {  	[sflag:s10] =	ssyncset.done $0x0  }
0x1b: {  	[sflag:s10] =	ssyncadd.s32 $0xFFFFFC00  }
0x1c: {  	[spmem:s2] =	stream.indirect.scatter.add.f32 [tilespmem:s9], [sflag:$0x1], $0x80, s3, s13, $0xb8;
	[tilespmem:$0x18400] =	vst v63  }
0x1d: {  	_ =	swait.ge [sflag:s10], $0x4000  }
0x1e: {  	[sflag:s10] =	ssyncset.done $0x0  }
0x1f: {  	[sflag:s10] =	ssyncadd.s32 $0xFFFFC000  }
0x20: {  	[spmem:s2] =	stream.indirect.scatter.add.f32 [tilespmem:s9], [sflag:$0x1], $0x80, s13, s13, $0xb8;
	[tilespmem:$0x18400] =	vst v63  }
0x21: {  	_ =	swait.ge [sflag:s10], $0x4000  }
0x22: {  	[sflag:s10] =	ssyncset.done $0x0  }
0x23: {  	[sflag:s10] =	ssyncadd.s32 $0xFFFFC000  }
0x24: {  	[spmem:s2] =	stream.indirect.scatter.add.f32 [tilespmem:s9], [sflag:$0x1], $0x80, s14, s13, $0xb8;
	[tilespmem:$0x18400] =	vst v63  }
0x25: {  	_ =	swait.ge [sflag:s10], $0x4000  }
0x26: {  	[sflag:s10] =	ssyncset.done $0x0  }
0x27: {  	[sflag:s10] =	ssyncadd.s32 $0xFFFFC000  }
0x28: {  	[spmem:s2] =	stream.indirect.scatter.add.f32 [tilespmem:s9], [sflag:$0x1], $0x80, s15, s13, $0xb8;
	[tilespmem:$0x18400] =	vst v63  }
0x29: {  	_ =	swait.ge [sflag:s10], $0x4000  }
0x2a: {  	[sflag:s10] =	ssyncset.done $0x0  }
0x2b: {  	[sflag:s10] =	ssyncadd.s32 $0xFFFFC000  }
0x2c: {  	[spmem:s2] =	stream.indirect.scatter.add.f32 [tilespmem:s9], [sflag:$0x1], $0x80, s16, s13, $0xb8;
	[tilespmem:$0x18400] =	vst v63  }
0x2d: {  	_ =	swait.ge [sflag:s10], $0x4000  }
0x2e: {  	[sflag:s10] =	ssyncset.done $0x0  }
0x2f: {  	[sflag:s10] =	ssyncadd.s32 $0xFFFFC000  }
0x30: {  	[spmem:s2] =	stream.indirect.scatter.add.f32 [tilespmem:s9], [sflag:$0x1], $0x80, s17, s13, $0xb8;
	[tilespmem:$0x18400] =	vst v63  }
0x31: {  	_ =	swait.ge [sflag:s10], $0x4000  }
0x32: {  	[sflag:s10] =	ssyncset.done $0x0  }
0x33: {  	[sflag:s10] =	ssyncadd.s32 $0xFFFFC000  }
0x34: {  	[spmem:s2] =	stream.indirect.scatter.add.f32 [tilespmem:s9], [sflag:$0x1], $0x80, s18, s13, $0xb8;
	[tilespmem:$0x18400] =	vst v63  }
0x35: {  	_ =	swait.ge [sflag:s10], $0x4000  }
0x36: {  	[sflag:s10] =	ssyncset.done $0x0  }
0x37: {  	[sflag:s10] =	ssyncadd.s32 $0xFFFFC000  }
0x38: {  	[spmem:s2] =	stream.indirect.scatter.add.f32 [tilespmem:s9], [sflag:$0x1], $0x80, s19, s13, $0xb8;
	[tilespmem:$0x18400] =	vst v63  }
0x39: {  	_ =	swait.ge [sflag:s10], $0x4000  }
0x3a: {  	s23 =	simm.s32 $0x100;
	s21 =	simm.s32 $0x80;
	[sflag:s10] =	ssyncset.done $0x0  }
.LBB2_2:
0x3b: {  	s24 =	sadd.s32 s21, s8  }
0x3c: {  	[sflag:s10] =	ssyncadd.s32 $0xFFFFC000;
	s21 =	smov.u32 s23;
	s22 =	sadd.s32 $0x80, s23  }
0x3d: {  	[tilespmem:s3], [sflag:$0x1] =	stream.linear.gather [hbm4b:s24+s3], $0x400, $0x38;
	[tilespmem:$0x18400] =	vst v63  }
0x3e: {  	p0 =	sne.s32 s23, $0x480;
	_ =	swait.ge [sflag:s10], $0x400  }
0x3f: {  	[sflag:s10] =	ssyncset.done $0x0  }
0x40: {  	[sflag:s10] =	ssyncadd.s32 $0xFFFFFC00  }
0x41: {  	[spmem:s2] =	stream.indirect.scatter.add.f32 [tilespmem:s9], [sflag:$0x1], $0x80, s3, s13, $0xb8;
	[tilespmem:$0x18400] =	vst v63  }
0x42: {  	_ =	swait.ge [sflag:s10], $0x4000  }
0x43: {  	[sflag:s10] =	ssyncset.done $0x0  }
0x44: {  	[sflag:s10] =	ssyncadd.s32 $0xFFFFC000  }
0x45: {  	[spmem:s2] =	stream.indirect.scatter.add.f32 [tilespmem:s9], [sflag:$0x1], $0x80, s13, s13, $0xb8;
	[tilespmem:$0x18400] =	vst v63  }
0x46: {  	_ =	swait.ge [sflag:s10], $0x4000  }
0x47: {  	[sflag:s10] =	ssyncset.done $0x0  }
0x48: {  	[sflag:s10] =	ssyncadd.s32 $0xFFFFC000  }
0x49: {  	[spmem:s2] =	stream.indirect.scatter.add.f32 [tilespmem:s9], [sflag:$0x1], $0x80, s14, s13, $0xb8;
	[tilespmem:$0x18400] =	vst v63  }
0x4a: {  	_ =	swait.ge [sflag:s10], $0x4000  }
0x4b: {  	[sflag:s10] =	ssyncset.done $0x0  }
0x4c: {  	[sflag:s10] =	ssyncadd.s32 $0xFFFFC000  }
0x4d: {  	[spmem:s2] =	stream.indirect.scatter.add.f32 [tilespmem:s9], [sflag:$0x1], $0x80, s15, s13, $0xb8;
	[tilespmem:$0x18400] =	vst v63  }
0x4e: {  	_ =	swait.ge [sflag:s10], $0x4000  }
0x4f: {  	[sflag:s10] =	ssyncset.done $0x0  }
0x50: {  	[sflag:s10] =	ssyncadd.s32 $0xFFFFC000  }
0x51: {  	[spmem:s2] =	stream.indirect.scatter.add.f32 [tilespmem:s9], [sflag:$0x1], $0x80, s16, s13, $0xb8;
	[tilespmem:$0x18400] =	vst v63  }
0x52: {  	_ =	swait.ge [sflag:s10], $0x4000  }
0x53: {  	[sflag:s10] =	ssyncset.done $0x0  }
0x54: {  	[sflag:s10] =	ssyncadd.s32 $0xFFFFC000  }
0x55: {  	[spmem:s2] =	stream.indirect.scatter.add.f32 [tilespmem:s9], [sflag:$0x1], $0x80, s17, s13, $0xb8;
	[tilespmem:$0x18400] =	vst v63  }
0x56: {  	_ =	swait.ge [sflag:s10], $0x4000  }
0x57: {  	[sflag:s10] =	ssyncset.done $0x0  }
0x58: {  	[sflag:s10] =	ssyncadd.s32 $0xFFFFC000  }
0x59: {  	[spmem:s2] =	stream.indirect.scatter.add.f32 [tilespmem:s9], [sflag:$0x1], $0x80, s18, s13, $0xb8;
	[tilespmem:$0x18400] =	vst v63  }
0x5a: {  	_ =	swait.ge [sflag:s10], $0x4000  }
.Ltmp0:
0x5b: {  	[sflag:s10] =	ssyncset.done $0x0;
	(pc) =	sbr.rel @p0 .LBB2_2-.Ltmp0, $4  }
0x5c: {  	[sflag:s10] =	ssyncadd.s32 $0xFFFFC000  }
0x5d: {  	[spmem:s2] =	stream.indirect.scatter.add.f32 [tilespmem:s9], [sflag:$0x1], $0x80, s19, s13, $0xb8;
	[tilespmem:$0x18400] =	vst v63  }
0x5e: {  	_ =	swait.ge [sflag:s10], $0x4000  }
0x5f: {  	s23 =	smov.u32 s22;
	[sflag:s10] =	ssyncset.done $0x0  }
0x60: {  	s21 =	sadd.s32 s21, s8;
	[sflag:s10] =	ssyncadd.s32 $0xFFFFC000  }
0x61: {  	[tilespmem:s3], [sflag:$0x1] =	stream.linear.gather [hbm4b:s21+s3], $0x400, $0x38;
	[tilespmem:$0x18400] =	vst v63  }
0x62: {  	_ =	swait.ge [sflag:s10], $0x400  }
0x63: {  	[sflag:s10] =	ssyncset.done $0x0  }
0x64: {  	[sflag:s10] =	ssyncadd.s32 $0xFFFFFC00  }
0x65: {  	[spmem:s2] =	stream.indirect.scatter.add.f32 [tilespmem:s9], [sflag:$0x1], $0x80, s3, s13, $0xb8;
	[tilespmem:$0x18400] =	vst v63  }
0x66: {  	_ =	swait.ge [sflag:s10], $0x4000  }
0x67: {  	[sflag:s10] =	ssyncset.done $0x0  }
0x68: {  	[sflag:s10] =	ssyncadd.s32 $0xFFFFC000  }
0x69: {  	[spmem:s2] =	stream.indirect.scatter.add.f32 [tilespmem:s9], [sflag:$0x1], $0x80, s13, s13, $0xb8;
	[tilespmem:$0x18400] =	vst v63  }
0x6a: {  	_ =	swait.ge [sflag:s10], $0x4000  }
0x6b: {  	[sflag:s10] =	ssyncset.done $0x0  }
0x6c: {  	[sflag:s10] =	ssyncadd.s32 $0xFFFFC000  }
0x6d: {  	[spmem:s2] =	stream.indirect.scatter.add.f32 [tilespmem:s9], [sflag:$0x1], $0x80, s14, s13, $0xb8;
	[tilespmem:$0x18400] =	vst v63  }
0x6e: {  	_ =	swait.ge [sflag:s10], $0x4000  }
0x6f: {  	[sflag:s10] =	ssyncset.done $0x0  }
0x70: {  	[sflag:s10] =	ssyncadd.s32 $0xFFFFC000  }
0x71: {  	[spmem:s2] =	stream.indirect.scatter.add.f32 [tilespmem:s9], [sflag:$0x1], $0x80, s15, s13, $0xb8;
	[tilespmem:$0x18400] =	vst v63  }
0x72: {  	_ =	swait.ge [sflag:s10], $0x4000  }
0x73: {  	[sflag:s10] =	ssyncset.done $0x0  }
0x74: {  	[sflag:s10] =	ssyncadd.s32 $0xFFFFC000  }
0x75: {  	[spmem:s2] =	stream.indirect.scatter.add.f32 [tilespmem:s9], [sflag:$0x1], $0x80, s16, s13, $0xb8;
	[tilespmem:$0x18400] =	vst v63  }
0x76: {  	_ =	swait.ge [sflag:s10], $0x4000  }
0x77: {  	[sflag:s10] =	ssyncset.done $0x0  }
0x78: {  	[sflag:s10] =	ssyncadd.s32 $0xFFFFC000  }
0x79: {  	[spmem:s2] =	stream.indirect.scatter.add.f32 [tilespmem:s9], [sflag:$0x1], $0x80, s17, s13, $0xb8;
	[tilespmem:$0x18400] =	vst v63  }
0x7a: {  	_ =	swait.ge [sflag:s10], $0x4000  }
0x7b: {  	[sflag:s10] =	ssyncset.done $0x0  }
0x7c: {  	[sflag:s10] =	ssyncadd.s32 $0xFFFFC000  }
0x7d: {  	[spmem:s2] =	stream.indirect.scatter.add.f32 [tilespmem:s9], [sflag:$0x1], $0x80, s18, s13, $0xb8;
	[tilespmem:$0x18400] =	vst v63  }
0x7e: {  	_ =	swait.ge [sflag:s10], $0x4000  }
0x7f: {  	[sflag:s10] =	ssyncset.done $0x0  }
0x80: {  	[sflag:s10] =	ssyncadd.s32 $0xFFFFC000  }
0x81: {  	[spmem:s2] =	stream.indirect.scatter.add.f32 [tilespmem:s9], [sflag:$0x1], $0x80, s19, s13, $0xb8;
	[tilespmem:$0x18400] =	vst v63  }
0x82: {  	_ =	swait.ge [sflag:s10], $0x4000  }
0x83: {  	s20 =	sadd.s32 $0x1, s20;
	[sflag:s10] =	ssyncset.done $0x0  }
0x84: {  	p0 =	sne.s32 s20, s7;
	[sflag:s10] =	ssyncadd.s32 $0xFFFFC000  }
.Ltmp1:
0x85: {  	[bflag:$0x0] =	sbarrier.arrive $0xFFFF;
	(pc) =	sbr.rel @p0 .LBB2_1-.Ltmp1, $4  }
0x86: {  	[hbm:s6], [sflag:s11] =	dma.local [spmem:s12], $0x2800  }
0x87: {  	_ =	swait.ge [sflag:s10], $0x2800  }
0x88: {  	[sflag:s10] =	ssyncset.done $0x0  }
0x89: {  	[sflag:s10] =	ssyncadd.s32 $0xFFFFD800  }
0x8a: {  	_ =	sfence.sel $0x180000  }
0x8b: {  	[bflag:$0x0] =	sbarrier.arrive $0xFFFF  }
0x8c: {  	p0 =	sne.s32 s0, $0x0;
	_ =	strace $0x90000047  }
0x8d: {  	s0 =	sadd.s32 @!p0 $0x100000, s1;
	[bflag:$0x2] =	sbarrier.arrive $0xFFFF  }
0x8e: {  	[sflag:s0] =	ssyncadd.tile.s32 @!p0 $0x1;
	_ =	shalt  }
.Lfunc_end2:
_tile_overlayer_lowered:
.L_overlay_start_2:
0x8f: {  	(tag) =	ssettag $0x2  }
0x90: {  	s0 =	rddreg [dreg:$0x0];
	s2 =	stileid.u32  }
0x91: {  	s1 =	rddreg [dreg:$0x1];
	p0 =	sne.s32 s2, $0x0  }
0x92: {  	s3 =	rddreg [dreg:$0x2];
	[bflag:$0x3] =	sbarrier.arrive $0xFFFF;
	s2 =	simm.s32 @!p0 $0x1C01  }
0x93: {  	[timem:s3], [sflag:s2] =	dma.local @!p0 [hbm:s0], s1  }
0x94: {  	s0 =	simm.s32 @!p0 $0x1  }
0x95: {  	_ =	swait.ge @!p0 [sflag:s0], s1  }
0x96: {  	s1 =	ssub.s32 @!p0 $0x0, s1;
	[sflag:s0] =	ssyncset.done @!p0 $0x0  }
0x97: {  	[sflag:s0] =	ssyncadd.s32 @!p0 s1  }
0x98: {  	[bflag:$0x3] =	sbarrier.arrive $0xFFFF  }
0x99: {  	_ =	shalt  }

</sc_bundles>
